<compile_context>
chip_gen: v7x
topology: tpu7x:2x2x1
jax: 0.10.2.dev20260603
libtpu: 0.0.44.dev20260713+nightly
codegen_flags: <defaults>
</compile_context>

<pallas_src>
import functools

import jax
import jax.numpy as jnp
from jax import lax
from jax.experimental import pallas as pl
from jax.experimental.pallas import tpu as pltpu
from jax.experimental.pallas import tpu_sc as plsc

_L = 1024
_E = 16384
_G = 32
_B = 4
_N = 8
_C = 128
_NTILES = 32
_ROWS = _L // _NTILES
_SENT = 2 ** 30


def _sc_count_body(src_hbm, dst_hbm, c_hbm, src_v, dst_v, loc_v):
    wid = lax.axis_index("s") * 2 + lax.axis_index("c")
    base = wid * _ROWS

    pltpu.sync_copy(src_hbm, src_v)
    pltpu.sync_copy(dst_hbm, dst_v)

    zer = jnp.zeros((16,), jnp.float32)

    def zrow(r, carry):
        def zcol(j, carry2):
            loc_v[r, pl.ds(pl.multiple_of(j * 16, 16), 16)] = zer
            return carry2
        return lax.fori_loop(0, _L // 16, zcol, carry)
    lax.fori_loop(0, _ROWS, zrow, 0)

    lane = lax.iota(jnp.int32, 16)
    ones = jnp.ones((16,), jnp.float32)

    def edge(i, carry):
        off = pl.multiple_of(i * 16, 16)
        s = src_v[pl.ds(off, 16)]
        d = dst_v[pl.ds(off, 16)]
        r = d - base
        ok = (r >= 0) & (r < _ROWS)
        key = jnp.where(ok, r * _L + s, _SENT)
        ks, vs = plsc.sort_key_val(key, ones)
        for t in (1, 2, 4, 8):
            prev = jnp.maximum(lane - t, 0)
            kp = ks.at[prev].get(mode="promise_in_bounds")
            vp = vs.at[prev].get(mode="promise_in_bounds")
            vs = vs + jnp.where((lane >= t) & (kp == ks), vp, 0.0)
        nxt = ks.at[jnp.minimum(lane + 1, 15)].get(mode="promise_in_bounds")
        last = (ks != nxt) | (lane == 15)
        m = last & (ks < _ROWS * _L)
        row = jnp.where(m, ks >> 10, 0)
        col = jnp.where(m, ks & (_L - 1), 0)
        plsc.addupdate_scatter(loc_v, [row, col], vs, mask=m)
        return carry

    lax.fori_loop(0, _E // 16, edge, 0)
    pltpu.sync_copy(loc_v, c_hbm.at[pl.ds(base, _ROWS)])


@functools.cache
def _sc_count_call():
    mesh = plsc.VectorSubcoreMesh(
        core_axis_name="c", subcore_axis_name="s", num_cores=2, num_subcores=16)
    return pl.kernel(
        _sc_count_body,
        out_type=jax.ShapeDtypeStruct((_L, _L), jnp.float32),
        mesh=mesh,
        compiler_params=pltpu.CompilerParams(needs_layout_passes=False),
        scratch_types=[
            pltpu.VMEM((_E,), jnp.int32),
            pltpu.VMEM((_E,), jnp.int32),
            pltpu.VMEM((_ROWS, _L), jnp.float32),
        ],
    )


def _xw_body(x_ref, w_ref, o_ref):
    o_ref[0] = lax.dot_general(
        x_ref[0], w_ref[...], (((0,), (0,)), ((), ())),
        preferred_element_type=jnp.float32).astype(jnp.bfloat16)


_xw_call = pl.pallas_call(
    _xw_body,
    grid=(_G,),
    in_specs=[
        pl.BlockSpec((1, _C, _L), lambda i: (i, 0, 0)),
        pl.BlockSpec((_C, _C), lambda i: (0, 0)),
    ],
    out_specs=pl.BlockSpec((1, _L, _C), lambda i: (i, 0, 0)),
    out_shape=jax.ShapeDtypeStruct((_G, _L, _C), jnp.bfloat16),
)


_BAT = 8
_NSTEP = _G // _BAT
_WIN = _N // _BAT


def _tree_reduce(xs, op):
    while len(xs) > 1:
        xs = [op(xs[j], xs[j + 1]) if j + 1 < len(xs) else xs[j]
          for j in range(0, len(xs), 2)]
    return xs[0]


def _row_batch_tail(i, half, ys, y_ref, xm_ref, st_ref):
    for k in range(_BAT):
        y_ref[k] = ys[k]

    @pl.when(i == 0)
    def _():
        st_ref[...] = jnp.zeros((4, _C), jnp.float32)

    sy = _tree_reduce(list(ys), lambda a, b: a + b)
    sq = _tree_reduce([y * y for y in ys], lambda a, b: a + b)
    st_ref[0:1] = st_ref[0:1] + jnp.sum(sy, axis=0, keepdims=True)
    st_ref[1:2] = st_ref[1:2] + jnp.sum(sq, axis=0, keepdims=True)

    mx = _tree_reduce(list(ys), jnp.maximum)

    if _WIN == 1:
        xm_ref[0] = mx
        st_ref[2:3] = st_ref[2:3] + jnp.sum(mx, axis=0, keepdims=True)
        st_ref[3:4] = st_ref[3:4] + jnp.sum(mx * mx, axis=0, keepdims=True)
    else:
        @pl.when(half == 0)
        def _():
            xm_ref[0] = mx

        @pl.when(half != 0)
        def _():
            m = jnp.maximum(xm_ref[0], mx)
            xm_ref[0] = m
            st_ref[2:3] = st_ref[2:3] + jnp.sum(m, axis=0, keepdims=True)
            st_ref[3:4] = st_ref[3:4] + jnp.sum(m * m, axis=0, keepdims=True)


def _conv1_body(t_ref, c_ref, b_ref, y_ref, xm_ref, st_ref, cbf_ref, dn_ref):
    i = pl.program_id(0)
    half = lax.rem(i, _WIN)

    @pl.when(i == 0)
    def _():
        cf = c_ref[...]
        cbf_ref[...] = cf.astype(jnp.bfloat16)
        ones_col = jnp.ones((_L, 1), jnp.float32)
        deg = jnp.dot(cf, ones_col, preferred_element_type=jnp.float32) + 2.0
        dn_ref[...] = jnp.concatenate([lax.rsqrt(deg), 2.0 / deg], axis=1)

    cm = cbf_ref[...]

    dis = dn_ref[:, 0:1]
    nl = dn_ref[:, 1:2]
    ts = [t_ref[k].astype(jnp.float32) for k in range(_BAT)]
    u = jnp.concatenate([t * dis for t in ts], axis=1).astype(jnp.bfloat16)
    v = jnp.dot(cm, u, preferred_element_type=jnp.float32)
    ys = [v[:, k * _C:(k + 1) * _C] * dis + ts[k] * nl + b_ref[...]
          for k in range(_BAT)]
    _row_batch_tail(i, half, ys, y_ref, xm_ref, st_ref)


_conv1_call = pl.pallas_call(
    _conv1_body,
    grid=(_NSTEP,),
    in_specs=[
        pl.BlockSpec((_BAT, _L, _C), lambda i: (i, 0, 0)),
        pl.BlockSpec((_L, _L), lambda i: (0, 0)),
        pl.BlockSpec((1, _C), lambda i: (0, 0)),
    ],
    out_specs=[
        pl.BlockSpec((_BAT, _L, _C), lambda i: (i, 0, 0)),
        pl.BlockSpec((1, _L, _C), lambda i: (i // _WIN, 0, 0)),
        pl.BlockSpec((4, _C), lambda i: (0, 0)),
        pl.BlockSpec((_L, _L), lambda i: (0, 0)),
    ],
    out_shape=[
        jax.ShapeDtypeStruct((_G, _L, _C), jnp.float32),
        jax.ShapeDtypeStruct((_B, _L, _C), jnp.float32),
        jax.ShapeDtypeStruct((4, _C), jnp.float32),
        jax.ShapeDtypeStruct((_L, _L), jnp.bfloat16),
    ],
    scratch_shapes=[pltpu.VMEM((_L, 2), jnp.float32)],
)


def _bn_coeffs_rows(st, gb_ref):
    inv_y = 1.0 / (_G * _L)
    inv_m = 1.0 / (_B * _L)
    mean_y = st[0:1] * inv_y
    var_y = st[1:2] * inv_y - mean_y * mean_y
    sc_y = gb_ref[0:1, 0:_C] * lax.rsqrt(var_y + 1e-5)
    sh_y = gb_ref[1:2, 0:_C] - sc_y * mean_y
    mean_m = st[2:3] * inv_m
    var_m = st[3:4] * inv_m - mean_m * mean_m
    sc_m = gb_ref[0:1, _C:2 * _C] * lax.rsqrt(var_m + 1e-5)
    sh_m = gb_ref[1:2, _C:2 * _C] - sc_m * mean_m
    return sc_y, sh_y, sc_m, sh_m


def _stage2_body(y0_ref, xm0_ref, st0_ref, gb_ref, w_ref, c_ref, b_ref,
                 y_ref, xm_ref, st_ref, dn_ref):
    i = pl.program_id(0)
    half = lax.rem(i, _WIN)
    cm = c_ref[...]

    @pl.when(i == 0)
    def _():
        ones_col = jnp.ones((_L, 1), jnp.bfloat16)
        deg = jnp.dot(cm, ones_col, preferred_element_type=jnp.float32) + 2.0
        dn_ref[...] = jnp.concatenate([lax.rsqrt(deg), 2.0 / deg], axis=1)

    sc_y, sh_y, sc_m, sh_m = _bn_coeffs_rows(st0_ref[...], gb_ref)
    wm = w_ref[...].astype(jnp.bfloat16)
    mn = jnp.maximum(xm0_ref[0] * sc_m + sh_m, 0.0).astype(jnp.bfloat16)
    tm = jnp.dot(mn, wm[_C:2 * _C], preferred_element_type=jnp.float32)
    ts = []
    for k in range(_BAT):
        yn = jnp.maximum(y0_ref[k] * sc_y + sh_y, 0.0).astype(jnp.bfloat16)
        ts.append(jnp.dot(yn, wm[0:_C], preferred_element_type=jnp.float32)
                  + tm)

    dis = dn_ref[:, 0:1]
    nl = dn_ref[:, 1:2]
    u = jnp.concatenate([t * dis for t in ts], axis=1).astype(jnp.bfloat16)
    v = jnp.dot(cm, u, preferred_element_type=jnp.float32)
    ys = [v[:, k * _C:(k + 1) * _C] * dis + ts[k] * nl + b_ref[...]
          for k in range(_BAT)]
    _row_batch_tail(i, half, ys, y_ref, xm_ref, st_ref)


_stage2_call = pl.pallas_call(
    _stage2_body,
    grid=(_NSTEP,),
    in_specs=[
        pl.BlockSpec((_BAT, _L, _C), lambda i: (i, 0, 0)),
        pl.BlockSpec((1, _L, _C), lambda i: (i // _WIN, 0, 0)),
        pl.BlockSpec((4, _C), lambda i: (0, 0)),
        pl.BlockSpec((2, 2 * _C), lambda i: (0, 0)),
        pl.BlockSpec((2 * _C, _C), lambda i: (0, 0)),
        pl.BlockSpec((_L, _L), lambda i: (0, 0)),
        pl.BlockSpec((1, _C), lambda i: (0, 0)),
    ],
    out_specs=[
        pl.BlockSpec((_BAT, _L, _C), lambda i: (i, 0, 0)),
        pl.BlockSpec((1, _L, _C), lambda i: (i // _WIN, 0, 0)),
        pl.BlockSpec((4, _C), lambda i: (0, 0)),
    ],
    out_shape=[
        jax.ShapeDtypeStruct((_G, _L, _C), jnp.float32),
        jax.ShapeDtypeStruct((_B, _L, _C), jnp.float32),
        jax.ShapeDtypeStruct((4, _C), jnp.float32),
    ],
    scratch_shapes=[pltpu.VMEM((_L, 2), jnp.float32)],
)


def _stage3_body(y0_ref, xm0_ref, st0_ref, gb_ref, w_ref, c_ref, b_ref,
                 y_ref, xm_ref, st_ref, dn_ref):
    i = pl.program_id(0)
    half = lax.rem(i, _WIN)
    cm = c_ref[...]

    @pl.when(i == 0)
    def _():
        ones_row = jnp.ones((1, _L), jnp.bfloat16)
        deg = lax.dot_general(ones_row, cm, (((1,), (1,)), ((), ())),
                              preferred_element_type=jnp.float32) + 2.0
        dn_ref[...] = jnp.concatenate([lax.rsqrt(deg), 2.0 / deg], axis=0)

    sc_y, sh_y, sc_m, sh_m = _bn_coeffs_rows(st0_ref[...], gb_ref)
    wm = w_ref[...].astype(jnp.bfloat16)
    mn = jnp.maximum(xm0_ref[0] * sc_m + sh_m, 0.0).astype(jnp.bfloat16)
    tm = lax.dot_general(wm[_C:2 * _C], mn, (((0,), (1,)), ((), ())),
                         preferred_element_type=jnp.float32)
    dis = dn_ref[0:1, :]
    nl = dn_ref[1:2, :]
    ts = []
    for k in range(_BAT):
        yn = jnp.maximum(y0_ref[k] * sc_y + sh_y, 0.0).astype(jnp.bfloat16)
        ts.append(lax.dot_general(wm[0:_C], yn, (((0,), (1,)), ((), ())),
                                  preferred_element_type=jnp.float32) + tm)

    u = jnp.concatenate([t * dis for t in ts], axis=0).astype(jnp.bfloat16)
    v = lax.dot_general(u, cm, (((1,), (1,)), ((), ())),
                        preferred_element_type=jnp.float32)
    ys = [v[k * _C:(k + 1) * _C, :] * dis + ts[k] * nl + b_ref[...]
          for k in range(_BAT)]
    for k in range(_BAT):
        y_ref[k] = ys[k]

    @pl.when(i == 0)
    def _():
        st_ref[...] = jnp.zeros((_C, 4), jnp.float32)

    sy = _tree_reduce(list(ys), lambda a, b: a + b)
    sq = _tree_reduce([y * y for y in ys], lambda a, b: a + b)
    st_ref[:, 0:1] = st_ref[:, 0:1] + jnp.sum(sy, axis=1, keepdims=True)
    st_ref[:, 1:2] = st_ref[:, 1:2] + jnp.sum(sq, axis=1, keepdims=True)

    mx = _tree_reduce(list(ys), jnp.maximum)

    if _WIN == 1:
        xm_ref[0] = mx
        st_ref[:, 2:3] = st_ref[:, 2:3] + jnp.sum(mx, axis=1, keepdims=True)
        st_ref[:, 3:4] = st_ref[:, 3:4] + jnp.sum(mx * mx, axis=1, keepdims=True)
    else:
        @pl.when(half == 0)
        def _():
            xm_ref[0] = mx

        @pl.when(half != 0)
        def _():
            m = jnp.maximum(xm_ref[0], mx)
            xm_ref[0] = m
            st_ref[:, 2:3] = st_ref[:, 2:3] + jnp.sum(m, axis=1, keepdims=True)
            st_ref[:, 3:4] = st_ref[:, 3:4] + jnp.sum(m * m, axis=1, keepdims=True)


_stage3_call = pl.pallas_call(
    _stage3_body,
    grid=(_NSTEP,),
    in_specs=[
        pl.BlockSpec((_BAT, _L, _C), lambda i: (i, 0, 0)),
        pl.BlockSpec((1, _L, _C), lambda i: (i // _WIN, 0, 0)),
        pl.BlockSpec((4, _C), lambda i: (0, 0)),
        pl.BlockSpec((2, 2 * _C), lambda i: (0, 0)),
        pl.BlockSpec((2 * _C, _C), lambda i: (0, 0)),
        pl.BlockSpec((_L, _L), lambda i: (0, 0)),
        pl.BlockSpec((_C, 1), lambda i: (0, 0)),
    ],
    out_specs=[
        pl.BlockSpec((_BAT, _C, _L), lambda i: (i, 0, 0)),
        pl.BlockSpec((1, _C, _L), lambda i: (i // _WIN, 0, 0)),
        pl.BlockSpec((_C, 4), lambda i: (0, 0)),
    ],
    out_shape=[
        jax.ShapeDtypeStruct((_G, _C, _L), jnp.float32),
        jax.ShapeDtypeStruct((_B, _C, _L), jnp.float32),
        jax.ShapeDtypeStruct((_C, 4), jnp.float32),
    ],
    scratch_shapes=[pltpu.VMEM((2, _L), jnp.float32)],
)


def _final_body(y_ref, xm_ref, st_ref, gb_ref, o_ref):
    st = st_ref[...]
    inv_y = 1.0 / (_G * _L)
    inv_m = 1.0 / (_B * _L)
    mean_y = st[:, 0:1] * inv_y
    var_y = st[:, 1:2] * inv_y - mean_y * mean_y
    sc_y = gb_ref[0:_C, 0:1] * lax.rsqrt(var_y + 1e-5)
    sh_y = gb_ref[0:_C, 1:2] - sc_y * mean_y
    mean_m = st[:, 2:3] * inv_m
    var_m = st[:, 3:4] * inv_m - mean_m * mean_m
    sc_m = gb_ref[_C:2 * _C, 0:1] * lax.rsqrt(var_m + 1e-5)
    sh_m = gb_ref[_C:2 * _C, 1:2] - sc_m * mean_m
    mo = jnp.maximum(xm_ref[0] * sc_m + sh_m, 0.0)
    for k in range(_BAT):
        o_ref[k, 0:_C, :] = jnp.maximum(y_ref[k] * sc_y + sh_y, 0.0)
        o_ref[k, _C:2 * _C, :] = mo


_final_call = pl.pallas_call(
    _final_body,
    grid=(_NSTEP,),
    in_specs=[
        pl.BlockSpec((_BAT, _C, _L), lambda i: (i, 0, 0)),
        pl.BlockSpec((1, _C, _L), lambda i: (i // _WIN, 0, 0)),
        pl.BlockSpec((_C, 4), lambda i: (0, 0)),
        pl.BlockSpec((2 * _C, 2), lambda i: (0, 0)),
    ],
    out_specs=pl.BlockSpec((_BAT, 2 * _C, _L), lambda i: (i, 0, 0)),
    out_shape=jax.ShapeDtypeStruct((_G, 2 * _C, _L), jnp.float32),
)


def kernel(x, edge_index, W1, b1, W2, b2, W3, b3, g1, be1, g2, be2, g3, be3):
    src = edge_index[0].astype(jnp.int32)
    dst = edge_index[1].astype(jnp.int32)
    cmat = _sc_count_call()(src, dst)

    t1 = _xw_call(x.reshape(_G, _C, _L), W1)
    y1, xm1, st1, cbf = _conv1_call(t1, cmat, b1.reshape(1, _C))
    y2, xm2, st2 = _stage2_call(y1, xm1, st1, jnp.stack([g1, be1]), W2, cbf,
                                b2.reshape(1, _C))
    y3, xm3, st3 = _stage3_call(y2, xm2, st2, jnp.stack([g2, be2]), W3, cbf,
                                b3.reshape(_C, 1))
    return _final_call(y3, xm3, st3, jnp.stack([g3, be3], axis=1))

# --- scband reference (transcript-rebuilt; emitter-appended) ---
"""Pipeline reference for scband-aittala-gcn1d-block-11751030522225 (READ-ONLY COPY).

The authoritative reference and input builder live on the scoring server;
editing this copy changes nothing except your own understanding.
"""

import jax, jax.numpy as jnp
import numpy as np

CH = (128, 128, 128, 128)
B, N, L, E = 4, 8, 1024, 16384


def _xavier(k, fi, fo):
    std = (2.0 / (fi + fo)) ** 0.5
    return std * jax.random.normal(k, (fi, fo), dtype=jnp.float32)


def setup_inputs(seed: int = 0):
    key = jax.random.key(seed)
    ks = jax.random.split(key, 8)
    c0, c1, c2, c3 = CH
    return {
        "x": jax.random.normal(ks[0], (B, N, c0, L), dtype=jnp.float32),
        "edge_index": jax.random.randint(ks[1], (2, E), 0, L).astype(jnp.int64),
        "W1": _xavier(ks[2], c0, c1), "b1": jnp.zeros((c1,), jnp.float32),
        "W2": _xavier(ks[3], 2 * c1, c2), "b2": jnp.zeros((c2,), jnp.float32),
        "W3": _xavier(ks[4], 2 * c2, c3), "b3": jnp.zeros((c3,), jnp.float32),
        "g1": jnp.ones((2 * c1,), jnp.float32), "be1": jnp.zeros((2 * c1,), jnp.float32),
        "g2": jnp.ones((2 * c2,), jnp.float32), "be2": jnp.zeros((2 * c2,), jnp.float32),
        "g3": jnp.ones((2 * c3,), jnp.float32), "be3": jnp.zeros((2 * c3,), jnp.float32),
    }


def _gcn_norm(edge_index, n):
    # GCNConv(improved=True): A_hat = A + 2I, sym-normalized
    src, dst = edge_index[0], edge_index[1]
    deg = jnp.zeros((n,), jnp.float32).at[dst].add(1.0) + 2.0
    dis = jax.lax.rsqrt(deg)
    return src, dst, dis[src] * dis[dst], 2.0 * dis * dis


def _gcn_conv(xg, src, dst, ne, nl, W, b):
    # xg: [G, L, Cin] ; batched graphs sharing one edge_index
    xw = xg @ W
    msg = xw[:, src, :] * ne[None, :, None]
    agg = jnp.zeros_like(xw).at[:, dst, :].add(msg)
    agg = agg + xw * nl[None, :, None]
    return agg + b[None, None, :]


def _stage(x4, src, dst, ne, nl, W, bb, g, be, cout):
    b_, n_, c_, l_ = x4.shape
    xg = x4.reshape(b_ * n_, c_, l_).transpose(0, 2, 1)  # Data(x=t.T)
    out = _gcn_conv(xg, src, dst, ne, nl, W, bb)  # [G, L, cout]
    x = out.transpose(0, 2, 1).reshape(b_, n_, cout, l_)
    xmax = jnp.max(x, axis=1, keepdims=True)
    x = jnp.concatenate([x, jnp.broadcast_to(xmax, x.shape)], axis=2)
    flat = x.reshape(b_ * n_, 2 * cout, l_)
    # BatchNorm1d (training-mode batch stats, eps=1e-5, biased var)
    mean = flat.mean(axis=(0, 2), keepdims=True)
    var = flat.var(axis=(0, 2), keepdims=True)
    flat = g[None, :, None] * (flat - mean) / jnp.sqrt(var + 1e-5) + be[None, :, None]
    return jax.nn.relu(flat)


def reference(x, edge_index, W1, b1, W2, b2, W3, b3, g1, be1, g2, be2, g3, be3):
    c0, c1, c2, c3 = CH
    src, dst, ne, nl = _gcn_norm(edge_index, L)
    h = _stage(x, src, dst, ne, nl, W1, b1, g1, be1, c1).reshape(B, N, 2 * c1, L)
    h = _stage(h, src, dst, ne, nl, W2, b2, g2, be2, c2).reshape(B, N, 2 * c2, L)
    h = _stage(h, src, dst, ne, nl, W3, b3, g3, be3, c3)
    return h  # [B*N, 2*c3, L]

if __name__ == "__main__":
    import jax
    _d = setup_inputs()
    print(jax.jit(kernel)(*tuple(_d.values())))

</pallas_src>

<mosaic_0001>
#map = affine_map<(d0, d1) -> (0)>
#map1 = affine_map<(d0, d1) -> (0, 0)>
module attributes {stable_mosaic.version = 14 : i64} {
  func.func @_sc_count_body(%arg0: i32, %arg1: i32, %arg2: memref<16384xi32, #tpu.memory_space<hbm>>, %arg3: memref<16384xi32, #tpu.memory_space<hbm>>, %arg4: memref<1024x1024xf32, #tpu.memory_space<hbm>>, %arg5: memref<16384xi32, #tpu.memory_space<vmem>>, %arg6: memref<16384xi32, #tpu.memory_space<vmem>>, %arg7: memref<32x1024xf32, #tpu.memory_space<vmem>>) attributes {dimension_semantics = [#tpu.dimension_semantics<core_parallel>, #tpu.dimension_semantics<subcore_parallel>], iteration_bounds = array<i64: 2, 16>, scalar_prefetch = 0 : i64, scratch_operands = 3 : i64, tpu.core_type = #tpu.core_type<sc_vector_subcore>, window_params = [{transform_indices = #map}, {transform_indices = #map}, {transform_indices = #map1}]} {
    %mul3A = arith.constant 2 : i32
    %mul3A_0 = arith.muli %arg1, %mul3A : i32
    %add3A = arith.addi %mul3A_0, %arg0 : i32
    %mul3A_1 = arith.constant 32 : i32
    %mul3A_2 = arith.muli %add3A, %mul3A_1 : i32
    "tpu.region"() ({
      %run_scoped3A = tpu.sem_alloc : memref<!tpu.dma_semaphore, #tpu.memory_space<semaphore_mem>>
      tpu.enqueue_dma source(%arg2 : memref<16384xi32, #tpu.memory_space<hbm>>) target(%arg5 : memref<16384xi32, #tpu.memory_space<vmem>>) target_semaphore(%run_scoped3A : memref<!tpu.dma_semaphore, #tpu.memory_space<semaphore_mem>>)
      tpu.wait_dma2 semaphore(%run_scoped3A : memref<!tpu.dma_semaphore, #tpu.memory_space<semaphore_mem>>) src(%arg2 : memref<16384xi32, #tpu.memory_space<hbm>>) dst(%arg5 : memref<16384xi32, #tpu.memory_space<vmem>>)
      tpu.yield
    }) : () -> ()
    "tpu.region"() ({
      %run_scoped3A = tpu.sem_alloc : memref<!tpu.dma_semaphore, #tpu.memory_space<semaphore_mem>>
      tpu.enqueue_dma source(%arg3 : memref<16384xi32, #tpu.memory_space<hbm>>) target(%arg6 : memref<16384xi32, #tpu.memory_space<vmem>>) target_semaphore(%run_scoped3A : memref<!tpu.dma_semaphore, #tpu.memory_space<semaphore_mem>>)
      tpu.wait_dma2 semaphore(%run_scoped3A : memref<!tpu.dma_semaphore, #tpu.memory_space<semaphore_mem>>) src(%arg3 : memref<16384xi32, #tpu.memory_space<hbm>>) dst(%arg6 : memref<16384xi32, #tpu.memory_space<vmem>>)
      tpu.yield
    }) : () -> ()
    %broadcast_in_dim3A = arith.constant 0.000000e+00 : f32
    %broadcast_in_dim3A_3 = vector.broadcast %broadcast_in_dim3A : f32 to vector<16xf32>
    %scan3A = arith.constant 0 : i32
    %scan3A_4 = arith.constant 0 : i32
    %scan3A_5 = arith.constant 32 : i32
    %scan3A_6 = arith.addi %scan3A_4, %scan3A_5 : i32
    %scan3A_7 = arith.constant 1 : i32
    scf.for %scan3A_17 = %scan3A_4 to %scan3A_6 step %scan3A_7  : i32 {
      %scan3A_18 = arith.constant 0 : i32
      %scan3A_19 = arith.constant 64 : i32
      %scan3A_20 = arith.addi %scan3A_18, %scan3A_19 : i32
      %scan3A_21 = arith.constant 1 : i32
      scf.for %scan3A_23 = %scan3A_18 to %scan3A_20 step %scan3A_21  : i32 {
        %mul3A_24 = arith.constant 16 : i32
        %mul3A_25 = arith.muli %scan3A_23, %mul3A_24 : i32
        %multiple_of3A = tpu.assume_multiple %mul3A_25, 16 : i32
        %swap3A = arith.index_cast %scan3A_17 : i32 to index
        %swap3A_26 = arith.index_cast %multiple_of3A : i32 to index
        %swap3A_27 = tpu.vector_load %arg7[%swap3A, %swap3A_26] {strides = array<i32>} : memref<32x1024xf32, #tpu.memory_space<vmem>>, vector<16xf32>,
        tpu.vector_store %arg7[%swap3A, %swap3A_26], %broadcast_in_dim3A_3 {strides = array<i32>} : memref<32x1024xf32, #tpu.memory_space<vmem>>, vector<16xf32>,
      }
      %scan3A_22 = arith.constant 64 : i32
    }
    %scan3A_8 = arith.constant 32 : i32
    %iota3A = tpu.iota {dimensions = array<i32: 0>} : vector<16xi32>
    %broadcast_in_dim3A_9 = arith.constant 1.000000e+00 : f32
    %broadcast_in_dim3A_10 = vector.broadcast %broadcast_in_dim3A_9 : f32 to vector<16xf32>
    %scan3A_11 = arith.constant 0 : i32
    %scan3A_12 = arith.constant 0 : i32
    %scan3A_13 = arith.constant 1024 : i32
    %scan3A_14 = arith.addi %scan3A_12, %scan3A_13 : i32
    %scan3A_15 = arith.constant 1 : i32
    scf.for %scan3A_17 = %scan3A_12 to %scan3A_14 step %scan3A_15  : i32 {
      %mul3A_18 = arith.constant 16 : i32
      %mul3A_19 = arith.muli %scan3A_17, %mul3A_18 : i32
      %multiple_of3A = tpu.assume_multiple %mul3A_19, 16 : i32
      %get3A = arith.index_cast %multiple_of3A : i32 to index
      %get3A_20 = tpu.vector_load %arg5[%get3A] {strides = array<i32>} : memref<16384xi32, #tpu.memory_space<vmem>>, vector<16xi32>,
      %get3A_21 = arith.index_cast %multiple_of3A : i32 to index
      %get3A_22 = tpu.vector_load %arg6[%get3A_21] {strides = array<i32>} : memref<16384xi32, #tpu.memory_space<vmem>>, vector<16xi32>,
      %sub3A = vector.broadcast %mul3A_2 : i32 to vector<16xi32>
      %sub3A_23 = arith.subi %get3A_22, %sub3A : vector<16xi32>
      %ge3A = arith.constant 0 : i32
      %ge3A_24 = vector.broadcast %ge3A : i32 to vector<16xi32>
      %ge3A_25 = arith.cmpi sge, %sub3A_23, %ge3A_24 : vector<16xi32>
      %lt3A = arith.constant 32 : i32
      %lt3A_26 = vector.broadcast %lt3A : i32 to vector<16xi32>
      %lt3A_27 = arith.cmpi slt, %sub3A_23, %lt3A_26 : vector<16xi32>
      %and3A = arith.andi %ge3A_25, %lt3A_27 : vector<16xi1>
      %mul3A_28 = arith.constant 1024 : i32
      %mul3A_29 = vector.broadcast %mul3A_28 : i32 to vector<16xi32>
      %mul3A_30 = arith.muli %sub3A_23, %mul3A_29 : vector<16xi32>
      %add3A_31 = arith.addi %mul3A_30, %get3A_20 : vector<16xi32>
      %jit3A = arith.constant 1073741824 : i32
      %broadcast_in_dim3A_32 = vector.broadcast %jit3A : i32 to vector<16xi32>
      %select_n3A = arith.select %and3A, %add3A_31, %broadcast_in_dim3A_32 : vector<16xi1>, vector<16xi32>
      %masked_sort3A = arith.constant dense<true> : vector<16xi1>
      %masked_sort3A_33 = arith.constant -2147483648 : i32
      %masked_sort3A_34 = vector.broadcast %masked_sort3A_33 : i32 to vector<16xi32>
      %masked_sort3A_35 = arith.xori %select_n3A, %masked_sort3A_34 : vector<16xi32>
      %masked_sort3A_36, %masked_sort3A_37, %masked_sort3A_38 = tpu.sort %masked_sort3A_35, %broadcast_in_dim3A_10 masked %masked_sort3A : (vector<16xi32>, vector<16xf32>, vector<16xi1>) -> (vector<16xi1>, vector<16xi32>, vector<16xf32>)
      %masked_sort3A_39 = arith.xori %masked_sort3A_37, %masked_sort3A_34 : vector<16xi32>
      %sub3A_40 = arith.constant 1 : i32
      %sub3A_41 = vector.broadcast %sub3A_40 : i32 to vector<16xi32>
      %sub3A_42 = arith.subi %iota3A, %sub3A_41 : vector<16xi32>
      %max3A = arith.constant 0 : i32
      %max3A_43 = vector.broadcast %max3A : i32 to vector<16xi32>
      %max3A_44 = arith.maxsi %sub3A_42, %max3A_43 : vector<16xi32>
      %lt3A_45 = arith.constant 0 : i32
      %lt3A_46 = vector.broadcast %lt3A_45 : i32 to vector<16xi32>
      %lt3A_47 = arith.cmpi slt, %max3A_44, %lt3A_46 : vector<16xi32>
      %add3A_48 = arith.constant 16 : i32
      %add3A_49 = vector.broadcast %add3A_48 : i32 to vector<16xi32>
      %add3A_50 = arith.addi %max3A_44, %add3A_49 : vector<16xi32>
      %select_n3A_51 = arith.select %lt3A_47, %add3A_50, %max3A_44 : vector<16xi1>, vector<16xi32>
      %broadcast_in_dim3A_52 = vector.shape_cast %select_n3A_51 : vector<16xi32> to vector<16x1xi32>
      %gather3A = vector.shape_cast %broadcast_in_dim3A_52 : vector<16x1xi32> to vector<16xi32>
      %gather3A_53 = tpu.dynamic_gather %masked_sort3A_39[%gather3A] in [0] : vector<16xi32>, vector<16xi32> -> vector<16xi32>
      %lt3A_54 = arith.constant 0 : i32
      %lt3A_55 = vector.broadcast %lt3A_54 : i32 to vector<16xi32>
      %lt3A_56 = arith.cmpi slt, %max3A_44, %lt3A_55 : vector<16xi32>
      %add3A_57 = arith.constant 16 : i32
      %add3A_58 = vector.broadcast %add3A_57 : i32 to vector<16xi32>
      %add3A_59 = arith.addi %max3A_44, %add3A_58 : vector<16xi32>
      %select_n3A_60 = arith.select %lt3A_56, %add3A_59, %max3A_44 : vector<16xi1>, vector<16xi32>
      %broadcast_in_dim3A_61 = vector.shape_cast %select_n3A_60 : vector<16xi32> to vector<16x1xi32>
      %gather3A_62 = vector.shape_cast %broadcast_in_dim3A_61 : vector<16x1xi32> to vector<16xi32>
      %gather3A_63 = tpu.dynamic_gather %masked_sort3A_38[%gather3A_62] in [0] : vector<16xf32>, vector<16xi32> -> vector<16xf32>
      %ge3A_64 = arith.constant 1 : i32
      %ge3A_65 = vector.broadcast %ge3A_64 : i32 to vector<16xi32>
      %ge3A_66 = arith.cmpi sge, %iota3A, %ge3A_65 : vector<16xi32>
      %eq3A = arith.cmpi eq, %gather3A_53, %masked_sort3A_39 : vector<16xi32>
      %and3A_67 = arith.andi %ge3A_66, %eq3A : vector<16xi1>
      %jit3A_68 = arith.constant 0.000000e+00 : f32
      %broadcast_in_dim3A_69 = vector.broadcast %jit3A_68 : f32 to vector<16xf32>
      %select_n3A_70 = arith.select %and3A_67, %gather3A_63, %broadcast_in_dim3A_69 : vector<16xi1>, vector<16xf32>
      %add3A_71 = arith.addf %masked_sort3A_38, %select_n3A_70 : vector<16xf32>
      %sub3A_72 = arith.constant 2 : i32
      %sub3A_73 = vector.broadcast %sub3A_72 : i32 to vector<16xi32>
      %sub3A_74 = arith.subi %iota3A, %sub3A_73 : vector<16xi32>
      %max3A_75 = arith.constant 0 : i32
      %max3A_76 = vector.broadcast %max3A_75 : i32 to vector<16xi32>
      %max3A_77 = arith.maxsi %sub3A_74, %max3A_76 : vector<16xi32>
      %lt3A_78 = arith.constant 0 : i32
      %lt3A_79 = vector.broadcast %lt3A_78 : i32 to vector<16xi32>
      %lt3A_80 = arith.cmpi slt, %max3A_77, %lt3A_79 : vector<16xi32>
      %add3A_81 = arith.constant 16 : i32
      %add3A_82 = vector.broadcast %add3A_81 : i32 to vector<16xi32>
      %add3A_83 = arith.addi %max3A_77, %add3A_82 : vector<16xi32>
      %select_n3A_84 = arith.select %lt3A_80, %add3A_83, %max3A_77 : vector<16xi1>, vector<16xi32>
      %broadcast_in_dim3A_85 = vector.shape_cast %select_n3A_84 : vector<16xi32> to vector<16x1xi32>
      %gather3A_86 = vector.shape_cast %broadcast_in_dim3A_85 : vector<16x1xi32> to vector<16xi32>
      %gather3A_87 = tpu.dynamic_gather %masked_sort3A_39[%gather3A_86] in [0] : vector<16xi32>, vector<16xi32> -> vector<16xi32>
      %lt3A_88 = arith.constant 0 : i32
      %lt3A_89 = vector.broadcast %lt3A_88 : i32 to vector<16xi32>
      %lt3A_90 = arith.cmpi slt, %max3A_77, %lt3A_89 : vector<16xi32>
      %add3A_91 = arith.constant 16 : i32
      %add3A_92 = vector.broadcast %add3A_91 : i32 to vector<16xi32>
      %add3A_93 = arith.addi %max3A_77, %add3A_92 : vector<16xi32>
      %select_n3A_94 = arith.select %lt3A_90, %add3A_93, %max3A_77 : vector<16xi1>, vector<16xi32>
      %broadcast_in_dim3A_95 = vector.shape_cast %select_n3A_94 : vector<16xi32> to vector<16x1xi32>
      %gather3A_96 = vector.shape_cast %broadcast_in_dim3A_95 : vector<16x1xi32> to vector<16xi32>
      %gather3A_97 = tpu.dynamic_gather %add3A_71[%gather3A_96] in [0] : vector<16xf32>, vector<16xi32> -> vector<16xf32>
      %ge3A_98 = arith.constant 2 : i32
      %ge3A_99 = vector.broadcast %ge3A_98 : i32 to vector<16xi32>
      %ge3A_100 = arith.cmpi sge, %iota3A, %ge3A_99 : vector<16xi32>
      %eq3A_101 = arith.cmpi eq, %gather3A_87, %masked_sort3A_39 : vector<16xi32>
      %and3A_102 = arith.andi %ge3A_100, %eq3A_101 : vector<16xi1>
      %jit3A_103 = arith.constant 0.000000e+00 : f32
      %broadcast_in_dim3A_104 = vector.broadcast %jit3A_103 : f32 to vector<16xf32>
      %select_n3A_105 = arith.select %and3A_102, %gather3A_97, %broadcast_in_dim3A_104 : vector<16xi1>, vector<16xf32>
      %add3A_106 = arith.addf %add3A_71, %select_n3A_105 : vector<16xf32>
      %sub3A_107 = arith.constant 4 : i32
      %sub3A_108 = vector.broadcast %sub3A_107 : i32 to vector<16xi32>
      %sub3A_109 = arith.subi %iota3A, %sub3A_108 : vector<16xi32>
      %max3A_110 = arith.constant 0 : i32
      %max3A_111 = vector.broadcast %max3A_110 : i32 to vector<16xi32>
      %max3A_112 = arith.maxsi %sub3A_109, %max3A_111 : vector<16xi32>
      %lt3A_113 = arith.constant 0 : i32
      %lt3A_114 = vector.broadcast %lt3A_113 : i32 to vector<16xi32>
      %lt3A_115 = arith.cmpi slt, %max3A_112, %lt3A_114 : vector<16xi32>
      %add3A_116 = arith.constant 16 : i32
      %add3A_117 = vector.broadcast %add3A_116 : i32 to vector<16xi32>
      %add3A_118 = arith.addi %max3A_112, %add3A_117 : vector<16xi32>
      %select_n3A_119 = arith.select %lt3A_115, %add3A_118, %max3A_112 : vector<16xi1>, vector<16xi32>
      %broadcast_in_dim3A_120 = vector.shape_cast %select_n3A_119 : vector<16xi32> to vector<16x1xi32>
      %gather3A_121 = vector.shape_cast %broadcast_in_dim3A_120 : vector<16x1xi32> to vector<16xi32>
      %gather3A_122 = tpu.dynamic_gather %masked_sort3A_39[%gather3A_121] in [0] : vector<16xi32>, vector<16xi32> -> vector<16xi32>
      %lt3A_123 = arith.constant 0 : i32
      %lt3A_124 = vector.broadcast %lt3A_123 : i32 to vector<16xi32>
      %lt3A_125 = arith.cmpi slt, %max3A_112, %lt3A_124 : vector<16xi32>
      %add3A_126 = arith.constant 16 : i32
      %add3A_127 = vector.broadcast %add3A_126 : i32 to vector<16xi32>
      %add3A_128 = arith.addi %max3A_112, %add3A_127 : vector<16xi32>
      %select_n3A_129 = arith.select %lt3A_125, %add3A_128, %max3A_112 : vector<16xi1>, vector<16xi32>
      %broadcast_in_dim3A_130 = vector.shape_cast %select_n3A_129 : vector<16xi32> to vector<16x1xi32>
      %gather3A_131 = vector.shape_cast %broadcast_in_dim3A_130 : vector<16x1xi32> to vector<16xi32>
      %gather3A_132 = tpu.dynamic_gather %add3A_106[%gather3A_131] in [0] : vector<16xf32>, vector<16xi32> -> vector<16xf32>
      %ge3A_133 = arith.constant 4 : i32
      %ge3A_134 = vector.broadcast %ge3A_133 : i32 to vector<16xi32>
      %ge3A_135 = arith.cmpi sge, %iota3A, %ge3A_134 : vector<16xi32>
      %eq3A_136 = arith.cmpi eq, %gather3A_122, %masked_sort3A_39 : vector<16xi32>
      %and3A_137 = arith.andi %ge3A_135, %eq3A_136 : vector<16xi1>
      %jit3A_138 = arith.constant 0.000000e+00 : f32
      %broadcast_in_dim3A_139 = vector.broadcast %jit3A_138 : f32 to vector<16xf32>
      %select_n3A_140 = arith.select %and3A_137, %gather3A_132, %broadcast_in_dim3A_139 : vector<16xi1>, vector<16xf32>
      %add3A_141 = arith.addf %add3A_106, %select_n3A_140 : vector<16xf32>
      %sub3A_142 = arith.constant 8 : i32
      %sub3A_143 = vector.broadcast %sub3A_142 : i32 to vector<16xi32>
      %sub3A_144 = arith.subi %iota3A, %sub3A_143 : vector<16xi32>
      %max3A_145 = arith.constant 0 : i32
      %max3A_146 = vector.broadcast %max3A_145 : i32 to vector<16xi32>
      %max3A_147 = arith.maxsi %sub3A_144, %max3A_146 : vector<16xi32>
      %lt3A_148 = arith.constant 0 : i32
      %lt3A_149 = vector.broadcast %lt3A_148 : i32 to vector<16xi32>
      %lt3A_150 = arith.cmpi slt, %max3A_147, %lt3A_149 : vector<16xi32>
      %add3A_151 = arith.constant 16 : i32
      %add3A_152 = vector.broadcast %add3A_151 : i32 to vector<16xi32>
      %add3A_153 = arith.addi %max3A_147, %add3A_152 : vector<16xi32>
      %select_n3A_154 = arith.select %lt3A_150, %add3A_153, %max3A_147 : vector<16xi1>, vector<16xi32>
      %broadcast_in_dim3A_155 = vector.shape_cast %select_n3A_154 : vector<16xi32> to vector<16x1xi32>
      %gather3A_156 = vector.shape_cast %broadcast_in_dim3A_155 : vector<16x1xi32> to vector<16xi32>
      %gather3A_157 = tpu.dynamic_gather %masked_sort3A_39[%gather3A_156] in [0] : vector<16xi32>, vector<16xi32> -> vector<16xi32>
      %lt3A_158 = arith.constant 0 : i32
      %lt3A_159 = vector.broadcast %lt3A_158 : i32 to vector<16xi32>
      %lt3A_160 = arith.cmpi slt, %max3A_147, %lt3A_159 : vector<16xi32>
      %add3A_161 = arith.constant 16 : i32
      %add3A_162 = vector.broadcast %add3A_161 : i32 to vector<16xi32>
      %add3A_163 = arith.addi %max3A_147, %add3A_162 : vector<16xi32>
      %select_n3A_164 = arith.select %lt3A_160, %add3A_163, %max3A_147 : vector<16xi1>, vector<16xi32>
      %broadcast_in_dim3A_165 = vector.shape_cast %select_n3A_164 : vector<16xi32> to vector<16x1xi32>
      %gather3A_166 = vector.shape_cast %broadcast_in_dim3A_165 : vector<16x1xi32> to vector<16xi32>
      %gather3A_167 = tpu.dynamic_gather %add3A_141[%gather3A_166] in [0] : vector<16xf32>, vector<16xi32> -> vector<16xf32>
      %ge3A_168 = arith.constant 8 : i32
      %ge3A_169 = vector.broadcast %ge3A_168 : i32 to vector<16xi32>
      %ge3A_170 = arith.cmpi sge, %iota3A, %ge3A_169 : vector<16xi32>
      %eq3A_171 = arith.cmpi eq, %gather3A_157, %masked_sort3A_39 : vector<16xi32>
      %and3A_172 = arith.andi %ge3A_170, %eq3A_171 : vector<16xi1>
      %jit3A_173 = arith.constant 0.000000e+00 : f32
      %broadcast_in_dim3A_174 = vector.broadcast %jit3A_173 : f32 to vector<16xf32>
      %select_n3A_175 = arith.select %and3A_172, %gather3A_167, %broadcast_in_dim3A_174 : vector<16xi1>, vector<16xf32>
      %add3A_176 = arith.addf %add3A_141, %select_n3A_175 : vector<16xf32>
      %add3A_177 = arith.constant 1 : i32
      %add3A_178 = vector.broadcast %add3A_177 : i32 to vector<16xi32>
      %add3A_179 = arith.addi %iota3A, %add3A_178 : vector<16xi32>
      %min3A = arith.constant 15 : i32
      %min3A_180 = vector.broadcast %min3A : i32 to vector<16xi32>
      %min3A_181 = arith.minsi %add3A_179, %min3A_180 : vector<16xi32>
      %lt3A_182 = arith.constant 0 : i32
      %lt3A_183 = vector.broadcast %lt3A_182 : i32 to vector<16xi32>
      %lt3A_184 = arith.cmpi slt, %min3A_181, %lt3A_183 : vector<16xi32>
      %add3A_185 = arith.constant 16 : i32
      %add3A_186 = vector.broadcast %add3A_185 : i32 to vector<16xi32>
      %add3A_187 = arith.addi %min3A_181, %add3A_186 : vector<16xi32>
      %select_n3A_188 = arith.select %lt3A_184, %add3A_187, %min3A_181 : vector<16xi1>, vector<16xi32>
      %broadcast_in_dim3A_189 = vector.shape_cast %select_n3A_188 : vector<16xi32> to vector<16x1xi32>
      %gather3A_190 = vector.shape_cast %broadcast_in_dim3A_189 : vector<16x1xi32> to vector<16xi32>
      %gather3A_191 = tpu.dynamic_gather %masked_sort3A_39[%gather3A_190] in [0] : vector<16xi32>, vector<16xi32> -> vector<16xi32>
      %ne3A = arith.cmpi ne, %masked_sort3A_39, %gather3A_191 : vector<16xi32>
      %eq3A_192 = arith.constant 15 : i32
      %eq3A_193 = vector.broadcast %eq3A_192 : i32 to vector<16xi32>
      %eq3A_194 = arith.cmpi eq, %iota3A, %eq3A_193 : vector<16xi32>
      %or3A = arith.ori %ne3A, %eq3A_194 : vector<16xi1>
      %lt3A_195 = arith.constant 32768 : i32
      %lt3A_196 = vector.broadcast %lt3A_195 : i32 to vector<16xi32>
      %lt3A_197 = arith.cmpi slt, %masked_sort3A_39, %lt3A_196 : vector<16xi32>
      %and3A_198 = arith.andi %or3A, %lt3A_197 : vector<16xi1>
      %shift_right_arithmetic3A = arith.constant 10 : i32
      %shift_right_arithmetic3A_199 = vector.broadcast %shift_right_arithmetic3A : i32 to vector<16xi32>
      %shift_right_arithmetic3A_200 = arith.shrsi %masked_sort3A_39, %shift_right_arithmetic3A_199 : vector<16xi32>
      %jit3A_201 = arith.constant 0 : i32
      %broadcast_in_dim3A_202 = vector.broadcast %jit3A_201 : i32 to vector<16xi32>
      %select_n3A_203 = arith.select %and3A_198, %shift_right_arithmetic3A_200, %broadcast_in_dim3A_202 : vector<16xi1>, vector<16xi32>
      %and3A_204 = arith.constant 1023 : i32
      %and3A_205 = vector.broadcast %and3A_204 : i32 to vector<16xi32>
      %and3A_206 = arith.andi %masked_sort3A_39, %and3A_205 : vector<16xi32>
      %jit3A_207 = arith.constant 0 : i32
      %broadcast_in_dim3A_208 = vector.broadcast %jit3A_207 : i32 to vector<16xi32>
      %select_n3A_209 = arith.select %and3A_198, %and3A_206, %broadcast_in_dim3A_208 : vector<16xi1>, vector<16xi32>
      tpu.vector_store_idx %arg7[%select_n3A_203, %select_n3A_209], %add3A_176 masked %and3A_198 {add = true} : memref<32x1024xf32, #tpu.memory_space<vmem>>[vector<16xi32>, vector<16xi32>], vector<16xf32>, vector<16xi1>
    }
    %scan3A_16 = arith.constant 1024 : i32
    "tpu.region"() ({
      %run_scoped3A = tpu.sem_alloc : memref<!tpu.dma_semaphore, #tpu.memory_space<semaphore_mem>>
      %dma_start3A = arith.constant 0 : i32
      %dma_start3A_17 = tpu.memref_slice %arg4[%mul3A_2, %dma_start3A] : memref<1024x1024xf32, #tpu.memory_space<hbm>> -> memref<32x1024xf32, #tpu.memory_space<hbm>>
      %dma_start3A_18 = arith.constant 0 : i32
      %dma_start3A_19 = tpu.memref_slice %arg4[%mul3A_2, %dma_start3A_18] : memref<1024x1024xf32, #tpu.memory_space<hbm>> -> memref<32x1024xf32, #tpu.memory_space<hbm>>
      tpu.enqueue_dma source(%arg7 : memref<32x1024xf32, #tpu.memory_space<vmem>>) target(%dma_start3A_19 : memref<32x1024xf32, #tpu.memory_space<hbm>>) target_semaphore(%run_scoped3A : memref<!tpu.dma_semaphore, #tpu.memory_space<semaphore_mem>>)
      %dma_wait3A = arith.constant 0 : i32
      %dma_wait3A_20 = tpu.memref_slice %arg4[%mul3A_2, %dma_wait3A] : memref<1024x1024xf32, #tpu.memory_space<hbm>> -> memref<32x1024xf32, #tpu.memory_space<hbm>>
      %dma_wait3A_21 = arith.constant 0 : i32
      %dma_wait3A_22 = tpu.memref_slice %arg4[%mul3A_2, %dma_wait3A_21] : memref<1024x1024xf32, #tpu.memory_space<hbm>> -> memref<32x1024xf32, #tpu.memory_space<hbm>>
      tpu.wait_dma2 semaphore(%run_scoped3A : memref<!tpu.dma_semaphore, #tpu.memory_space<semaphore_mem>>) src(%arg7 : memref<32x1024xf32, #tpu.memory_space<vmem>>) dst(%dma_wait3A_22 : memref<32x1024xf32, #tpu.memory_space<hbm>>)
      tpu.yield
    }) : () -> ()
    return
  }
}

module attributes {stable_mosaic.version = 14 : i64} {
  func.func @_xw_body(%arg0: i32, %arg1: memref<1x128x1024xf32, #tpu.memory_space<vmem>>, %arg2: memref<128x128xf32, #tpu.memory_space<vmem>>, %arg3: memref<1x1024x128xbf16, #tpu.memory_space<vmem>>) attributes {dimension_semantics = [#tpu.dimension_semantics<arbitrary>], iteration_bounds = array<i64: 32>, scalar_prefetch = 0 : i64, scratch_operands = 0 : i64, tpu.core_type = #tpu.core_type<tc>, window_params = [{transform_indices = @transform_0, window_bounds = array<i64: 1, 128, 1024>}, {pipeline_mode = #tpu.pipeline_mode<synchronous>, transform_indices = @transform_1, window_bounds = array<i64: 128, 128>}, {transform_indices = @transform_2, window_bounds = array<i64: 1, 1024, 128>}]} {
    %get3A = arith.constant 0 : index
    %get3A_0 = arith.constant 0 : index
    %get3A_1 = arith.constant 0 : index
    %get3A_2 = vector.load %arg1[%get3A, %get3A_0, %get3A_1] : memref<1x128x1024xf32, #tpu.memory_space<vmem>>, vector<1x128x1024xf32>
    %get3A_3 = vector.shape_cast %get3A_2 : vector<1x128x1024xf32> to vector<128x1024xf32>
    %get3A_4 = arith.constant 0 : index
    %get3A_5 = arith.constant 0 : index
    %get3A_6 = vector.load %arg2[%get3A_4, %get3A_5] : memref<128x128xf32, #tpu.memory_space<vmem>>, vector<128x128xf32>
    %dot_general3A = arith.constant dense<0.000000e+00> : vector<1024x128xf32>
    %dot_general3A_7 = tpu.matmul %get3A_3, %get3A_6, %dot_general3A {dimension_numbers = #tpu.dot_dimension_numbers<[0], [0], [1], [1], [0, 1, 1, 1], [], []>, transpose_lhs_hint = false} : vector<128x1024xf32>, vector<128x128xf32>, vector<1024x128xf32> -> vector<1024x128xf32>
    %convert_element_type3A = arith.truncf %dot_general3A_7 : vector<1024x128xf32> to vector<1024x128xbf16>
    %swap3A = arith.constant 0 : index
    %swap3A_8 = arith.constant 0 : index
    %swap3A_9 = arith.constant 0 : index
    %swap3A_10 = vector.load %arg3[%swap3A, %swap3A_8, %swap3A_9] : memref<1x1024x128xbf16, #tpu.memory_space<vmem>>, vector<1x1024x128xbf16>
    %swap3A_11 = vector.shape_cast %swap3A_10 : vector<1x1024x128xbf16> to vector<1024x128xbf16>
    %swap3A_12 = vector.shape_cast %convert_element_type3A : vector<1024x128xbf16> to vector<1x1024x128xbf16>
    tpu.vector_store %arg3[%swap3A, %swap3A_8, %swap3A_9], %swap3A_12 {strides = array<i32>} : memref<1x1024x128xbf16, #tpu.memory_space<vmem>>, vector<1x1024x128xbf16>,
    return
  }
  func.func @transform_0(%arg0: i32) -> (i32, i32, i32) {
    %c0_i32 = arith.constant 0 : i32
    %c0_i32_0 = arith.constant 0 : i32
    %c0_i32_1 = arith.constant 0 : i32
    return %arg0, %c0_i32, %c0_i32_0 : i32, i32, i32
  }
  func.func @transform_1(%arg0: i32) -> (i32, i32) {
    %c0_i32 = arith.constant 0 : i32
    %c0_i32_0 = arith.constant 0 : i32
    %c0_i32_1 = arith.constant 0 : i32
    return %c0_i32, %c0_i32_0 : i32, i32
  }
  func.func @transform_2(%arg0: i32) -> (i32, i32, i32) {
    %c0_i32 = arith.constant 0 : i32
    %c0_i32_0 = arith.constant 0 : i32
    %c0_i32_1 = arith.constant 0 : i32
    return %arg0, %c0_i32, %c0_i32_0 : i32, i32, i32
  }
}

module attributes {stable_mosaic.version = 14 : i64} {
  func.func @_stage3_body(%arg0: i32, %arg1: memref<8x1024x128xf32, #tpu.memory_space<vmem>>, %arg2: memref<1x1024x128xf32, #tpu.memory_space<vmem>>, %arg3: memref<4x128xf32, #tpu.memory_space<vmem>>, %arg4: memref<2x256xf32, #tpu.memory_space<vmem>>, %arg5: memref<256x128xf32, #tpu.memory_space<vmem>>, %arg6: memref<1024x1024xbf16, #tpu.memory_space<vmem>>, %arg7: memref<128x1xf32, #tpu.memory_space<vmem>>, %arg8: memref<8x128x1024xf32, #tpu.memory_space<vmem>>, %arg9: memref<1x128x1024xf32, #tpu.memory_space<vmem>>, %arg10: memref<128x4xf32, #tpu.memory_space<vmem>>, %arg11: memref<2x1024xf32, #tpu.memory_space<vmem>>) attributes {dimension_semantics = [#tpu.dimension_semantics<arbitrary>], iteration_bounds = array<i64: 4>, scalar_prefetch = 0 : i64, scratch_operands = 1 : i64, tpu.core_type = #tpu.core_type<tc>, window_params = [{transform_indices = @transform_0, window_bounds = array<i64: 8, 1024, 128>}, {transform_indices = @transform_1, window_bounds = array<i64: 1, 1024, 128>}, {pipeline_mode = #tpu.pipeline_mode<synchronous>, transform_indices = @transform_2, window_bounds = array<i64: 4, 128>}, {pipeline_mode = #tpu.pipeline_mode<synchronous>, transform_indices = @transform_3, window_bounds = array<i64: 2, 256>}, {pipeline_mode = #tpu.pipeline_mode<synchronous>, transform_indices = @transform_4, window_bounds = array<i64: 256, 128>}, {pipeline_mode = #tpu.pipeline_mode<synchronous>, transform_indices = @transform_5, window_bounds = array<i64: 1024, 1024>}, {pipeline_mode = #tpu.pipeline_mode<synchronous>, transform_indices = @transform_6, window_bounds = array<i64: 128, 1>}, {transform_indices = @transform_7, window_bounds = array<i64: 8, 128, 1024>}, {transform_indices = @transform_8, window_bounds = array<i64: 1, 128, 1024>}, {pipeline_mode = #tpu.pipeline_mode<synchronous>, transform_indices = @transform_9, window_bounds = array<i64: 128, 4>}]} {
    %get3A = arith.constant 0 : index
    %get3A_0 = arith.constant 0 : index
    %get3A_1 = vector.load %arg6[%get3A, %get3A_0] : memref<1024x1024xbf16, #tpu.memory_space<vmem>>, vector<1024x1024xbf16>
    %eq3A = arith.constant 0 : i32
    %eq3A_2 = arith.cmpi eq, %arg0, %eq3A : i32
    %convert_element_type3A = arith.extui %eq3A_2 : i1 to i32
    %cond3A = arith.constant 0 : i32
    %cond3A_3 = arith.cmpi ne, %convert_element_type3A, %cond3A : i32
    scf.if %cond3A_3 {
      %broadcast_in_dim3A_441 = arith.constant 1.000000e+00 : bf16
      %broadcast_in_dim3A_442 = vector.broadcast %broadcast_in_dim3A_441 : bf16 to vector<1x1024xbf16>
      %dot_general3A_443 = arith.constant dense<0.000000e+00> : vector<1x1024xf32>
      %dot_general3A_444 = tpu.matmul %broadcast_in_dim3A_442, %get3A_1, %dot_general3A_443 {dimension_numbers = #tpu.dot_dimension_numbers<[1], [1], [0], [0], [0, 0, 1, 0], [], []>, transpose_lhs_hint = false} : vector<1x1024xbf16>, vector<1024x1024xbf16>, vector<1x1024xf32> -> vector<1x1024xf32>
      %add3A_445 = arith.constant 2.000000e+00 : f32
      %add3A_446 = vector.broadcast %add3A_445 : f32 to vector<1x1024xf32>
      %add3A_447 = arith.addf %dot_general3A_444, %add3A_446 : vector<1x1024xf32>
      %rsqrt3A_448 = math.rsqrt %add3A_447 : vector<1x1024xf32>
      %div3A = arith.constant 2.000000e+00 : f32
      %div3A_449 = vector.broadcast %div3A : f32 to vector<1x1024xf32>
      %div3A_450 = arith.divf %div3A_449, %add3A_447 : vector<1x1024xf32>
      %concatenate3A_451 = tpu.concatenate %rsqrt3A_448, %div3A_450 in 0 : vector<1x1024xf32>, vector<1x1024xf32> -> vector<2x1024xf32>
      %swap3A_452 = arith.constant 0 : index
      %swap3A_453 = arith.constant 0 : index
      %swap3A_454 = vector.load %arg11[%swap3A_452, %swap3A_453] : memref<2x1024xf32, #tpu.memory_space<vmem>>, vector<2x1024xf32>
      tpu.vector_store %arg11[%swap3A_452, %swap3A_453], %concatenate3A_451 {strides = array<i32>} : memref<2x1024xf32, #tpu.memory_space<vmem>>, vector<2x1024xf32>,
    } else {
    }
    %get3A_4 = arith.constant 0 : index
    %get3A_5 = arith.constant 0 : index
    %get3A_6 = vector.load %arg3[%get3A_4, %get3A_5] : memref<4x128xf32, #tpu.memory_space<vmem>>, vector<4x128xf32>
    %slice3A = vector.extract_strided_slice %get3A_6 {offsets = [0, 0], sizes = [1, 128], strides = [1, 1]} : vector<4x128xf32> to vector<1x128xf32>
    %mul3A = arith.constant 3.05175781E-5 : f32
    %mul3A_7 = vector.broadcast %mul3A : f32 to vector<1x128xf32>
    %mul3A_8 = arith.mulf %slice3A, %mul3A_7 : vector<1x128xf32>
    %slice3A_9 = vector.extract_strided_slice %get3A_6 {offsets = [1, 0], sizes = [1, 128], strides = [1, 1]} : vector<4x128xf32> to vector<1x128xf32>
    %mul3A_10 = arith.constant 3.05175781E-5 : f32
    %mul3A_11 = vector.broadcast %mul3A_10 : f32 to vector<1x128xf32>
    %mul3A_12 = arith.mulf %slice3A_9, %mul3A_11 : vector<1x128xf32>
    %mul3A_13 = arith.mulf %mul3A_8, %mul3A_8 : vector<1x128xf32>
    %sub3A = arith.subf %mul3A_12, %mul3A_13 : vector<1x128xf32>
    %get3A_14 = arith.constant 0 : index
    %get3A_15 = arith.constant 0 : index
    %get3A_16 = vector.load %arg4[%get3A_14, %get3A_15] : memref<2x256xf32, #tpu.memory_space<vmem>>, vector<1x128xf32>
    %add3A = arith.constant 9.99999974E-6 : f32
    %add3A_17 = vector.broadcast %add3A : f32 to vector<1x128xf32>
    %add3A_18 = arith.addf %sub3A, %add3A_17 : vector<1x128xf32>
    %rsqrt3A = math.rsqrt %add3A_18 : vector<1x128xf32>
    %mul3A_19 = arith.mulf %get3A_16, %rsqrt3A : vector<1x128xf32>
    %get3A_20 = arith.constant 1 : index
    %get3A_21 = arith.constant 0 : index
    %get3A_22 = vector.load %arg4[%get3A_20, %get3A_21] : memref<2x256xf32, #tpu.memory_space<vmem>>, vector<1x128xf32>
    %mul3A_23 = arith.mulf %mul3A_19, %mul3A_8 : vector<1x128xf32>
    %sub3A_24 = arith.subf %get3A_22, %mul3A_23 : vector<1x128xf32>
    %slice3A_25 = vector.extract_strided_slice %get3A_6 {offsets = [2, 0], sizes = [1, 128], strides = [1, 1]} : vector<4x128xf32> to vector<1x128xf32>
    %mul3A_26 = arith.constant 2.44140625E-4 : f32
    %mul3A_27 = vector.broadcast %mul3A_26 : f32 to vector<1x128xf32>
    %mul3A_28 = arith.mulf %slice3A_25, %mul3A_27 : vector<1x128xf32>
    %slice3A_29 = vector.extract_strided_slice %get3A_6 {offsets = [3, 0], sizes = [1, 128], strides = [1, 1]} : vector<4x128xf32> to vector<1x128xf32>
    %mul3A_30 = arith.constant 2.44140625E-4 : f32
    %mul3A_31 = vector.broadcast %mul3A_30 : f32 to vector<1x128xf32>
    %mul3A_32 = arith.mulf %slice3A_29, %mul3A_31 : vector<1x128xf32>
    %mul3A_33 = arith.mulf %mul3A_28, %mul3A_28 : vector<1x128xf32>
    %sub3A_34 = arith.subf %mul3A_32, %mul3A_33 : vector<1x128xf32>
    %get3A_35 = arith.constant 0 : index
    %get3A_36 = arith.constant 128 : index
    %get3A_37 = vector.load %arg4[%get3A_35, %get3A_36] : memref<2x256xf32, #tpu.memory_space<vmem>>, vector<1x128xf32>
    %add3A_38 = arith.constant 9.99999974E-6 : f32
    %add3A_39 = vector.broadcast %add3A_38 : f32 to vector<1x128xf32>
    %add3A_40 = arith.addf %sub3A_34, %add3A_39 : vector<1x128xf32>
    %rsqrt3A_41 = math.rsqrt %add3A_40 : vector<1x128xf32>
    %mul3A_42 = arith.mulf %get3A_37, %rsqrt3A_41 : vector<1x128xf32>
    %get3A_43 = arith.constant 1 : index
    %get3A_44 = arith.constant 128 : index
    %get3A_45 = vector.load %arg4[%get3A_43, %get3A_44] : memref<2x256xf32, #tpu.memory_space<vmem>>, vector<1x128xf32>
    %mul3A_46 = arith.mulf %mul3A_42, %mul3A_28 : vector<1x128xf32>
    %sub3A_47 = arith.subf %get3A_45, %mul3A_46 : vector<1x128xf32>
    %get3A_48 = arith.constant 0 : index
    %get3A_49 = arith.constant 0 : index
    %get3A_50 = vector.load %arg5[%get3A_48, %get3A_49] : memref<256x128xf32, #tpu.memory_space<vmem>>, vector<256x128xf32>
    %convert_element_type3A_51 = arith.truncf %get3A_50 : vector<256x128xf32> to vector<256x128xbf16>
    %get3A_52 = arith.constant 0 : index
    %get3A_53 = arith.constant 0 : index
    %get3A_54 = arith.constant 0 : index
    %get3A_55 = vector.load %arg2[%get3A_52, %get3A_53, %get3A_54] : memref<1x1024x128xf32, #tpu.memory_space<vmem>>, vector<1x1024x128xf32>
    %get3A_56 = vector.shape_cast %get3A_55 : vector<1x1024x128xf32> to vector<1024x128xf32>
    %mul3A_57 = vector.broadcast %mul3A_42 : vector<1x128xf32> to vector<1024x128xf32>
    %mul3A_58 = arith.mulf %get3A_56, %mul3A_57 : vector<1024x128xf32>
    %add3A_59 = vector.broadcast %sub3A_47 : vector<1x128xf32> to vector<1024x128xf32>
    %add3A_60 = arith.addf %mul3A_58, %add3A_59 : vector<1024x128xf32>
    %max3A = arith.constant 0.000000e+00 : f32
    %max3A_61 = vector.broadcast %max3A : f32 to vector<1024x128xf32>
    %max3A_62 = arith.maximumf %add3A_60, %max3A_61 : vector<1024x128xf32>
    %convert_element_type3A_63 = arith.truncf %max3A_62 : vector<1024x128xf32> to vector<1024x128xbf16>
    %slice3A_64 = vector.extract_strided_slice %convert_element_type3A_51 {offsets = [128, 0], sizes = [128, 128], strides = [1, 1]} : vector<256x128xbf16> to vector<128x128xbf16>
    %dot_general3A = arith.constant dense<0.000000e+00> : vector<128x1024xf32>
    %dot_general3A_65 = tpu.matmul %slice3A_64, %convert_element_type3A_63, %dot_general3A {dimension_numbers = #tpu.dot_dimension_numbers<[0], [1], [1], [0], [0, 1, 1, 0], [], []>, transpose_lhs_hint = false} : vector<128x128xbf16>, vector<1024x128xbf16>, vector<128x1024xf32> -> vector<128x1024xf32>
    %get3A_66 = arith.constant 0 : index
    %get3A_67 = arith.constant 0 : index
    %get3A_68 = vector.load %arg11[%get3A_66, %get3A_67] : memref<2x1024xf32, #tpu.memory_space<vmem>>, vector<1x1024xf32>
    %get3A_69 = arith.constant 1 : index
    %get3A_70 = arith.constant 0 : index
    %get3A_71 = vector.load %arg11[%get3A_69, %get3A_70] : memref<2x1024xf32, #tpu.memory_space<vmem>>, vector<1x1024xf32>
    %get3A_72 = arith.constant 0 : index
    %get3A_73 = arith.constant 0 : index
    %get3A_74 = arith.constant 0 : index
    %get3A_75 = vector.load %arg1[%get3A_72, %get3A_73, %get3A_74] : memref<8x1024x128xf32, #tpu.memory_space<vmem>>, vector<1x1024x128xf32>
    %get3A_76 = vector.shape_cast %get3A_75 : vector<1x1024x128xf32> to vector<1024x128xf32>
    %mul3A_77 = vector.broadcast %mul3A_19 : vector<1x128xf32> to vector<1024x128xf32>
    %mul3A_78 = arith.mulf %get3A_76, %mul3A_77 : vector<1024x128xf32>
    %add3A_79 = vector.broadcast %sub3A_24 : vector<1x128xf32> to vector<1024x128xf32>
    %add3A_80 = arith.addf %mul3A_78, %add3A_79 : vector<1024x128xf32>
    %max3A_81 = arith.constant 0.000000e+00 : f32
    %max3A_82 = vector.broadcast %max3A_81 : f32 to vector<1024x128xf32>
    %max3A_83 = arith.maximumf %add3A_80, %max3A_82 : vector<1024x128xf32>
    %convert_element_type3A_84 = arith.truncf %max3A_83 : vector<1024x128xf32> to vector<1024x128xbf16>
    %slice3A_85 = vector.extract_strided_slice %convert_element_type3A_51 {offsets = [0, 0], sizes = [128, 128], strides = [1, 1]} : vector<256x128xbf16> to vector<128x128xbf16>
    %dot_general3A_86 = arith.constant dense<0.000000e+00> : vector<128x1024xf32>
    %dot_general3A_87 = tpu.matmul %slice3A_85, %convert_element_type3A_84, %dot_general3A_86 {dimension_numbers = #tpu.dot_dimension_numbers<[0], [1], [1], [0], [0, 1, 1, 0], [], []>, transpose_lhs_hint = false} : vector<128x128xbf16>, vector<1024x128xbf16>, vector<128x1024xf32> -> vector<128x1024xf32>
    %add3A_88 = arith.addf %dot_general3A_87, %dot_general3A_65 : vector<128x1024xf32>
    %get3A_89 = arith.constant 1 : index
    %get3A_90 = arith.constant 0 : index
    %get3A_91 = arith.constant 0 : index
    %get3A_92 = vector.load %arg1[%get3A_89, %get3A_90, %get3A_91] : memref<8x1024x128xf32, #tpu.memory_space<vmem>>, vector<1x1024x128xf32>
    %get3A_93 = vector.shape_cast %get3A_92 : vector<1x1024x128xf32> to vector<1024x128xf32>
    %mul3A_94 = vector.broadcast %mul3A_19 : vector<1x128xf32> to vector<1024x128xf32>
    %mul3A_95 = arith.mulf %get3A_93, %mul3A_94 : vector<1024x128xf32>
    %add3A_96 = vector.broadcast %sub3A_24 : vector<1x128xf32> to vector<1024x128xf32>
    %add3A_97 = arith.addf %mul3A_95, %add3A_96 : vector<1024x128xf32>
    %max3A_98 = arith.constant 0.000000e+00 : f32
    %max3A_99 = vector.broadcast %max3A_98 : f32 to vector<1024x128xf32>
    %max3A_100 = arith.maximumf %add3A_97, %max3A_99 : vector<1024x128xf32>
    %convert_element_type3A_101 = arith.truncf %max3A_100 : vector<1024x128xf32> to vector<1024x128xbf16>
    %slice3A_102 = vector.extract_strided_slice %convert_element_type3A_51 {offsets = [0, 0], sizes = [128, 128], strides = [1, 1]} : vector<256x128xbf16> to vector<128x128xbf16>
    %dot_general3A_103 = arith.constant dense<0.000000e+00> : vector<128x1024xf32>
    %dot_general3A_104 = tpu.matmul %slice3A_102, %convert_element_type3A_101, %dot_general3A_103 {dimension_numbers = #tpu.dot_dimension_numbers<[0], [1], [1], [0], [0, 1, 1, 0], [], []>, transpose_lhs_hint = false} : vector<128x128xbf16>, vector<1024x128xbf16>, vector<128x1024xf32> -> vector<128x1024xf32>
    %add3A_105 = arith.addf %dot_general3A_104, %dot_general3A_65 : vector<128x1024xf32>
    %get3A_106 = arith.constant 2 : index
    %get3A_107 = arith.constant 0 : index
    %get3A_108 = arith.constant 0 : index
    %get3A_109 = vector.load %arg1[%get3A_106, %get3A_107, %get3A_108] : memref<8x1024x128xf32, #tpu.memory_space<vmem>>, vector<1x1024x128xf32>
    %get3A_110 = vector.shape_cast %get3A_109 : vector<1x1024x128xf32> to vector<1024x128xf32>
    %mul3A_111 = vector.broadcast %mul3A_19 : vector<1x128xf32> to vector<1024x128xf32>
    %mul3A_112 = arith.mulf %get3A_110, %mul3A_111 : vector<1024x128xf32>
    %add3A_113 = vector.broadcast %sub3A_24 : vector<1x128xf32> to vector<1024x128xf32>
    %add3A_114 = arith.addf %mul3A_112, %add3A_113 : vector<1024x128xf32>
    %max3A_115 = arith.constant 0.000000e+00 : f32
    %max3A_116 = vector.broadcast %max3A_115 : f32 to vector<1024x128xf32>
    %max3A_117 = arith.maximumf %add3A_114, %max3A_116 : vector<1024x128xf32>
    %convert_element_type3A_118 = arith.truncf %max3A_117 : vector<1024x128xf32> to vector<1024x128xbf16>
    %slice3A_119 = vector.extract_strided_slice %convert_element_type3A_51 {offsets = [0, 0], sizes = [128, 128], strides = [1, 1]} : vector<256x128xbf16> to vector<128x128xbf16>
    %dot_general3A_120 = arith.constant dense<0.000000e+00> : vector<128x1024xf32>
    %dot_general3A_121 = tpu.matmul %slice3A_119, %convert_element_type3A_118, %dot_general3A_120 {dimension_numbers = #tpu.dot_dimension_numbers<[0], [1], [1], [0], [0, 1, 1, 0], [], []>, transpose_lhs_hint = false} : vector<128x128xbf16>, vector<1024x128xbf16>, vector<128x1024xf32> -> vector<128x1024xf32>
    %add3A_122 = arith.addf %dot_general3A_121, %dot_general3A_65 : vector<128x1024xf32>
    %get3A_123 = arith.constant 3 : index
    %get3A_124 = arith.constant 0 : index
    %get3A_125 = arith.constant 0 : index
    %get3A_126 = vector.load %arg1[%get3A_123, %get3A_124, %get3A_125] : memref<8x1024x128xf32, #tpu.memory_space<vmem>>, vector<1x1024x128xf32>
    %get3A_127 = vector.shape_cast %get3A_126 : vector<1x1024x128xf32> to vector<1024x128xf32>
    %mul3A_128 = vector.broadcast %mul3A_19 : vector<1x128xf32> to vector<1024x128xf32>
    %mul3A_129 = arith.mulf %get3A_127, %mul3A_128 : vector<1024x128xf32>
    %add3A_130 = vector.broadcast %sub3A_24 : vector<1x128xf32> to vector<1024x128xf32>
    %add3A_131 = arith.addf %mul3A_129, %add3A_130 : vector<1024x128xf32>
    %max3A_132 = arith.constant 0.000000e+00 : f32
    %max3A_133 = vector.broadcast %max3A_132 : f32 to vector<1024x128xf32>
    %max3A_134 = arith.maximumf %add3A_131, %max3A_133 : vector<1024x128xf32>
    %convert_element_type3A_135 = arith.truncf %max3A_134 : vector<1024x128xf32> to vector<1024x128xbf16>
    %slice3A_136 = vector.extract_strided_slice %convert_element_type3A_51 {offsets = [0, 0], sizes = [128, 128], strides = [1, 1]} : vector<256x128xbf16> to vector<128x128xbf16>
    %dot_general3A_137 = arith.constant dense<0.000000e+00> : vector<128x1024xf32>
    %dot_general3A_138 = tpu.matmul %slice3A_136, %convert_element_type3A_135, %dot_general3A_137 {dimension_numbers = #tpu.dot_dimension_numbers<[0], [1], [1], [0], [0, 1, 1, 0], [], []>, transpose_lhs_hint = false} : vector<128x128xbf16>, vector<1024x128xbf16>, vector<128x1024xf32> -> vector<128x1024xf32>
    %add3A_139 = arith.addf %dot_general3A_138, %dot_general3A_65 : vector<128x1024xf32>
    %get3A_140 = arith.constant 4 : index
    %get3A_141 = arith.constant 0 : index
    %get3A_142 = arith.constant 0 : index
    %get3A_143 = vector.load %arg1[%get3A_140, %get3A_141, %get3A_142] : memref<8x1024x128xf32, #tpu.memory_space<vmem>>, vector<1x1024x128xf32>
    %get3A_144 = vector.shape_cast %get3A_143 : vector<1x1024x128xf32> to vector<1024x128xf32>
    %mul3A_145 = vector.broadcast %mul3A_19 : vector<1x128xf32> to vector<1024x128xf32>
    %mul3A_146 = arith.mulf %get3A_144, %mul3A_145 : vector<1024x128xf32>
    %add3A_147 = vector.broadcast %sub3A_24 : vector<1x128xf32> to vector<1024x128xf32>
    %add3A_148 = arith.addf %mul3A_146, %add3A_147 : vector<1024x128xf32>
    %max3A_149 = arith.constant 0.000000e+00 : f32
    %max3A_150 = vector.broadcast %max3A_149 : f32 to vector<1024x128xf32>
    %max3A_151 = arith.maximumf %add3A_148, %max3A_150 : vector<1024x128xf32>
    %convert_element_type3A_152 = arith.truncf %max3A_151 : vector<1024x128xf32> to vector<1024x128xbf16>
    %slice3A_153 = vector.extract_strided_slice %convert_element_type3A_51 {offsets = [0, 0], sizes = [128, 128], strides = [1, 1]} : vector<256x128xbf16> to vector<128x128xbf16>
    %dot_general3A_154 = arith.constant dense<0.000000e+00> : vector<128x1024xf32>
    %dot_general3A_155 = tpu.matmul %slice3A_153, %convert_element_type3A_152, %dot_general3A_154 {dimension_numbers = #tpu.dot_dimension_numbers<[0], [1], [1], [0], [0, 1, 1, 0], [], []>, transpose_lhs_hint = false} : vector<128x128xbf16>, vector<1024x128xbf16>, vector<128x1024xf32> -> vector<128x1024xf32>
    %add3A_156 = arith.addf %dot_general3A_155, %dot_general3A_65 : vector<128x1024xf32>
    %get3A_157 = arith.constant 5 : index
    %get3A_158 = arith.constant 0 : index
    %get3A_159 = arith.constant 0 : index
    %get3A_160 = vector.load %arg1[%get3A_157, %get3A_158, %get3A_159] : memref<8x1024x128xf32, #tpu.memory_space<vmem>>, vector<1x1024x128xf32>
    %get3A_161 = vector.shape_cast %get3A_160 : vector<1x1024x128xf32> to vector<1024x128xf32>
    %mul3A_162 = vector.broadcast %mul3A_19 : vector<1x128xf32> to vector<1024x128xf32>
    %mul3A_163 = arith.mulf %get3A_161, %mul3A_162 : vector<1024x128xf32>
    %add3A_164 = vector.broadcast %sub3A_24 : vector<1x128xf32> to vector<1024x128xf32>
    %add3A_165 = arith.addf %mul3A_163, %add3A_164 : vector<1024x128xf32>
    %max3A_166 = arith.constant 0.000000e+00 : f32
    %max3A_167 = vector.broadcast %max3A_166 : f32 to vector<1024x128xf32>
    %max3A_168 = arith.maximumf %add3A_165, %max3A_167 : vector<1024x128xf32>
    %convert_element_type3A_169 = arith.truncf %max3A_168 : vector<1024x128xf32> to vector<1024x128xbf16>
    %slice3A_170 = vector.extract_strided_slice %convert_element_type3A_51 {offsets = [0, 0], sizes = [128, 128], strides = [1, 1]} : vector<256x128xbf16> to vector<128x128xbf16>
    %dot_general3A_171 = arith.constant dense<0.000000e+00> : vector<128x1024xf32>
    %dot_general3A_172 = tpu.matmul %slice3A_170, %convert_element_type3A_169, %dot_general3A_171 {dimension_numbers = #tpu.dot_dimension_numbers<[0], [1], [1], [0], [0, 1, 1, 0], [], []>, transpose_lhs_hint = false} : vector<128x128xbf16>, vector<1024x128xbf16>, vector<128x1024xf32> -> vector<128x1024xf32>
    %add3A_173 = arith.addf %dot_general3A_172, %dot_general3A_65 : vector<128x1024xf32>
    %get3A_174 = arith.constant 6 : index
    %get3A_175 = arith.constant 0 : index
    %get3A_176 = arith.constant 0 : index
    %get3A_177 = vector.load %arg1[%get3A_174, %get3A_175, %get3A_176] : memref<8x1024x128xf32, #tpu.memory_space<vmem>>, vector<1x1024x128xf32>
    %get3A_178 = vector.shape_cast %get3A_177 : vector<1x1024x128xf32> to vector<1024x128xf32>
    %mul3A_179 = vector.broadcast %mul3A_19 : vector<1x128xf32> to vector<1024x128xf32>
    %mul3A_180 = arith.mulf %get3A_178, %mul3A_179 : vector<1024x128xf32>
    %add3A_181 = vector.broadcast %sub3A_24 : vector<1x128xf32> to vector<1024x128xf32>
    %add3A_182 = arith.addf %mul3A_180, %add3A_181 : vector<1024x128xf32>
    %max3A_183 = arith.constant 0.000000e+00 : f32
    %max3A_184 = vector.broadcast %max3A_183 : f32 to vector<1024x128xf32>
    %max3A_185 = arith.maximumf %add3A_182, %max3A_184 : vector<1024x128xf32>
    %convert_element_type3A_186 = arith.truncf %max3A_185 : vector<1024x128xf32> to vector<1024x128xbf16>
    %slice3A_187 = vector.extract_strided_slice %convert_element_type3A_51 {offsets = [0, 0], sizes = [128, 128], strides = [1, 1]} : vector<256x128xbf16> to vector<128x128xbf16>
    %dot_general3A_188 = arith.constant dense<0.000000e+00> : vector<128x1024xf32>
    %dot_general3A_189 = tpu.matmul %slice3A_187, %convert_element_type3A_186, %dot_general3A_188 {dimension_numbers = #tpu.dot_dimension_numbers<[0], [1], [1], [0], [0, 1, 1, 0], [], []>, transpose_lhs_hint = false} : vector<128x128xbf16>, vector<1024x128xbf16>, vector<128x1024xf32> -> vector<128x1024xf32>
    %add3A_190 = arith.addf %dot_general3A_189, %dot_general3A_65 : vector<128x1024xf32>
    %get3A_191 = arith.constant 7 : index
    %get3A_192 = arith.constant 0 : index
    %get3A_193 = arith.constant 0 : index
    %get3A_194 = vector.load %arg1[%get3A_191, %get3A_192, %get3A_193] : memref<8x1024x128xf32, #tpu.memory_space<vmem>>, vector<1x1024x128xf32>
    %get3A_195 = vector.shape_cast %get3A_194 : vector<1x1024x128xf32> to vector<1024x128xf32>
    %mul3A_196 = vector.broadcast %mul3A_19 : vector<1x128xf32> to vector<1024x128xf32>
    %mul3A_197 = arith.mulf %get3A_195, %mul3A_196 : vector<1024x128xf32>
    %add3A_198 = vector.broadcast %sub3A_24 : vector<1x128xf32> to vector<1024x128xf32>
    %add3A_199 = arith.addf %mul3A_197, %add3A_198 : vector<1024x128xf32>
    %max3A_200 = arith.constant 0.000000e+00 : f32
    %max3A_201 = vector.broadcast %max3A_200 : f32 to vector<1024x128xf32>
    %max3A_202 = arith.maximumf %add3A_199, %max3A_201 : vector<1024x128xf32>
    %convert_element_type3A_203 = arith.truncf %max3A_202 : vector<1024x128xf32> to vector<1024x128xbf16>
    %slice3A_204 = vector.extract_strided_slice %convert_element_type3A_51 {offsets = [0, 0], sizes = [128, 128], strides = [1, 1]} : vector<256x128xbf16> to vector<128x128xbf16>
    %dot_general3A_205 = arith.constant dense<0.000000e+00> : vector<128x1024xf32>
    %dot_general3A_206 = tpu.matmul %slice3A_204, %convert_element_type3A_203, %dot_general3A_205 {dimension_numbers = #tpu.dot_dimension_numbers<[0], [1], [1], [0], [0, 1, 1, 0], [], []>, transpose_lhs_hint = false} : vector<128x128xbf16>, vector<1024x128xbf16>, vector<128x1024xf32> -> vector<128x1024xf32>
    %add3A_207 = arith.addf %dot_general3A_206, %dot_general3A_65 : vector<128x1024xf32>
    %mul3A_208 = vector.broadcast %get3A_68 : vector<1x1024xf32> to vector<128x1024xf32>
    %mul3A_209 = arith.mulf %add3A_88, %mul3A_208 : vector<128x1024xf32>
    %mul3A_210 = vector.broadcast %get3A_68 : vector<1x1024xf32> to vector<128x1024xf32>
    %mul3A_211 = arith.mulf %add3A_105, %mul3A_210 : vector<128x1024xf32>
    %mul3A_212 = vector.broadcast %get3A_68 : vector<1x1024xf32> to vector<128x1024xf32>
    %mul3A_213 = arith.mulf %add3A_122, %mul3A_212 : vector<128x1024xf32>
    %mul3A_214 = vector.broadcast %get3A_68 : vector<1x1024xf32> to vector<128x1024xf32>
    %mul3A_215 = arith.mulf %add3A_139, %mul3A_214 : vector<128x1024xf32>
    %mul3A_216 = vector.broadcast %get3A_68 : vector<1x1024xf32> to vector<128x1024xf32>
    %mul3A_217 = arith.mulf %add3A_156, %mul3A_216 : vector<128x1024xf32>
    %mul3A_218 = vector.broadcast %get3A_68 : vector<1x1024xf32> to vector<128x1024xf32>
    %mul3A_219 = arith.mulf %add3A_173, %mul3A_218 : vector<128x1024xf32>
    %mul3A_220 = vector.broadcast %get3A_68 : vector<1x1024xf32> to vector<128x1024xf32>
    %mul3A_221 = arith.mulf %add3A_190, %mul3A_220 : vector<128x1024xf32>
    %mul3A_222 = vector.broadcast %get3A_68 : vector<1x1024xf32> to vector<128x1024xf32>
    %mul3A_223 = arith.mulf %add3A_207, %mul3A_222 : vector<128x1024xf32>
    %concatenate3A = tpu.concatenate %mul3A_209, %mul3A_211, %mul3A_213, %mul3A_215, %mul3A_217, %mul3A_219, %mul3A_221, %mul3A_223 in 0 : vector<128x1024xf32>, vector<128x1024xf32>, vector<128x1024xf32>, vector<128x1024xf32>, vector<128x1024xf32>, vector<128x1024xf32>, vector<128x1024xf32>, vector<128x1024xf32> -> vector<1024x1024xf32>
    %convert_element_type3A_224 = arith.truncf %concatenate3A : vector<1024x1024xf32> to vector<1024x1024xbf16>
    %dot_general3A_225 = arith.constant dense<0.000000e+00> : vector<1024x1024xf32>
    %dot_general3A_226 = tpu.matmul %convert_element_type3A_224, %get3A_1, %dot_general3A_225 {dimension_numbers = #tpu.dot_dimension_numbers<[1], [1], [0], [0], [0, 0, 1, 0], [], []>, transpose_lhs_hint = false} : vector<1024x1024xbf16>, vector<1024x1024xbf16>, vector<1024x1024xf32> -> vector<1024x1024xf32>
    %slice3A_227 = vector.extract_strided_slice %dot_general3A_226 {offsets = [0, 0], sizes = [128, 1024], strides = [1, 1]} : vector<1024x1024xf32> to vector<128x1024xf32>
    %mul3A_228 = vector.broadcast %get3A_68 : vector<1x1024xf32> to vector<128x1024xf32>
    %mul3A_229 = arith.mulf %slice3A_227, %mul3A_228 : vector<128x1024xf32>
    %mul3A_230 = vector.broadcast %get3A_71 : vector<1x1024xf32> to vector<128x1024xf32>
    %mul3A_231 = arith.mulf %add3A_88, %mul3A_230 : vector<128x1024xf32>
    %add3A_232 = arith.addf %mul3A_229, %mul3A_231 : vector<128x1024xf32>
    %get3A_233 = arith.constant 0 : index
    %get3A_234 = arith.constant 0 : index
    %get3A_235 = vector.load %arg7[%get3A_233, %get3A_234] : memref<128x1xf32, #tpu.memory_space<vmem>>, vector<128x1xf32>
    %add3A_236 = vector.broadcast %get3A_235 : vector<128x1xf32> to vector<128x1024xf32>
    %add3A_237 = arith.addf %add3A_232, %add3A_236 : vector<128x1024xf32>
    %slice3A_238 = vector.extract_strided_slice %dot_general3A_226 {offsets = [128, 0], sizes = [128, 1024], strides = [1, 1]} : vector<1024x1024xf32> to vector<128x1024xf32>
    %mul3A_239 = vector.broadcast %get3A_68 : vector<1x1024xf32> to vector<128x1024xf32>
    %mul3A_240 = arith.mulf %slice3A_238, %mul3A_239 : vector<128x1024xf32>
    %mul3A_241 = vector.broadcast %get3A_71 : vector<1x1024xf32> to vector<128x1024xf32>
    %mul3A_242 = arith.mulf %add3A_105, %mul3A_241 : vector<128x1024xf32>
    %add3A_243 = arith.addf %mul3A_240, %mul3A_242 : vector<128x1024xf32>
    %get3A_244 = arith.constant 0 : index
    %get3A_245 = arith.constant 0 : index
    %get3A_246 = vector.load %arg7[%get3A_244, %get3A_245] : memref<128x1xf32, #tpu.memory_space<vmem>>, vector<128x1xf32>
    %add3A_247 = vector.broadcast %get3A_246 : vector<128x1xf32> to vector<128x1024xf32>
    %add3A_248 = arith.addf %add3A_243, %add3A_247 : vector<128x1024xf32>
    %slice3A_249 = vector.extract_strided_slice %dot_general3A_226 {offsets = [256, 0], sizes = [128, 1024], strides = [1, 1]} : vector<1024x1024xf32> to vector<128x1024xf32>
    %mul3A_250 = vector.broadcast %get3A_68 : vector<1x1024xf32> to vector<128x1024xf32>
    %mul3A_251 = arith.mulf %slice3A_249, %mul3A_250 : vector<128x1024xf32>
    %mul3A_252 = vector.broadcast %get3A_71 : vector<1x1024xf32> to vector<128x1024xf32>
    %mul3A_253 = arith.mulf %add3A_122, %mul3A_252 : vector<128x1024xf32>
    %add3A_254 = arith.addf %mul3A_251, %mul3A_253 : vector<128x1024xf32>
    %get3A_255 = arith.constant 0 : index
    %get3A_256 = arith.constant 0 : index
    %get3A_257 = vector.load %arg7[%get3A_255, %get3A_256] : memref<128x1xf32, #tpu.memory_space<vmem>>, vector<128x1xf32>
    %add3A_258 = vector.broadcast %get3A_257 : vector<128x1xf32> to vector<128x1024xf32>
    %add3A_259 = arith.addf %add3A_254, %add3A_258 : vector<128x1024xf32>
    %slice3A_260 = vector.extract_strided_slice %dot_general3A_226 {offsets = [384, 0], sizes = [128, 1024], strides = [1, 1]} : vector<1024x1024xf32> to vector<128x1024xf32>
    %mul3A_261 = vector.broadcast %get3A_68 : vector<1x1024xf32> to vector<128x1024xf32>
    %mul3A_262 = arith.mulf %slice3A_260, %mul3A_261 : vector<128x1024xf32>
    %mul3A_263 = vector.broadcast %get3A_71 : vector<1x1024xf32> to vector<128x1024xf32>
    %mul3A_264 = arith.mulf %add3A_139, %mul3A_263 : vector<128x1024xf32>
    %add3A_265 = arith.addf %mul3A_262, %mul3A_264 : vector<128x1024xf32>
    %get3A_266 = arith.constant 0 : index
    %get3A_267 = arith.constant 0 : index
    %get3A_268 = vector.load %arg7[%get3A_266, %get3A_267] : memref<128x1xf32, #tpu.memory_space<vmem>>, vector<128x1xf32>
    %add3A_269 = vector.broadcast %get3A_268 : vector<128x1xf32> to vector<128x1024xf32>
    %add3A_270 = arith.addf %add3A_265, %add3A_269 : vector<128x1024xf32>
    %slice3A_271 = vector.extract_strided_slice %dot_general3A_226 {offsets = [512, 0], sizes = [128, 1024], strides = [1, 1]} : vector<1024x1024xf32> to vector<128x1024xf32>
    %mul3A_272 = vector.broadcast %get3A_68 : vector<1x1024xf32> to vector<128x1024xf32>
    %mul3A_273 = arith.mulf %slice3A_271, %mul3A_272 : vector<128x1024xf32>
    %mul3A_274 = vector.broadcast %get3A_71 : vector<1x1024xf32> to vector<128x1024xf32>
    %mul3A_275 = arith.mulf %add3A_156, %mul3A_274 : vector<128x1024xf32>
    %add3A_276 = arith.addf %mul3A_273, %mul3A_275 : vector<128x1024xf32>
    %get3A_277 = arith.constant 0 : index
    %get3A_278 = arith.constant 0 : index
    %get3A_279 = vector.load %arg7[%get3A_277, %get3A_278] : memref<128x1xf32, #tpu.memory_space<vmem>>, vector<128x1xf32>
    %add3A_280 = vector.broadcast %get3A_279 : vector<128x1xf32> to vector<128x1024xf32>
    %add3A_281 = arith.addf %add3A_276, %add3A_280 : vector<128x1024xf32>
    %slice3A_282 = vector.extract_strided_slice %dot_general3A_226 {offsets = [640, 0], sizes = [128, 1024], strides = [1, 1]} : vector<1024x1024xf32> to vector<128x1024xf32>
    %mul3A_283 = vector.broadcast %get3A_68 : vector<1x1024xf32> to vector<128x1024xf32>
    %mul3A_284 = arith.mulf %slice3A_282, %mul3A_283 : vector<128x1024xf32>
    %mul3A_285 = vector.broadcast %get3A_71 : vector<1x1024xf32> to vector<128x1024xf32>
    %mul3A_286 = arith.mulf %add3A_173, %mul3A_285 : vector<128x1024xf32>
    %add3A_287 = arith.addf %mul3A_284, %mul3A_286 : vector<128x1024xf32>
    %get3A_288 = arith.constant 0 : index
    %get3A_289 = arith.constant 0 : index
    %get3A_290 = vector.load %arg7[%get3A_288, %get3A_289] : memref<128x1xf32, #tpu.memory_space<vmem>>, vector<128x1xf32>
    %add3A_291 = vector.broadcast %get3A_290 : vector<128x1xf32> to vector<128x1024xf32>
    %add3A_292 = arith.addf %add3A_287, %add3A_291 : vector<128x1024xf32>
    %slice3A_293 = vector.extract_strided_slice %dot_general3A_226 {offsets = [768, 0], sizes = [128, 1024], strides = [1, 1]} : vector<1024x1024xf32> to vector<128x1024xf32>
    %mul3A_294 = vector.broadcast %get3A_68 : vector<1x1024xf32> to vector<128x1024xf32>
    %mul3A_295 = arith.mulf %slice3A_293, %mul3A_294 : vector<128x1024xf32>
    %mul3A_296 = vector.broadcast %get3A_71 : vector<1x1024xf32> to vector<128x1024xf32>
    %mul3A_297 = arith.mulf %add3A_190, %mul3A_296 : vector<128x1024xf32>
    %add3A_298 = arith.addf %mul3A_295, %mul3A_297 : vector<128x1024xf32>
    %get3A_299 = arith.constant 0 : index
    %get3A_300 = arith.constant 0 : index
    %get3A_301 = vector.load %arg7[%get3A_299, %get3A_300] : memref<128x1xf32, #tpu.memory_space<vmem>>, vector<128x1xf32>
    %add3A_302 = vector.broadcast %get3A_301 : vector<128x1xf32> to vector<128x1024xf32>
    %add3A_303 = arith.addf %add3A_298, %add3A_302 : vector<128x1024xf32>
    %slice3A_304 = vector.extract_strided_slice %dot_general3A_226 {offsets = [896, 0], sizes = [128, 1024], strides = [1, 1]} : vector<1024x1024xf32> to vector<128x1024xf32>
    %mul3A_305 = vector.broadcast %get3A_68 : vector<1x1024xf32> to vector<128x1024xf32>
    %mul3A_306 = arith.mulf %slice3A_304, %mul3A_305 : vector<128x1024xf32>
    %mul3A_307 = vector.broadcast %get3A_71 : vector<1x1024xf32> to vector<128x1024xf32>
    %mul3A_308 = arith.mulf %add3A_207, %mul3A_307 : vector<128x1024xf32>
    %add3A_309 = arith.addf %mul3A_306, %mul3A_308 : vector<128x1024xf32>
    %get3A_310 = arith.constant 0 : index
    %get3A_311 = arith.constant 0 : index
    %get3A_312 = vector.load %arg7[%get3A_310, %get3A_311] : memref<128x1xf32, #tpu.memory_space<vmem>>, vector<128x1xf32>
    %add3A_313 = vector.broadcast %get3A_312 : vector<128x1xf32> to vector<128x1024xf32>
    %add3A_314 = arith.addf %add3A_309, %add3A_313 : vector<128x1024xf32>
    %swap3A = arith.constant 0 : index
    %swap3A_315 = arith.constant 0 : index
    %swap3A_316 = arith.constant 0 : index
    %swap3A_317 = vector.load %arg8[%swap3A, %swap3A_315, %swap3A_316] : memref<8x128x1024xf32, #tpu.memory_space<vmem>>, vector<1x128x1024xf32>
    %swap3A_318 = vector.shape_cast %swap3A_317 : vector<1x128x1024xf32> to vector<128x1024xf32>
    %swap3A_319 = vector.shape_cast %add3A_237 : vector<128x1024xf32> to vector<1x128x1024xf32>
    tpu.vector_store %arg8[%swap3A, %swap3A_315, %swap3A_316], %swap3A_319 {strides = array<i32>} : memref<8x128x1024xf32, #tpu.memory_space<vmem>>, vector<1x128x1024xf32>,
    %swap3A_320 = arith.constant 1 : index
    %swap3A_321 = arith.constant 0 : index
    %swap3A_322 = arith.constant 0 : index
    %swap3A_323 = vector.load %arg8[%swap3A_320, %swap3A_321, %swap3A_322] : memref<8x128x1024xf32, #tpu.memory_space<vmem>>, vector<1x128x1024xf32>
    %swap3A_324 = vector.shape_cast %swap3A_323 : vector<1x128x1024xf32> to vector<128x1024xf32>
    %swap3A_325 = vector.shape_cast %add3A_248 : vector<128x1024xf32> to vector<1x128x1024xf32>
    tpu.vector_store %arg8[%swap3A_320, %swap3A_321, %swap3A_322], %swap3A_325 {strides = array<i32>} : memref<8x128x1024xf32, #tpu.memory_space<vmem>>, vector<1x128x1024xf32>,
    %swap3A_326 = arith.constant 2 : index
    %swap3A_327 = arith.constant 0 : index
    %swap3A_328 = arith.constant 0 : index
    %swap3A_329 = vector.load %arg8[%swap3A_326, %swap3A_327, %swap3A_328] : memref<8x128x1024xf32, #tpu.memory_space<vmem>>, vector<1x128x1024xf32>
    %swap3A_330 = vector.shape_cast %swap3A_329 : vector<1x128x1024xf32> to vector<128x1024xf32>
    %swap3A_331 = vector.shape_cast %add3A_259 : vector<128x1024xf32> to vector<1x128x1024xf32>
    tpu.vector_store %arg8[%swap3A_326, %swap3A_327, %swap3A_328], %swap3A_331 {strides = array<i32>} : memref<8x128x1024xf32, #tpu.memory_space<vmem>>, vector<1x128x1024xf32>,
    %swap3A_332 = arith.constant 3 : index
    %swap3A_333 = arith.constant 0 : index
    %swap3A_334 = arith.constant 0 : index
    %swap3A_335 = vector.load %arg8[%swap3A_332, %swap3A_333, %swap3A_334] : memref<8x128x1024xf32, #tpu.memory_space<vmem>>, vector<1x128x1024xf32>
    %swap3A_336 = vector.shape_cast %swap3A_335 : vector<1x128x1024xf32> to vector<128x1024xf32>
    %swap3A_337 = vector.shape_cast %add3A_270 : vector<128x1024xf32> to vector<1x128x1024xf32>
    tpu.vector_store %arg8[%swap3A_332, %swap3A_333, %swap3A_334], %swap3A_337 {strides = array<i32>} : memref<8x128x1024xf32, #tpu.memory_space<vmem>>, vector<1x128x1024xf32>,
    %swap3A_338 = arith.constant 4 : index
    %swap3A_339 = arith.constant 0 : index
    %swap3A_340 = arith.constant 0 : index
    %swap3A_341 = vector.load %arg8[%swap3A_338, %swap3A_339, %swap3A_340] : memref<8x128x1024xf32, #tpu.memory_space<vmem>>, vector<1x128x1024xf32>
    %swap3A_342 = vector.shape_cast %swap3A_341 : vector<1x128x1024xf32> to vector<128x1024xf32>
    %swap3A_343 = vector.shape_cast %add3A_281 : vector<128x1024xf32> to vector<1x128x1024xf32>
    tpu.vector_store %arg8[%swap3A_338, %swap3A_339, %swap3A_340], %swap3A_343 {strides = array<i32>} : memref<8x128x1024xf32, #tpu.memory_space<vmem>>, vector<1x128x1024xf32>,
    %swap3A_344 = arith.constant 5 : index
    %swap3A_345 = arith.constant 0 : index
    %swap3A_346 = arith.constant 0 : index
    %swap3A_347 = vector.load %arg8[%swap3A_344, %swap3A_345, %swap3A_346] : memref<8x128x1024xf32, #tpu.memory_space<vmem>>, vector<1x128x1024xf32>
    %swap3A_348 = vector.shape_cast %swap3A_347 : vector<1x128x1024xf32> to vector<128x1024xf32>
    %swap3A_349 = vector.shape_cast %add3A_292 : vector<128x1024xf32> to vector<1x128x1024xf32>
    tpu.vector_store %arg8[%swap3A_344, %swap3A_345, %swap3A_346], %swap3A_349 {strides = array<i32>} : memref<8x128x1024xf32, #tpu.memory_space<vmem>>, vector<1x128x1024xf32>,
    %swap3A_350 = arith.constant 6 : index
    %swap3A_351 = arith.constant 0 : index
    %swap3A_352 = arith.constant 0 : index
    %swap3A_353 = vector.load %arg8[%swap3A_350, %swap3A_351, %swap3A_352] : memref<8x128x1024xf32, #tpu.memory_space<vmem>>, vector<1x128x1024xf32>
    %swap3A_354 = vector.shape_cast %swap3A_353 : vector<1x128x1024xf32> to vector<128x1024xf32>
    %swap3A_355 = vector.shape_cast %add3A_303 : vector<128x1024xf32> to vector<1x128x1024xf32>
    tpu.vector_store %arg8[%swap3A_350, %swap3A_351, %swap3A_352], %swap3A_355 {strides = array<i32>} : memref<8x128x1024xf32, #tpu.memory_space<vmem>>, vector<1x128x1024xf32>,
    %swap3A_356 = arith.constant 7 : index
    %swap3A_357 = arith.constant 0 : index
    %swap3A_358 = arith.constant 0 : index
    %swap3A_359 = vector.load %arg8[%swap3A_356, %swap3A_357, %swap3A_358] : memref<8x128x1024xf32, #tpu.memory_space<vmem>>, vector<1x128x1024xf32>
    %swap3A_360 = vector.shape_cast %swap3A_359 : vector<1x128x1024xf32> to vector<128x1024xf32>
    %swap3A_361 = vector.shape_cast %add3A_314 : vector<128x1024xf32> to vector<1x128x1024xf32>
    tpu.vector_store %arg8[%swap3A_356, %swap3A_357, %swap3A_358], %swap3A_361 {strides = array<i32>} : memref<8x128x1024xf32, #tpu.memory_space<vmem>>, vector<1x128x1024xf32>,
    %eq3A_362 = arith.constant 0 : i32
    %eq3A_363 = arith.cmpi eq, %arg0, %eq3A_362 : i32
    %convert_element_type3A_364 = arith.extui %eq3A_363 : i1 to i32
    %cond3A_365 = arith.constant 0 : i32
    %cond3A_366 = arith.cmpi ne, %convert_element_type3A_364, %cond3A_365 : i32
    scf.if %cond3A_366 {
      %broadcast_in_dim3A_441 = arith.constant 0.000000e+00 : f32
      %broadcast_in_dim3A_442 = vector.broadcast %broadcast_in_dim3A_441 : f32 to vector<128x4xf32>
      %swap3A_443 = arith.constant 0 : index
      %swap3A_444 = arith.constant 0 : index
      %swap3A_445 = vector.load %arg10[%swap3A_443, %swap3A_444] : memref<128x4xf32, #tpu.memory_space<vmem>>, vector<128x4xf32>
      tpu.vector_store %arg10[%swap3A_443, %swap3A_444], %broadcast_in_dim3A_442 {strides = array<i32>} : memref<128x4xf32, #tpu.memory_space<vmem>>, vector<128x4xf32>,
    } else {
    }
    %add3A_367 = arith.addf %add3A_237, %add3A_248 : vector<128x1024xf32>
    %add3A_368 = arith.addf %add3A_259, %add3A_270 : vector<128x1024xf32>
    %add3A_369 = arith.addf %add3A_281, %add3A_292 : vector<128x1024xf32>
    %add3A_370 = arith.addf %add3A_303, %add3A_314 : vector<128x1024xf32>
    %add3A_371 = arith.addf %add3A_367, %add3A_368 : vector<128x1024xf32>
    %add3A_372 = arith.addf %add3A_369, %add3A_370 : vector<128x1024xf32>
    %add3A_373 = arith.addf %add3A_371, %add3A_372 : vector<128x1024xf32>
    %mul3A_374 = arith.mulf %add3A_237, %add3A_237 : vector<128x1024xf32>
    %mul3A_375 = arith.mulf %add3A_248, %add3A_248 : vector<128x1024xf32>
    %mul3A_376 = arith.mulf %add3A_259, %add3A_259 : vector<128x1024xf32>
    %mul3A_377 = arith.mulf %add3A_270, %add3A_270 : vector<128x1024xf32>
    %mul3A_378 = arith.mulf %add3A_281, %add3A_281 : vector<128x1024xf32>
    %mul3A_379 = arith.mulf %add3A_292, %add3A_292 : vector<128x1024xf32>
    %mul3A_380 = arith.mulf %add3A_303, %add3A_303 : vector<128x1024xf32>
    %mul3A_381 = arith.mulf %add3A_314, %add3A_314 : vector<128x1024xf32>
    %add3A_382 = arith.addf %mul3A_374, %mul3A_375 : vector<128x1024xf32>
    %add3A_383 = arith.addf %mul3A_376, %mul3A_377 : vector<128x1024xf32>
    %add3A_384 = arith.addf %mul3A_378, %mul3A_379 : vector<128x1024xf32>
    %add3A_385 = arith.addf %mul3A_380, %mul3A_381 : vector<128x1024xf32>
    %add3A_386 = arith.addf %add3A_382, %add3A_383 : vector<128x1024xf32>
    %add3A_387 = arith.addf %add3A_384, %add3A_385 : vector<128x1024xf32>
    %add3A_388 = arith.addf %add3A_386, %add3A_387 : vector<128x1024xf32>
    %get3A_389 = arith.constant 0 : index
    %get3A_390 = arith.constant 0 : index
    %get3A_391 = vector.load %arg10[%get3A_389, %get3A_390] : memref<128x4xf32, #tpu.memory_space<vmem>>, vector<128x1xf32>
    %reduce_sum3A = arith.constant dense<0.000000e+00> : vector<128xf32>
    %reduce_sum3A_392 = vector.multi_reduction <add>, %add3A_373, %reduce_sum3A [1] : vector<128x1024xf32> to vector<128xf32>
    %broadcast_in_dim3A = vector.shape_cast %reduce_sum3A_392 : vector<128xf32> to vector<128x1xf32>
    %add3A_393 = arith.addf %get3A_391, %broadcast_in_dim3A : vector<128x1xf32>
    %swap3A_394 = arith.constant 0 : index
    %swap3A_395 = arith.constant 0 : index
    %swap3A_396 = vector.load %arg10[%swap3A_394, %swap3A_395] : memref<128x4xf32, #tpu.memory_space<vmem>>, vector<128x1xf32>
    tpu.vector_store %arg10[%swap3A_394, %swap3A_395], %add3A_393 {strides = array<i32>} : memref<128x4xf32, #tpu.memory_space<vmem>>, vector<128x1xf32>,
    %get3A_397 = arith.constant 0 : index
    %get3A_398 = arith.constant 1 : index
    %get3A_399 = vector.load %arg10[%get3A_397, %get3A_398] : memref<128x4xf32, #tpu.memory_space<vmem>>, vector<128x1xf32>
    %reduce_sum3A_400 = arith.constant dense<0.000000e+00> : vector<128xf32>
    %reduce_sum3A_401 = vector.multi_reduction <add>, %add3A_388, %reduce_sum3A_400 [1] : vector<128x1024xf32> to vector<128xf32>
    %broadcast_in_dim3A_402 = vector.shape_cast %reduce_sum3A_401 : vector<128xf32> to vector<128x1xf32>
    %add3A_403 = arith.addf %get3A_399, %broadcast_in_dim3A_402 : vector<128x1xf32>
    %swap3A_404 = arith.constant 0 : index
    %swap3A_405 = arith.constant 1 : index
    %swap3A_406 = vector.load %arg10[%swap3A_404, %swap3A_405] : memref<128x4xf32, #tpu.memory_space<vmem>>, vector<128x1xf32>
    tpu.vector_store %arg10[%swap3A_404, %swap3A_405], %add3A_403 {strides = array<i32>} : memref<128x4xf32, #tpu.memory_space<vmem>>, vector<128x1xf32>,
    %max3A_407 = arith.maximumf %add3A_237, %add3A_248 : vector<128x1024xf32>
    %max3A_408 = arith.maximumf %add3A_259, %add3A_270 : vector<128x1024xf32>
    %max3A_409 = arith.maximumf %add3A_281, %add3A_292 : vector<128x1024xf32>
    %max3A_410 = arith.maximumf %add3A_303, %add3A_314 : vector<128x1024xf32>
    %max3A_411 = arith.maximumf %max3A_407, %max3A_408 : vector<128x1024xf32>
    %max3A_412 = arith.maximumf %max3A_409, %max3A_410 : vector<128x1024xf32>
    %max3A_413 = arith.maximumf %max3A_411, %max3A_412 : vector<128x1024xf32>
    %swap3A_414 = arith.constant 0 : index
    %swap3A_415 = arith.constant 0 : index
    %swap3A_416 = arith.constant 0 : index
    %swap3A_417 = vector.load %arg9[%swap3A_414, %swap3A_415, %swap3A_416] : memref<1x128x1024xf32, #tpu.memory_space<vmem>>, vector<1x128x1024xf32>
    %swap3A_418 = vector.shape_cast %swap3A_417 : vector<1x128x1024xf32> to vector<128x1024xf32>
    %swap3A_419 = vector.shape_cast %max3A_413 : vector<128x1024xf32> to vector<1x128x1024xf32>
    tpu.vector_store %arg9[%swap3A_414, %swap3A_415, %swap3A_416], %swap3A_419 {strides = array<i32>} : memref<1x128x1024xf32, #tpu.memory_space<vmem>>, vector<1x128x1024xf32>,
    %get3A_420 = arith.constant 0 : index
    %get3A_421 = arith.constant 2 : index
    %get3A_422 = vector.load %arg10[%get3A_420, %get3A_421] : memref<128x4xf32, #tpu.memory_space<vmem>>, vector<128x1xf32>
    %reduce_sum3A_423 = arith.constant dense<0.000000e+00> : vector<128xf32>
    %reduce_sum3A_424 = vector.multi_reduction <add>, %max3A_413, %reduce_sum3A_423 [1] : vector<128x1024xf32> to vector<128xf32>
    %broadcast_in_dim3A_425 = vector.shape_cast %reduce_sum3A_424 : vector<128xf32> to vector<128x1xf32>
    %add3A_426 = arith.addf %get3A_422, %broadcast_in_dim3A_425 : vector<128x1xf32>
    %swap3A_427 = arith.constant 0 : index
    %swap3A_428 = arith.constant 2 : index
    %swap3A_429 = vector.load %arg10[%swap3A_427, %swap3A_428] : memref<128x4xf32, #tpu.memory_space<vmem>>, vector<128x1xf32>
    tpu.vector_store %arg10[%swap3A_427, %swap3A_428], %add3A_426 {strides = array<i32>} : memref<128x4xf32, #tpu.memory_space<vmem>>, vector<128x1xf32>,
    %get3A_430 = arith.constant 0 : index
    %get3A_431 = arith.constant 3 : index
    %get3A_432 = vector.load %arg10[%get3A_430, %get3A_431] : memref<128x4xf32, #tpu.memory_space<vmem>>, vector<128x1xf32>
    %mul3A_433 = arith.mulf %max3A_413, %max3A_413 : vector<128x1024xf32>
    %reduce_sum3A_434 = arith.constant dense<0.000000e+00> : vector<128xf32>
    %reduce_sum3A_435 = vector.multi_reduction <add>, %mul3A_433, %reduce_sum3A_434 [1] : vector<128x1024xf32> to vector<128xf32>
    %broadcast_in_dim3A_436 = vector.shape_cast %reduce_sum3A_435 : vector<128xf32> to vector<128x1xf32>
    %add3A_437 = arith.addf %get3A_432, %broadcast_in_dim3A_436 : vector<128x1xf32>
    %swap3A_438 = arith.constant 0 : index
    %swap3A_439 = arith.constant 3 : index
    %swap3A_440 = vector.load %arg10[%swap3A_438, %swap3A_439] : memref<128x4xf32, #tpu.memory_space<vmem>>, vector<128x1xf32>
    tpu.vector_store %arg10[%swap3A_438, %swap3A_439], %add3A_437 {strides = array<i32>} : memref<128x4xf32, #tpu.memory_space<vmem>>, vector<128x1xf32>,
    return
  }
  func.func @transform_0(%arg0: i32) -> (i32, i32, i32) {
    %c0_i32 = arith.constant 0 : i32
    %c0_i32_0 = arith.constant 0 : i32
    %c0_i32_1 = arith.constant 0 : i32
    return %arg0, %c0_i32, %c0_i32_0 : i32, i32, i32
  }
  func.func @transform_1(%arg0: i32) -> (i32, i32, i32) {
    %jit3A = arith.constant 1 : i32
    %div3A = arith.divsi %arg0, %jit3A : i32
    %sign3A = arith.constant 0 : i32
    %sign3A_0 = arith.cmpi sgt, %arg0, %sign3A : i32
    %sign3A_1 = arith.extui %sign3A_0 : i1 to i32
    %sign3A_2 = arith.constant 0 : i32
    %sign3A_3 = arith.cmpi slt, %arg0, %sign3A_2 : i32
    %sign3A_4 = arith.extui %sign3A_3 : i1 to i32
    %sign3A_5 = arith.subi %sign3A_1, %sign3A_4 : i32
    %sign3A_6 = arith.constant 0 : i32
    %sign3A_7 = arith.cmpi sgt, %jit3A, %sign3A_6 : i32
    %sign3A_8 = arith.extui %sign3A_7 : i1 to i32
    %sign3A_9 = arith.constant 0 : i32
    %sign3A_10 = arith.cmpi slt, %jit3A, %sign3A_9 : i32
    %sign3A_11 = arith.extui %sign3A_10 : i1 to i32
    %sign3A_12 = arith.subi %sign3A_8, %sign3A_11 : i32
    %ne3A = arith.cmpi ne, %sign3A_5, %sign3A_12 : i32
    %rem3A = arith.remsi %arg0, %jit3A : i32
    %ne3A_13 = arith.constant 0 : i32
    %ne3A_14 = arith.cmpi ne, %rem3A, %ne3A_13 : i32
    %and3A = arith.andi %ne3A, %ne3A_14 : i1
    %sub3A = arith.constant 1 : i32
    %sub3A_15 = arith.subi %div3A, %sub3A : i32
    %select_n3A = arith.select %and3A, %sub3A_15, %div3A : i32
    %c0_i32 = arith.constant 0 : i32
    %c0_i32_16 = arith.constant 0 : i32
    %c0_i32_17 = arith.constant 0 : i32
    return %select_n3A, %c0_i32, %c0_i32_16 : i32, i32, i32
  }
  func.func @transform_2(%arg0: i32) -> (i32, i32) {
    %c0_i32 = arith.constant 0 : i32
    %c0_i32_0 = arith.constant 0 : i32
    %c0_i32_1 = arith.constant 0 : i32
    return %c0_i32, %c0_i32_0 : i32, i32
  }
  func.func @transform_3(%arg0: i32) -> (i32, i32) {
    %c0_i32 = arith.constant 0 : i32
    %c0_i32_0 = arith.constant 0 : i32
    %c0_i32_1 = arith.constant 0 : i32
    return %c0_i32, %c0_i32_0 : i32, i32
  }
  func.func @transform_4(%arg0: i32) -> (i32, i32) {
    %c0_i32 = arith.constant 0 : i32
    %c0_i32_0 = arith.constant 0 : i32
    %c0_i32_1 = arith.constant 0 : i32
    return %c0_i32, %c0_i32_0 : i32, i32
  }
  func.func @transform_5(%arg0: i32) -> (i32, i32) {
    %c0_i32 = arith.constant 0 : i32
    %c0_i32_0 = arith.constant 0 : i32
    %c0_i32_1 = arith.constant 0 : i32
    return %c0_i32, %c0_i32_0 : i32, i32
  }
  func.func @transform_6(%arg0: i32) -> (i32, i32) {
    %c0_i32 = arith.constant 0 : i32
    %c0_i32_0 = arith.constant 0 : i32
    %c0_i32_1 = arith.constant 0 : i32
    return %c0_i32, %c0_i32_0 : i32, i32
  }
  func.func @transform_7(%arg0: i32) -> (i32, i32, i32) {
    %c0_i32 = arith.constant 0 : i32
    %c0_i32_0 = arith.constant 0 : i32
    %c0_i32_1 = arith.constant 0 : i32
    return %arg0, %c0_i32, %c0_i32_0 : i32, i32, i32
  }
  func.func @transform_8(%arg0: i32) -> (i32, i32, i32) {
    %jit3A = arith.constant 1 : i32
    %div3A = arith.divsi %arg0, %jit3A : i32
    %sign3A = arith.constant 0 : i32
    %sign3A_0 = arith.cmpi sgt, %arg0, %sign3A : i32
    %sign3A_1 = arith.extui %sign3A_0 : i1 to i32
    %sign3A_2 = arith.constant 0 : i32
    %sign3A_3 = arith.cmpi slt, %arg0, %sign3A_2 : i32
    %sign3A_4 = arith.extui %sign3A_3 : i1 to i32
    %sign3A_5 = arith.subi %sign3A_1, %sign3A_4 : i32
    %sign3A_6 = arith.constant 0 : i32
    %sign3A_7 = arith.cmpi sgt, %jit3A, %sign3A_6 : i32
    %sign3A_8 = arith.extui %sign3A_7 : i1 to i32
    %sign3A_9 = arith.constant 0 : i32
    %sign3A_10 = arith.cmpi slt, %jit3A, %sign3A_9 : i32
    %sign3A_11 = arith.extui %sign3A_10 : i1 to i32
    %sign3A_12 = arith.subi %sign3A_8, %sign3A_11 : i32
    %ne3A = arith.cmpi ne, %sign3A_5, %sign3A_12 : i32
    %rem3A = arith.remsi %arg0, %jit3A : i32
    %ne3A_13 = arith.constant 0 : i32
    %ne3A_14 = arith.cmpi ne, %rem3A, %ne3A_13 : i32
    %and3A = arith.andi %ne3A, %ne3A_14 : i1
    %sub3A = arith.constant 1 : i32
    %sub3A_15 = arith.subi %div3A, %sub3A : i32
    %select_n3A = arith.select %and3A, %sub3A_15, %div3A : i32
    %c0_i32 = arith.constant 0 : i32
    %c0_i32_16 = arith.constant 0 : i32
    %c0_i32_17 = arith.constant 0 : i32
    return %select_n3A, %c0_i32, %c0_i32_16 : i32, i32, i32
  }
  func.func @transform_9(%arg0: i32) -> (i32, i32) {
    %c0_i32 = arith.constant 0 : i32
    %c0_i32_0 = arith.constant 0 : i32
    %c0_i32_1 = arith.constant 0 : i32
    return %c0_i32, %c0_i32_0 : i32, i32
  }
}

module attributes {stable_mosaic.version = 14 : i64} {
  func.func @_conv1_body(%arg0: i32, %arg1: memref<8x1024x128xbf16, #tpu.memory_space<vmem>>, %arg2: memref<1024x1024xf32, #tpu.memory_space<vmem>>, %arg3: memref<1x128xf32, #tpu.memory_space<vmem>>, %arg4: memref<8x1024x128xf32, #tpu.memory_space<vmem>>, %arg5: memref<1x1024x128xf32, #tpu.memory_space<vmem>>, %arg6: memref<4x128xf32, #tpu.memory_space<vmem>>, %arg7: memref<1024x1024xbf16, #tpu.memory_space<vmem>>, %arg8: memref<1024x2xf32, #tpu.memory_space<vmem>>) attributes {dimension_semantics = [#tpu.dimension_semantics<arbitrary>], iteration_bounds = array<i64: 4>, scalar_prefetch = 0 : i64, scratch_operands = 1 : i64, tpu.core_type = #tpu.core_type<tc>, window_params = [{transform_indices = @transform_0, window_bounds = array<i64: 8, 1024, 128>}, {pipeline_mode = #tpu.pipeline_mode<synchronous>, transform_indices = @transform_1, window_bounds = array<i64: 1024, 1024>}, {pipeline_mode = #tpu.pipeline_mode<synchronous>, transform_indices = @transform_2, window_bounds = array<i64: 1, 128>}, {transform_indices = @transform_3, window_bounds = array<i64: 8, 1024, 128>}, {transform_indices = @transform_4, window_bounds = array<i64: 1, 1024, 128>}, {pipeline_mode = #tpu.pipeline_mode<synchronous>, transform_indices = @transform_5, window_bounds = array<i64: 4, 128>}, {pipeline_mode = #tpu.pipeline_mode<synchronous>, transform_indices = @transform_6, window_bounds = array<i64: 1024, 1024>}]} {
    %eq3A = arith.constant 0 : i32
    %eq3A_0 = arith.cmpi eq, %arg0, %eq3A : i32
    %convert_element_type3A = arith.extui %eq3A_0 : i1 to i32
    %cond3A = arith.constant 0 : i32
    %cond3A_1 = arith.cmpi ne, %convert_element_type3A, %cond3A : i32
    scf.if %cond3A_1 {
      %get3A_286 = arith.constant 0 : index
      %get3A_287 = arith.constant 0 : index
      %get3A_288 = vector.load %arg2[%get3A_286, %get3A_287] : memref<1024x1024xf32, #tpu.memory_space<vmem>>, vector<1024x1024xf32>
      %convert_element_type3A_289 = arith.truncf %get3A_288 : vector<1024x1024xf32> to vector<1024x1024xbf16>
      %swap3A_290 = arith.constant 0 : index
      %swap3A_291 = arith.constant 0 : index
      %swap3A_292 = vector.load %arg7[%swap3A_290, %swap3A_291] : memref<1024x1024xbf16, #tpu.memory_space<vmem>>, vector<1024x1024xbf16>
      tpu.vector_store %arg7[%swap3A_290, %swap3A_291], %convert_element_type3A_289 {strides = array<i32>} : memref<1024x1024xbf16, #tpu.memory_space<vmem>>, vector<1024x1024xbf16>,
      %broadcast_in_dim3A_293 = arith.constant 1.000000e+00 : f32
      %broadcast_in_dim3A_294 = vector.broadcast %broadcast_in_dim3A_293 : f32 to vector<1024x1xf32>
      %dot_general3A_295 = arith.constant dense<0.000000e+00> : vector<1024x1xf32>
      %dot_general3A_296 = tpu.matmul %get3A_288, %broadcast_in_dim3A_294, %dot_general3A_295 {dimension_numbers = #tpu.dot_dimension_numbers<[1], [0], [0], [1], [0, 0, 1, 1], [], []>, transpose_lhs_hint = false} : vector<1024x1024xf32>, vector<1024x1xf32>, vector<1024x1xf32> -> vector<1024x1xf32>
      %add3A_297 = arith.constant 2.000000e+00 : f32
      %add3A_298 = vector.broadcast %add3A_297 : f32 to vector<1024x1xf32>
      %add3A_299 = arith.addf %dot_general3A_296, %add3A_298 : vector<1024x1xf32>
      %rsqrt3A = math.rsqrt %add3A_299 : vector<1024x1xf32>
      %div3A = arith.constant 2.000000e+00 : f32
      %div3A_300 = vector.broadcast %div3A : f32 to vector<1024x1xf32>
      %div3A_301 = arith.divf %div3A_300, %add3A_299 : vector<1024x1xf32>
      %concatenate3A_302 = tpu.concatenate %rsqrt3A, %div3A_301 in 1 : vector<1024x1xf32>, vector<1024x1xf32> -> vector<1024x2xf32>
      %swap3A_303 = arith.constant 0 : index
      %swap3A_304 = arith.constant 0 : index
      %swap3A_305 = vector.load %arg8[%swap3A_303, %swap3A_304] : memref<1024x2xf32, #tpu.memory_space<vmem>>, vector<1024x2xf32>
      tpu.vector_store %arg8[%swap3A_303, %swap3A_304], %concatenate3A_302 {strides = array<i32>} : memref<1024x2xf32, #tpu.memory_space<vmem>>, vector<1024x2xf32>,
    } else {
    }
    %get3A = arith.constant 0 : index
    %get3A_2 = arith.constant 0 : index
    %get3A_3 = vector.load %arg7[%get3A, %get3A_2] : memref<1024x1024xbf16, #tpu.memory_space<vmem>>, vector<1024x1024xbf16>
    %get3A_4 = arith.constant 0 : index
    %get3A_5 = arith.constant 0 : index
    %get3A_6 = vector.load %arg8[%get3A_4, %get3A_5] : memref<1024x2xf32, #tpu.memory_space<vmem>>, vector<1024x1xf32>
    %get3A_7 = arith.constant 0 : index
    %get3A_8 = arith.constant 1 : index
    %get3A_9 = vector.load %arg8[%get3A_7, %get3A_8] : memref<1024x2xf32, #tpu.memory_space<vmem>>, vector<1024x1xf32>
    %get3A_10 = arith.constant 0 : index
    %get3A_11 = arith.constant 0 : index
    %get3A_12 = arith.constant 0 : index
    %get3A_13 = vector.load %arg1[%get3A_10, %get3A_11, %get3A_12] : memref<8x1024x128xbf16, #tpu.memory_space<vmem>>, vector<1x1024x128xbf16>
    %get3A_14 = vector.shape_cast %get3A_13 : vector<1x1024x128xbf16> to vector<1024x128xbf16>
    %convert_element_type3A_15 = arith.extf %get3A_14 : vector<1024x128xbf16> to vector<1024x128xf32>
    %get3A_16 = arith.constant 1 : index
    %get3A_17 = arith.constant 0 : index
    %get3A_18 = arith.constant 0 : index
    %get3A_19 = vector.load %arg1[%get3A_16, %get3A_17, %get3A_18] : memref<8x1024x128xbf16, #tpu.memory_space<vmem>>, vector<1x1024x128xbf16>
    %get3A_20 = vector.shape_cast %get3A_19 : vector<1x1024x128xbf16> to vector<1024x128xbf16>
    %convert_element_type3A_21 = arith.extf %get3A_20 : vector<1024x128xbf16> to vector<1024x128xf32>
    %get3A_22 = arith.constant 2 : index
    %get3A_23 = arith.constant 0 : index
    %get3A_24 = arith.constant 0 : index
    %get3A_25 = vector.load %arg1[%get3A_22, %get3A_23, %get3A_24] : memref<8x1024x128xbf16, #tpu.memory_space<vmem>>, vector<1x1024x128xbf16>
    %get3A_26 = vector.shape_cast %get3A_25 : vector<1x1024x128xbf16> to vector<1024x128xbf16>
    %convert_element_type3A_27 = arith.extf %get3A_26 : vector<1024x128xbf16> to vector<1024x128xf32>
    %get3A_28 = arith.constant 3 : index
    %get3A_29 = arith.constant 0 : index
    %get3A_30 = arith.constant 0 : index
    %get3A_31 = vector.load %arg1[%get3A_28, %get3A_29, %get3A_30] : memref<8x1024x128xbf16, #tpu.memory_space<vmem>>, vector<1x1024x128xbf16>
    %get3A_32 = vector.shape_cast %get3A_31 : vector<1x1024x128xbf16> to vector<1024x128xbf16>
    %convert_element_type3A_33 = arith.extf %get3A_32 : vector<1024x128xbf16> to vector<1024x128xf32>
    %get3A_34 = arith.constant 4 : index
    %get3A_35 = arith.constant 0 : index
    %get3A_36 = arith.constant 0 : index
    %get3A_37 = vector.load %arg1[%get3A_34, %get3A_35, %get3A_36] : memref<8x1024x128xbf16, #tpu.memory_space<vmem>>, vector<1x1024x128xbf16>
    %get3A_38 = vector.shape_cast %get3A_37 : vector<1x1024x128xbf16> to vector<1024x128xbf16>
    %convert_element_type3A_39 = arith.extf %get3A_38 : vector<1024x128xbf16> to vector<1024x128xf32>
    %get3A_40 = arith.constant 5 : index
    %get3A_41 = arith.constant 0 : index
    %get3A_42 = arith.constant 0 : index
    %get3A_43 = vector.load %arg1[%get3A_40, %get3A_41, %get3A_42] : memref<8x1024x128xbf16, #tpu.memory_space<vmem>>, vector<1x1024x128xbf16>
    %get3A_44 = vector.shape_cast %get3A_43 : vector<1x1024x128xbf16> to vector<1024x128xbf16>
    %convert_element_type3A_45 = arith.extf %get3A_44 : vector<1024x128xbf16> to vector<1024x128xf32>
    %get3A_46 = arith.constant 6 : index
    %get3A_47 = arith.constant 0 : index
    %get3A_48 = arith.constant 0 : index
    %get3A_49 = vector.load %arg1[%get3A_46, %get3A_47, %get3A_48] : memref<8x1024x128xbf16, #tpu.memory_space<vmem>>, vector<1x1024x128xbf16>
    %get3A_50 = vector.shape_cast %get3A_49 : vector<1x1024x128xbf16> to vector<1024x128xbf16>
    %convert_element_type3A_51 = arith.extf %get3A_50 : vector<1024x128xbf16> to vector<1024x128xf32>
    %get3A_52 = arith.constant 7 : index
    %get3A_53 = arith.constant 0 : index
    %get3A_54 = arith.constant 0 : index
    %get3A_55 = vector.load %arg1[%get3A_52, %get3A_53, %get3A_54] : memref<8x1024x128xbf16, #tpu.memory_space<vmem>>, vector<1x1024x128xbf16>
    %get3A_56 = vector.shape_cast %get3A_55 : vector<1x1024x128xbf16> to vector<1024x128xbf16>
    %convert_element_type3A_57 = arith.extf %get3A_56 : vector<1024x128xbf16> to vector<1024x128xf32>
    %mul3A = vector.broadcast %get3A_6 : vector<1024x1xf32> to vector<1024x128xf32>
    %mul3A_58 = arith.mulf %convert_element_type3A_15, %mul3A : vector<1024x128xf32>
    %mul3A_59 = vector.broadcast %get3A_6 : vector<1024x1xf32> to vector<1024x128xf32>
    %mul3A_60 = arith.mulf %convert_element_type3A_21, %mul3A_59 : vector<1024x128xf32>
    %mul3A_61 = vector.broadcast %get3A_6 : vector<1024x1xf32> to vector<1024x128xf32>
    %mul3A_62 = arith.mulf %convert_element_type3A_27, %mul3A_61 : vector<1024x128xf32>
    %mul3A_63 = vector.broadcast %get3A_6 : vector<1024x1xf32> to vector<1024x128xf32>
    %mul3A_64 = arith.mulf %convert_element_type3A_33, %mul3A_63 : vector<1024x128xf32>
    %mul3A_65 = vector.broadcast %get3A_6 : vector<1024x1xf32> to vector<1024x128xf32>
    %mul3A_66 = arith.mulf %convert_element_type3A_39, %mul3A_65 : vector<1024x128xf32>
    %mul3A_67 = vector.broadcast %get3A_6 : vector<1024x1xf32> to vector<1024x128xf32>
    %mul3A_68 = arith.mulf %convert_element_type3A_45, %mul3A_67 : vector<1024x128xf32>
    %mul3A_69 = vector.broadcast %get3A_6 : vector<1024x1xf32> to vector<1024x128xf32>
    %mul3A_70 = arith.mulf %convert_element_type3A_51, %mul3A_69 : vector<1024x128xf32>
    %mul3A_71 = vector.broadcast %get3A_6 : vector<1024x1xf32> to vector<1024x128xf32>
    %mul3A_72 = arith.mulf %convert_element_type3A_57, %mul3A_71 : vector<1024x128xf32>
    %concatenate3A = tpu.concatenate %mul3A_58, %mul3A_60, %mul3A_62, %mul3A_64, %mul3A_66, %mul3A_68, %mul3A_70, %mul3A_72 in 1 : vector<1024x128xf32>, vector<1024x128xf32>, vector<1024x128xf32>, vector<1024x128xf32>, vector<1024x128xf32>, vector<1024x128xf32>, vector<1024x128xf32>, vector<1024x128xf32> -> vector<1024x1024xf32>
    %convert_element_type3A_73 = arith.truncf %concatenate3A : vector<1024x1024xf32> to vector<1024x1024xbf16>
    %dot_general3A = arith.constant dense<0.000000e+00> : vector<1024x1024xf32>
    %dot_general3A_74 = tpu.matmul %get3A_3, %convert_element_type3A_73, %dot_general3A {dimension_numbers = #tpu.dot_dimension_numbers<[1], [0], [0], [1], [0, 0, 1, 1], [], []>, transpose_lhs_hint = false} : vector<1024x1024xbf16>, vector<1024x1024xbf16>, vector<1024x1024xf32> -> vector<1024x1024xf32>
    %slice3A = vector.extract_strided_slice %dot_general3A_74 {offsets = [0, 0], sizes = [1024, 128], strides = [1, 1]} : vector<1024x1024xf32> to vector<1024x128xf32>
    %mul3A_75 = vector.broadcast %get3A_6 : vector<1024x1xf32> to vector<1024x128xf32>
    %mul3A_76 = arith.mulf %slice3A, %mul3A_75 : vector<1024x128xf32>
    %mul3A_77 = vector.broadcast %get3A_9 : vector<1024x1xf32> to vector<1024x128xf32>
    %mul3A_78 = arith.mulf %convert_element_type3A_15, %mul3A_77 : vector<1024x128xf32>
    %add3A = arith.addf %mul3A_76, %mul3A_78 : vector<1024x128xf32>
    %get3A_79 = arith.constant 0 : index
    %get3A_80 = arith.constant 0 : index
    %get3A_81 = vector.load %arg3[%get3A_79, %get3A_80] : memref<1x128xf32, #tpu.memory_space<vmem>>, vector<1x128xf32>
    %add3A_82 = vector.broadcast %get3A_81 : vector<1x128xf32> to vector<1024x128xf32>
    %add3A_83 = arith.addf %add3A, %add3A_82 : vector<1024x128xf32>
    %slice3A_84 = vector.extract_strided_slice %dot_general3A_74 {offsets = [0, 128], sizes = [1024, 128], strides = [1, 1]} : vector<1024x1024xf32> to vector<1024x128xf32>
    %mul3A_85 = vector.broadcast %get3A_6 : vector<1024x1xf32> to vector<1024x128xf32>
    %mul3A_86 = arith.mulf %slice3A_84, %mul3A_85 : vector<1024x128xf32>
    %mul3A_87 = vector.broadcast %get3A_9 : vector<1024x1xf32> to vector<1024x128xf32>
    %mul3A_88 = arith.mulf %convert_element_type3A_21, %mul3A_87 : vector<1024x128xf32>
    %add3A_89 = arith.addf %mul3A_86, %mul3A_88 : vector<1024x128xf32>
    %get3A_90 = arith.constant 0 : index
    %get3A_91 = arith.constant 0 : index
    %get3A_92 = vector.load %arg3[%get3A_90, %get3A_91] : memref<1x128xf32, #tpu.memory_space<vmem>>, vector<1x128xf32>
    %add3A_93 = vector.broadcast %get3A_92 : vector<1x128xf32> to vector<1024x128xf32>
    %add3A_94 = arith.addf %add3A_89, %add3A_93 : vector<1024x128xf32>
    %slice3A_95 = vector.extract_strided_slice %dot_general3A_74 {offsets = [0, 256], sizes = [1024, 128], strides = [1, 1]} : vector<1024x1024xf32> to vector<1024x128xf32>
    %mul3A_96 = vector.broadcast %get3A_6 : vector<1024x1xf32> to vector<1024x128xf32>
    %mul3A_97 = arith.mulf %slice3A_95, %mul3A_96 : vector<1024x128xf32>
    %mul3A_98 = vector.broadcast %get3A_9 : vector<1024x1xf32> to vector<1024x128xf32>
    %mul3A_99 = arith.mulf %convert_element_type3A_27, %mul3A_98 : vector<1024x128xf32>
    %add3A_100 = arith.addf %mul3A_97, %mul3A_99 : vector<1024x128xf32>
    %get3A_101 = arith.constant 0 : index
    %get3A_102 = arith.constant 0 : index
    %get3A_103 = vector.load %arg3[%get3A_101, %get3A_102] : memref<1x128xf32, #tpu.memory_space<vmem>>, vector<1x128xf32>
    %add3A_104 = vector.broadcast %get3A_103 : vector<1x128xf32> to vector<1024x128xf32>
    %add3A_105 = arith.addf %add3A_100, %add3A_104 : vector<1024x128xf32>
    %slice3A_106 = vector.extract_strided_slice %dot_general3A_74 {offsets = [0, 384], sizes = [1024, 128], strides = [1, 1]} : vector<1024x1024xf32> to vector<1024x128xf32>
    %mul3A_107 = vector.broadcast %get3A_6 : vector<1024x1xf32> to vector<1024x128xf32>
    %mul3A_108 = arith.mulf %slice3A_106, %mul3A_107 : vector<1024x128xf32>
    %mul3A_109 = vector.broadcast %get3A_9 : vector<1024x1xf32> to vector<1024x128xf32>
    %mul3A_110 = arith.mulf %convert_element_type3A_33, %mul3A_109 : vector<1024x128xf32>
    %add3A_111 = arith.addf %mul3A_108, %mul3A_110 : vector<1024x128xf32>
    %get3A_112 = arith.constant 0 : index
    %get3A_113 = arith.constant 0 : index
    %get3A_114 = vector.load %arg3[%get3A_112, %get3A_113] : memref<1x128xf32, #tpu.memory_space<vmem>>, vector<1x128xf32>
    %add3A_115 = vector.broadcast %get3A_114 : vector<1x128xf32> to vector<1024x128xf32>
    %add3A_116 = arith.addf %add3A_111, %add3A_115 : vector<1024x128xf32>
    %slice3A_117 = vector.extract_strided_slice %dot_general3A_74 {offsets = [0, 512], sizes = [1024, 128], strides = [1, 1]} : vector<1024x1024xf32> to vector<1024x128xf32>
    %mul3A_118 = vector.broadcast %get3A_6 : vector<1024x1xf32> to vector<1024x128xf32>
    %mul3A_119 = arith.mulf %slice3A_117, %mul3A_118 : vector<1024x128xf32>
    %mul3A_120 = vector.broadcast %get3A_9 : vector<1024x1xf32> to vector<1024x128xf32>
    %mul3A_121 = arith.mulf %convert_element_type3A_39, %mul3A_120 : vector<1024x128xf32>
    %add3A_122 = arith.addf %mul3A_119, %mul3A_121 : vector<1024x128xf32>
    %get3A_123 = arith.constant 0 : index
    %get3A_124 = arith.constant 0 : index
    %get3A_125 = vector.load %arg3[%get3A_123, %get3A_124] : memref<1x128xf32, #tpu.memory_space<vmem>>, vector<1x128xf32>
    %add3A_126 = vector.broadcast %get3A_125 : vector<1x128xf32> to vector<1024x128xf32>
    %add3A_127 = arith.addf %add3A_122, %add3A_126 : vector<1024x128xf32>
    %slice3A_128 = vector.extract_strided_slice %dot_general3A_74 {offsets = [0, 640], sizes = [1024, 128], strides = [1, 1]} : vector<1024x1024xf32> to vector<1024x128xf32>
    %mul3A_129 = vector.broadcast %get3A_6 : vector<1024x1xf32> to vector<1024x128xf32>
    %mul3A_130 = arith.mulf %slice3A_128, %mul3A_129 : vector<1024x128xf32>
    %mul3A_131 = vector.broadcast %get3A_9 : vector<1024x1xf32> to vector<1024x128xf32>
    %mul3A_132 = arith.mulf %convert_element_type3A_45, %mul3A_131 : vector<1024x128xf32>
    %add3A_133 = arith.addf %mul3A_130, %mul3A_132 : vector<1024x128xf32>
    %get3A_134 = arith.constant 0 : index
    %get3A_135 = arith.constant 0 : index
    %get3A_136 = vector.load %arg3[%get3A_134, %get3A_135] : memref<1x128xf32, #tpu.memory_space<vmem>>, vector<1x128xf32>
    %add3A_137 = vector.broadcast %get3A_136 : vector<1x128xf32> to vector<1024x128xf32>
    %add3A_138 = arith.addf %add3A_133, %add3A_137 : vector<1024x128xf32>
    %slice3A_139 = vector.extract_strided_slice %dot_general3A_74 {offsets = [0, 768], sizes = [1024, 128], strides = [1, 1]} : vector<1024x1024xf32> to vector<1024x128xf32>
    %mul3A_140 = vector.broadcast %get3A_6 : vector<1024x1xf32> to vector<1024x128xf32>
    %mul3A_141 = arith.mulf %slice3A_139, %mul3A_140 : vector<1024x128xf32>
    %mul3A_142 = vector.broadcast %get3A_9 : vector<1024x1xf32> to vector<1024x128xf32>
    %mul3A_143 = arith.mulf %convert_element_type3A_51, %mul3A_142 : vector<1024x128xf32>
    %add3A_144 = arith.addf %mul3A_141, %mul3A_143 : vector<1024x128xf32>
    %get3A_145 = arith.constant 0 : index
    %get3A_146 = arith.constant 0 : index
    %get3A_147 = vector.load %arg3[%get3A_145, %get3A_146] : memref<1x128xf32, #tpu.memory_space<vmem>>, vector<1x128xf32>
    %add3A_148 = vector.broadcast %get3A_147 : vector<1x128xf32> to vector<1024x128xf32>
    %add3A_149 = arith.addf %add3A_144, %add3A_148 : vector<1024x128xf32>
    %slice3A_150 = vector.extract_strided_slice %dot_general3A_74 {offsets = [0, 896], sizes = [1024, 128], strides = [1, 1]} : vector<1024x1024xf32> to vector<1024x128xf32>
    %mul3A_151 = vector.broadcast %get3A_6 : vector<1024x1xf32> to vector<1024x128xf32>
    %mul3A_152 = arith.mulf %slice3A_150, %mul3A_151 : vector<1024x128xf32>
    %mul3A_153 = vector.broadcast %get3A_9 : vector<1024x1xf32> to vector<1024x128xf32>
    %mul3A_154 = arith.mulf %convert_element_type3A_57, %mul3A_153 : vector<1024x128xf32>
    %add3A_155 = arith.addf %mul3A_152, %mul3A_154 : vector<1024x128xf32>
    %get3A_156 = arith.constant 0 : index
    %get3A_157 = arith.constant 0 : index
    %get3A_158 = vector.load %arg3[%get3A_156, %get3A_157] : memref<1x128xf32, #tpu.memory_space<vmem>>, vector<1x128xf32>
    %add3A_159 = vector.broadcast %get3A_158 : vector<1x128xf32> to vector<1024x128xf32>
    %add3A_160 = arith.addf %add3A_155, %add3A_159 : vector<1024x128xf32>
    %swap3A = arith.constant 0 : index
    %swap3A_161 = arith.constant 0 : index
    %swap3A_162 = arith.constant 0 : index
    %swap3A_163 = vector.load %arg4[%swap3A, %swap3A_161, %swap3A_162] : memref<8x1024x128xf32, #tpu.memory_space<vmem>>, vector<1x1024x128xf32>
    %swap3A_164 = vector.shape_cast %swap3A_163 : vector<1x1024x128xf32> to vector<1024x128xf32>
    %swap3A_165 = vector.shape_cast %add3A_83 : vector<1024x128xf32> to vector<1x1024x128xf32>
    tpu.vector_store %arg4[%swap3A, %swap3A_161, %swap3A_162], %swap3A_165 {strides = array<i32>} : memref<8x1024x128xf32, #tpu.memory_space<vmem>>, vector<1x1024x128xf32>,
    %swap3A_166 = arith.constant 1 : index
    %swap3A_167 = arith.constant 0 : index
    %swap3A_168 = arith.constant 0 : index
    %swap3A_169 = vector.load %arg4[%swap3A_166, %swap3A_167, %swap3A_168] : memref<8x1024x128xf32, #tpu.memory_space<vmem>>, vector<1x1024x128xf32>
    %swap3A_170 = vector.shape_cast %swap3A_169 : vector<1x1024x128xf32> to vector<1024x128xf32>
    %swap3A_171 = vector.shape_cast %add3A_94 : vector<1024x128xf32> to vector<1x1024x128xf32>
    tpu.vector_store %arg4[%swap3A_166, %swap3A_167, %swap3A_168], %swap3A_171 {strides = array<i32>} : memref<8x1024x128xf32, #tpu.memory_space<vmem>>, vector<1x1024x128xf32>,
    %swap3A_172 = arith.constant 2 : index
    %swap3A_173 = arith.constant 0 : index
    %swap3A_174 = arith.constant 0 : index
    %swap3A_175 = vector.load %arg4[%swap3A_172, %swap3A_173, %swap3A_174] : memref<8x1024x128xf32, #tpu.memory_space<vmem>>, vector<1x1024x128xf32>
    %swap3A_176 = vector.shape_cast %swap3A_175 : vector<1x1024x128xf32> to vector<1024x128xf32>
    %swap3A_177 = vector.shape_cast %add3A_105 : vector<1024x128xf32> to vector<1x1024x128xf32>
    tpu.vector_store %arg4[%swap3A_172, %swap3A_173, %swap3A_174], %swap3A_177 {strides = array<i32>} : memref<8x1024x128xf32, #tpu.memory_space<vmem>>, vector<1x1024x128xf32>,
    %swap3A_178 = arith.constant 3 : index
    %swap3A_179 = arith.constant 0 : index
    %swap3A_180 = arith.constant 0 : index
    %swap3A_181 = vector.load %arg4[%swap3A_178, %swap3A_179, %swap3A_180] : memref<8x1024x128xf32, #tpu.memory_space<vmem>>, vector<1x1024x128xf32>
    %swap3A_182 = vector.shape_cast %swap3A_181 : vector<1x1024x128xf32> to vector<1024x128xf32>
    %swap3A_183 = vector.shape_cast %add3A_116 : vector<1024x128xf32> to vector<1x1024x128xf32>
    tpu.vector_store %arg4[%swap3A_178, %swap3A_179, %swap3A_180], %swap3A_183 {strides = array<i32>} : memref<8x1024x128xf32, #tpu.memory_space<vmem>>, vector<1x1024x128xf32>,
    %swap3A_184 = arith.constant 4 : index
    %swap3A_185 = arith.constant 0 : index
    %swap3A_186 = arith.constant 0 : index
    %swap3A_187 = vector.load %arg4[%swap3A_184, %swap3A_185, %swap3A_186] : memref<8x1024x128xf32, #tpu.memory_space<vmem>>, vector<1x1024x128xf32>
    %swap3A_188 = vector.shape_cast %swap3A_187 : vector<1x1024x128xf32> to vector<1024x128xf32>
    %swap3A_189 = vector.shape_cast %add3A_127 : vector<1024x128xf32> to vector<1x1024x128xf32>
    tpu.vector_store %arg4[%swap3A_184, %swap3A_185, %swap3A_186], %swap3A_189 {strides = array<i32>} : memref<8x1024x128xf32, #tpu.memory_space<vmem>>, vector<1x1024x128xf32>,
    %swap3A_190 = arith.constant 5 : index
    %swap3A_191 = arith.constant 0 : index
    %swap3A_192 = arith.constant 0 : index
    %swap3A_193 = vector.load %arg4[%swap3A_190, %swap3A_191, %swap3A_192] : memref<8x1024x128xf32, #tpu.memory_space<vmem>>, vector<1x1024x128xf32>
    %swap3A_194 = vector.shape_cast %swap3A_193 : vector<1x1024x128xf32> to vector<1024x128xf32>
    %swap3A_195 = vector.shape_cast %add3A_138 : vector<1024x128xf32> to vector<1x1024x128xf32>
    tpu.vector_store %arg4[%swap3A_190, %swap3A_191, %swap3A_192], %swap3A_195 {strides = array<i32>} : memref<8x1024x128xf32, #tpu.memory_space<vmem>>, vector<1x1024x128xf32>,
    %swap3A_196 = arith.constant 6 : index
    %swap3A_197 = arith.constant 0 : index
    %swap3A_198 = arith.constant 0 : index
    %swap3A_199 = vector.load %arg4[%swap3A_196, %swap3A_197, %swap3A_198] : memref<8x1024x128xf32, #tpu.memory_space<vmem>>, vector<1x1024x128xf32>
    %swap3A_200 = vector.shape_cast %swap3A_199 : vector<1x1024x128xf32> to vector<1024x128xf32>
    %swap3A_201 = vector.shape_cast %add3A_149 : vector<1024x128xf32> to vector<1x1024x128xf32>
    tpu.vector_store %arg4[%swap3A_196, %swap3A_197, %swap3A_198], %swap3A_201 {strides = array<i32>} : memref<8x1024x128xf32, #tpu.memory_space<vmem>>, vector<1x1024x128xf32>,
    %swap3A_202 = arith.constant 7 : index
    %swap3A_203 = arith.constant 0 : index
    %swap3A_204 = arith.constant 0 : index
    %swap3A_205 = vector.load %arg4[%swap3A_202, %swap3A_203, %swap3A_204] : memref<8x1024x128xf32, #tpu.memory_space<vmem>>, vector<1x1024x128xf32>
    %swap3A_206 = vector.shape_cast %swap3A_205 : vector<1x1024x128xf32> to vector<1024x128xf32>
    %swap3A_207 = vector.shape_cast %add3A_160 : vector<1024x128xf32> to vector<1x1024x128xf32>
    tpu.vector_store %arg4[%swap3A_202, %swap3A_203, %swap3A_204], %swap3A_207 {strides = array<i32>} : memref<8x1024x128xf32, #tpu.memory_space<vmem>>, vector<1x1024x128xf32>,
    %eq3A_208 = arith.constant 0 : i32
    %eq3A_209 = arith.cmpi eq, %arg0, %eq3A_208 : i32
    %convert_element_type3A_210 = arith.extui %eq3A_209 : i1 to i32
    %cond3A_211 = arith.constant 0 : i32
    %cond3A_212 = arith.cmpi ne, %convert_element_type3A_210, %cond3A_211 : i32
    scf.if %cond3A_212 {
      %broadcast_in_dim3A_286 = arith.constant 0.000000e+00 : f32
      %broadcast_in_dim3A_287 = vector.broadcast %broadcast_in_dim3A_286 : f32 to vector<4x128xf32>
      %swap3A_288 = arith.constant 0 : index
      %swap3A_289 = arith.constant 0 : index
      %swap3A_290 = vector.load %arg6[%swap3A_288, %swap3A_289] : memref<4x128xf32, #tpu.memory_space<vmem>>, vector<4x128xf32>
      tpu.vector_store %arg6[%swap3A_288, %swap3A_289], %broadcast_in_dim3A_287 {strides = array<i32>} : memref<4x128xf32, #tpu.memory_space<vmem>>, vector<4x128xf32>,
    } else {
    }
    %add3A_213 = arith.addf %add3A_83, %add3A_94 : vector<1024x128xf32>
    %add3A_214 = arith.addf %add3A_105, %add3A_116 : vector<1024x128xf32>
    %add3A_215 = arith.addf %add3A_127, %add3A_138 : vector<1024x128xf32>
    %add3A_216 = arith.addf %add3A_149, %add3A_160 : vector<1024x128xf32>
    %add3A_217 = arith.addf %add3A_213, %add3A_214 : vector<1024x128xf32>
    %add3A_218 = arith.addf %add3A_215, %add3A_216 : vector<1024x128xf32>
    %add3A_219 = arith.addf %add3A_217, %add3A_218 : vector<1024x128xf32>
    %mul3A_220 = arith.mulf %add3A_83, %add3A_83 : vector<1024x128xf32>
    %mul3A_221 = arith.mulf %add3A_94, %add3A_94 : vector<1024x128xf32>
    %mul3A_222 = arith.mulf %add3A_105, %add3A_105 : vector<1024x128xf32>
    %mul3A_223 = arith.mulf %add3A_116, %add3A_116 : vector<1024x128xf32>
    %mul3A_224 = arith.mulf %add3A_127, %add3A_127 : vector<1024x128xf32>
    %mul3A_225 = arith.mulf %add3A_138, %add3A_138 : vector<1024x128xf32>
    %mul3A_226 = arith.mulf %add3A_149, %add3A_149 : vector<1024x128xf32>
    %mul3A_227 = arith.mulf %add3A_160, %add3A_160 : vector<1024x128xf32>
    %add3A_228 = arith.addf %mul3A_220, %mul3A_221 : vector<1024x128xf32>
    %add3A_229 = arith.addf %mul3A_222, %mul3A_223 : vector<1024x128xf32>
    %add3A_230 = arith.addf %mul3A_224, %mul3A_225 : vector<1024x128xf32>
    %add3A_231 = arith.addf %mul3A_226, %mul3A_227 : vector<1024x128xf32>
    %add3A_232 = arith.addf %add3A_228, %add3A_229 : vector<1024x128xf32>
    %add3A_233 = arith.addf %add3A_230, %add3A_231 : vector<1024x128xf32>
    %add3A_234 = arith.addf %add3A_232, %add3A_233 : vector<1024x128xf32>
    %get3A_235 = arith.constant 0 : index
    %get3A_236 = arith.constant 0 : index
    %get3A_237 = vector.load %arg6[%get3A_235, %get3A_236] : memref<4x128xf32, #tpu.memory_space<vmem>>, vector<1x128xf32>
    %reduce_sum3A = arith.constant dense<0.000000e+00> : vector<128xf32>
    %reduce_sum3A_238 = vector.multi_reduction <add>, %add3A_219, %reduce_sum3A [0] : vector<1024x128xf32> to vector<128xf32>
    %broadcast_in_dim3A = vector.shape_cast %reduce_sum3A_238 : vector<128xf32> to vector<1x128xf32>
    %add3A_239 = arith.addf %get3A_237, %broadcast_in_dim3A : vector<1x128xf32>
    %swap3A_240 = arith.constant 0 : index
    %swap3A_241 = arith.constant 0 : index
    %swap3A_242 = vector.load %arg6[%swap3A_240, %swap3A_241] : memref<4x128xf32, #tpu.memory_space<vmem>>, vector<1x128xf32>
    tpu.vector_store %arg6[%swap3A_240, %swap3A_241], %add3A_239 {strides = array<i32>} : memref<4x128xf32, #tpu.memory_space<vmem>>, vector<1x128xf32>,
    %get3A_243 = arith.constant 1 : index
    %get3A_244 = arith.constant 0 : index
    %get3A_245 = vector.load %arg6[%get3A_243, %get3A_244] : memref<4x128xf32, #tpu.memory_space<vmem>>, vector<1x128xf32>
    %reduce_sum3A_246 = arith.constant dense<0.000000e+00> : vector<128xf32>
    %reduce_sum3A_247 = vector.multi_reduction <add>, %add3A_234, %reduce_sum3A_246 [0] : vector<1024x128xf32> to vector<128xf32>
    %broadcast_in_dim3A_248 = vector.shape_cast %reduce_sum3A_247 : vector<128xf32> to vector<1x128xf32>
    %add3A_249 = arith.addf %get3A_245, %broadcast_in_dim3A_248 : vector<1x128xf32>
    %swap3A_250 = arith.constant 1 : index
    %swap3A_251 = arith.constant 0 : index
    %swap3A_252 = vector.load %arg6[%swap3A_250, %swap3A_251] : memref<4x128xf32, #tpu.memory_space<vmem>>, vector<1x128xf32>
    tpu.vector_store %arg6[%swap3A_250, %swap3A_251], %add3A_249 {strides = array<i32>} : memref<4x128xf32, #tpu.memory_space<vmem>>, vector<1x128xf32>,
    %max3A = arith.maximumf %add3A_83, %add3A_94 : vector<1024x128xf32>
    %max3A_253 = arith.maximumf %add3A_105, %add3A_116 : vector<1024x128xf32>
    %max3A_254 = arith.maximumf %add3A_127, %add3A_138 : vector<1024x128xf32>
    %max3A_255 = arith.maximumf %add3A_149, %add3A_160 : vector<1024x128xf32>
    %max3A_256 = arith.maximumf %max3A, %max3A_253 : vector<1024x128xf32>
    %max3A_257 = arith.maximumf %max3A_254, %max3A_255 : vector<1024x128xf32>
    %max3A_258 = arith.maximumf %max3A_256, %max3A_257 : vector<1024x128xf32>
    %swap3A_259 = arith.constant 0 : index
    %swap3A_260 = arith.constant 0 : index
    %swap3A_261 = arith.constant 0 : index
    %swap3A_262 = vector.load %arg5[%swap3A_259, %swap3A_260, %swap3A_261] : memref<1x1024x128xf32, #tpu.memory_space<vmem>>, vector<1x1024x128xf32>
    %swap3A_263 = vector.shape_cast %swap3A_262 : vector<1x1024x128xf32> to vector<1024x128xf32>
    %swap3A_264 = vector.shape_cast %max3A_258 : vector<1024x128xf32> to vector<1x1024x128xf32>
    tpu.vector_store %arg5[%swap3A_259, %swap3A_260, %swap3A_261], %swap3A_264 {strides = array<i32>} : memref<1x1024x128xf32, #tpu.memory_space<vmem>>, vector<1x1024x128xf32>,
    %get3A_265 = arith.constant 2 : index
    %get3A_266 = arith.constant 0 : index
    %get3A_267 = vector.load %arg6[%get3A_265, %get3A_266] : memref<4x128xf32, #tpu.memory_space<vmem>>, vector<1x128xf32>
    %reduce_sum3A_268 = arith.constant dense<0.000000e+00> : vector<128xf32>
    %reduce_sum3A_269 = vector.multi_reduction <add>, %max3A_258, %reduce_sum3A_268 [0] : vector<1024x128xf32> to vector<128xf32>
    %broadcast_in_dim3A_270 = vector.shape_cast %reduce_sum3A_269 : vector<128xf32> to vector<1x128xf32>
    %add3A_271 = arith.addf %get3A_267, %broadcast_in_dim3A_270 : vector<1x128xf32>
    %swap3A_272 = arith.constant 2 : index
    %swap3A_273 = arith.constant 0 : index
    %swap3A_274 = vector.load %arg6[%swap3A_272, %swap3A_273] : memref<4x128xf32, #tpu.memory_space<vmem>>, vector<1x128xf32>
    tpu.vector_store %arg6[%swap3A_272, %swap3A_273], %add3A_271 {strides = array<i32>} : memref<4x128xf32, #tpu.memory_space<vmem>>, vector<1x128xf32>,
    %get3A_275 = arith.constant 3 : index
    %get3A_276 = arith.constant 0 : index
    %get3A_277 = vector.load %arg6[%get3A_275, %get3A_276] : memref<4x128xf32, #tpu.memory_space<vmem>>, vector<1x128xf32>
    %mul3A_278 = arith.mulf %max3A_258, %max3A_258 : vector<1024x128xf32>
    %reduce_sum3A_279 = arith.constant dense<0.000000e+00> : vector<128xf32>
    %reduce_sum3A_280 = vector.multi_reduction <add>, %mul3A_278, %reduce_sum3A_279 [0] : vector<1024x128xf32> to vector<128xf32>
    %broadcast_in_dim3A_281 = vector.shape_cast %reduce_sum3A_280 : vector<128xf32> to vector<1x128xf32>
    %add3A_282 = arith.addf %get3A_277, %broadcast_in_dim3A_281 : vector<1x128xf32>
    %swap3A_283 = arith.constant 3 : index
    %swap3A_284 = arith.constant 0 : index
    %swap3A_285 = vector.load %arg6[%swap3A_283, %swap3A_284] : memref<4x128xf32, #tpu.memory_space<vmem>>, vector<1x128xf32>
    tpu.vector_store %arg6[%swap3A_283, %swap3A_284], %add3A_282 {strides = array<i32>} : memref<4x128xf32, #tpu.memory_space<vmem>>, vector<1x128xf32>,
    return
  }
  func.func @transform_0(%arg0: i32) -> (i32, i32, i32) {
    %c0_i32 = arith.constant 0 : i32
    %c0_i32_0 = arith.constant 0 : i32
    %c0_i32_1 = arith.constant 0 : i32
    return %arg0, %c0_i32, %c0_i32_0 : i32, i32, i32
  }
  func.func @transform_1(%arg0: i32) -> (i32, i32) {
    %c0_i32 = arith.constant 0 : i32
    %c0_i32_0 = arith.constant 0 : i32
    %c0_i32_1 = arith.constant 0 : i32
    return %c0_i32, %c0_i32_0 : i32, i32
  }
  func.func @transform_2(%arg0: i32) -> (i32, i32) {
    %c0_i32 = arith.constant 0 : i32
    %c0_i32_0 = arith.constant 0 : i32
    %c0_i32_1 = arith.constant 0 : i32
    return %c0_i32, %c0_i32_0 : i32, i32
  }
  func.func @transform_3(%arg0: i32) -> (i32, i32, i32) {
    %c0_i32 = arith.constant 0 : i32
    %c0_i32_0 = arith.constant 0 : i32
    %c0_i32_1 = arith.constant 0 : i32
    return %arg0, %c0_i32, %c0_i32_0 : i32, i32, i32
  }
  func.func @transform_4(%arg0: i32) -> (i32, i32, i32) {
    %jit3A = arith.constant 1 : i32
    %div3A = arith.divsi %arg0, %jit3A : i32
    %sign3A = arith.constant 0 : i32
    %sign3A_0 = arith.cmpi sgt, %arg0, %sign3A : i32
    %sign3A_1 = arith.extui %sign3A_0 : i1 to i32
    %sign3A_2 = arith.constant 0 : i32
    %sign3A_3 = arith.cmpi slt, %arg0, %sign3A_2 : i32
    %sign3A_4 = arith.extui %sign3A_3 : i1 to i32
    %sign3A_5 = arith.subi %sign3A_1, %sign3A_4 : i32
    %sign3A_6 = arith.constant 0 : i32
    %sign3A_7 = arith.cmpi sgt, %jit3A, %sign3A_6 : i32
    %sign3A_8 = arith.extui %sign3A_7 : i1 to i32
    %sign3A_9 = arith.constant 0 : i32
    %sign3A_10 = arith.cmpi slt, %jit3A, %sign3A_9 : i32
    %sign3A_11 = arith.extui %sign3A_10 : i1 to i32
    %sign3A_12 = arith.subi %sign3A_8, %sign3A_11 : i32
    %ne3A = arith.cmpi ne, %sign3A_5, %sign3A_12 : i32
    %rem3A = arith.remsi %arg0, %jit3A : i32
    %ne3A_13 = arith.constant 0 : i32
    %ne3A_14 = arith.cmpi ne, %rem3A, %ne3A_13 : i32
    %and3A = arith.andi %ne3A, %ne3A_14 : i1
    %sub3A = arith.constant 1 : i32
    %sub3A_15 = arith.subi %div3A, %sub3A : i32
    %select_n3A = arith.select %and3A, %sub3A_15, %div3A : i32
    %c0_i32 = arith.constant 0 : i32
    %c0_i32_16 = arith.constant 0 : i32
    %c0_i32_17 = arith.constant 0 : i32
    return %select_n3A, %c0_i32, %c0_i32_16 : i32, i32, i32
  }
  func.func @transform_5(%arg0: i32) -> (i32, i32) {
    %c0_i32 = arith.constant 0 : i32
    %c0_i32_0 = arith.constant 0 : i32
    %c0_i32_1 = arith.constant 0 : i32
    return %c0_i32, %c0_i32_0 : i32, i32
  }
  func.func @transform_6(%arg0: i32) -> (i32, i32) {
    %c0_i32 = arith.constant 0 : i32
    %c0_i32_0 = arith.constant 0 : i32
    %c0_i32_1 = arith.constant 0 : i32
    return %c0_i32, %c0_i32_0 : i32, i32
  }
}

module attributes {stable_mosaic.version = 14 : i64} {
  func.func @_stage2_body(%arg0: i32, %arg1: memref<8x1024x128xf32, #tpu.memory_space<vmem>>, %arg2: memref<1x1024x128xf32, #tpu.memory_space<vmem>>, %arg3: memref<4x128xf32, #tpu.memory_space<vmem>>, %arg4: memref<2x256xf32, #tpu.memory_space<vmem>>, %arg5: memref<256x128xf32, #tpu.memory_space<vmem>>, %arg6: memref<1024x1024xbf16, #tpu.memory_space<vmem>>, %arg7: memref<1x128xf32, #tpu.memory_space<vmem>>, %arg8: memref<8x1024x128xf32, #tpu.memory_space<vmem>>, %arg9: memref<1x1024x128xf32, #tpu.memory_space<vmem>>, %arg10: memref<4x128xf32, #tpu.memory_space<vmem>>, %arg11: memref<1024x2xf32, #tpu.memory_space<vmem>>) attributes {dimension_semantics = [#tpu.dimension_semantics<arbitrary>], iteration_bounds = array<i64: 4>, scalar_prefetch = 0 : i64, scratch_operands = 1 : i64, tpu.core_type = #tpu.core_type<tc>, window_params = [{transform_indices = @transform_0, window_bounds = array<i64: 8, 1024, 128>}, {transform_indices = @transform_1, window_bounds = array<i64: 1, 1024, 128>}, {pipeline_mode = #tpu.pipeline_mode<synchronous>, transform_indices = @transform_2, window_bounds = array<i64: 4, 128>}, {pipeline_mode = #tpu.pipeline_mode<synchronous>, transform_indices = @transform_3, window_bounds = array<i64: 2, 256>}, {pipeline_mode = #tpu.pipeline_mode<synchronous>, transform_indices = @transform_4, window_bounds = array<i64: 256, 128>}, {pipeline_mode = #tpu.pipeline_mode<synchronous>, transform_indices = @transform_5, window_bounds = array<i64: 1024, 1024>}, {pipeline_mode = #tpu.pipeline_mode<synchronous>, transform_indices = @transform_6, window_bounds = array<i64: 1, 128>}, {transform_indices = @transform_7, window_bounds = array<i64: 8, 1024, 128>}, {transform_indices = @transform_8, window_bounds = array<i64: 1, 1024, 128>}, {pipeline_mode = #tpu.pipeline_mode<synchronous>, transform_indices = @transform_9, window_bounds = array<i64: 4, 128>}]} {
    %get3A = arith.constant 0 : index
    %get3A_0 = arith.constant 0 : index
    %get3A_1 = vector.load %arg6[%get3A, %get3A_0] : memref<1024x1024xbf16, #tpu.memory_space<vmem>>, vector<1024x1024xbf16>
    %eq3A = arith.constant 0 : i32
    %eq3A_2 = arith.cmpi eq, %arg0, %eq3A : i32
    %convert_element_type3A = arith.extui %eq3A_2 : i1 to i32
    %cond3A = arith.constant 0 : i32
    %cond3A_3 = arith.cmpi ne, %convert_element_type3A, %cond3A : i32
    scf.if %cond3A_3 {
      %broadcast_in_dim3A_441 = arith.constant 1.000000e+00 : bf16
      %broadcast_in_dim3A_442 = vector.broadcast %broadcast_in_dim3A_441 : bf16 to vector<1024x1xbf16>
      %dot_general3A_443 = arith.constant dense<0.000000e+00> : vector<1024x1xf32>
      %dot_general3A_444 = tpu.matmul %get3A_1, %broadcast_in_dim3A_442, %dot_general3A_443 {dimension_numbers = #tpu.dot_dimension_numbers<[1], [0], [0], [1], [0, 0, 1, 1], [], []>, transpose_lhs_hint = false} : vector<1024x1024xbf16>, vector<1024x1xbf16>, vector<1024x1xf32> -> vector<1024x1xf32>
      %add3A_445 = arith.constant 2.000000e+00 : f32
      %add3A_446 = vector.broadcast %add3A_445 : f32 to vector<1024x1xf32>
      %add3A_447 = arith.addf %dot_general3A_444, %add3A_446 : vector<1024x1xf32>
      %rsqrt3A_448 = math.rsqrt %add3A_447 : vector<1024x1xf32>
      %div3A = arith.constant 2.000000e+00 : f32
      %div3A_449 = vector.broadcast %div3A : f32 to vector<1024x1xf32>
      %div3A_450 = arith.divf %div3A_449, %add3A_447 : vector<1024x1xf32>
      %concatenate3A_451 = tpu.concatenate %rsqrt3A_448, %div3A_450 in 1 : vector<1024x1xf32>, vector<1024x1xf32> -> vector<1024x2xf32>
      %swap3A_452 = arith.constant 0 : index
      %swap3A_453 = arith.constant 0 : index
      %swap3A_454 = vector.load %arg11[%swap3A_452, %swap3A_453] : memref<1024x2xf32, #tpu.memory_space<vmem>>, vector<1024x2xf32>
      tpu.vector_store %arg11[%swap3A_452, %swap3A_453], %concatenate3A_451 {strides = array<i32>} : memref<1024x2xf32, #tpu.memory_space<vmem>>, vector<1024x2xf32>,
    } else {
    }
    %get3A_4 = arith.constant 0 : index
    %get3A_5 = arith.constant 0 : index
    %get3A_6 = vector.load %arg3[%get3A_4, %get3A_5] : memref<4x128xf32, #tpu.memory_space<vmem>>, vector<4x128xf32>
    %slice3A = vector.extract_strided_slice %get3A_6 {offsets = [0, 0], sizes = [1, 128], strides = [1, 1]} : vector<4x128xf32> to vector<1x128xf32>
    %mul3A = arith.constant 3.05175781E-5 : f32
    %mul3A_7 = vector.broadcast %mul3A : f32 to vector<1x128xf32>
    %mul3A_8 = arith.mulf %slice3A, %mul3A_7 : vector<1x128xf32>
    %slice3A_9 = vector.extract_strided_slice %get3A_6 {offsets = [1, 0], sizes = [1, 128], strides = [1, 1]} : vector<4x128xf32> to vector<1x128xf32>
    %mul3A_10 = arith.constant 3.05175781E-5 : f32
    %mul3A_11 = vector.broadcast %mul3A_10 : f32 to vector<1x128xf32>
    %mul3A_12 = arith.mulf %slice3A_9, %mul3A_11 : vector<1x128xf32>
    %mul3A_13 = arith.mulf %mul3A_8, %mul3A_8 : vector<1x128xf32>
    %sub3A = arith.subf %mul3A_12, %mul3A_13 : vector<1x128xf32>
    %get3A_14 = arith.constant 0 : index
    %get3A_15 = arith.constant 0 : index
    %get3A_16 = vector.load %arg4[%get3A_14, %get3A_15] : memref<2x256xf32, #tpu.memory_space<vmem>>, vector<1x128xf32>
    %add3A = arith.constant 9.99999974E-6 : f32
    %add3A_17 = vector.broadcast %add3A : f32 to vector<1x128xf32>
    %add3A_18 = arith.addf %sub3A, %add3A_17 : vector<1x128xf32>
    %rsqrt3A = math.rsqrt %add3A_18 : vector<1x128xf32>
    %mul3A_19 = arith.mulf %get3A_16, %rsqrt3A : vector<1x128xf32>
    %get3A_20 = arith.constant 1 : index
    %get3A_21 = arith.constant 0 : index
    %get3A_22 = vector.load %arg4[%get3A_20, %get3A_21] : memref<2x256xf32, #tpu.memory_space<vmem>>, vector<1x128xf32>
    %mul3A_23 = arith.mulf %mul3A_19, %mul3A_8 : vector<1x128xf32>
    %sub3A_24 = arith.subf %get3A_22, %mul3A_23 : vector<1x128xf32>
    %slice3A_25 = vector.extract_strided_slice %get3A_6 {offsets = [2, 0], sizes = [1, 128], strides = [1, 1]} : vector<4x128xf32> to vector<1x128xf32>
    %mul3A_26 = arith.constant 2.44140625E-4 : f32
    %mul3A_27 = vector.broadcast %mul3A_26 : f32 to vector<1x128xf32>
    %mul3A_28 = arith.mulf %slice3A_25, %mul3A_27 : vector<1x128xf32>
    %slice3A_29 = vector.extract_strided_slice %get3A_6 {offsets = [3, 0], sizes = [1, 128], strides = [1, 1]} : vector<4x128xf32> to vector<1x128xf32>
    %mul3A_30 = arith.constant 2.44140625E-4 : f32
    %mul3A_31 = vector.broadcast %mul3A_30 : f32 to vector<1x128xf32>
    %mul3A_32 = arith.mulf %slice3A_29, %mul3A_31 : vector<1x128xf32>
    %mul3A_33 = arith.mulf %mul3A_28, %mul3A_28 : vector<1x128xf32>
    %sub3A_34 = arith.subf %mul3A_32, %mul3A_33 : vector<1x128xf32>
    %get3A_35 = arith.constant 0 : index
    %get3A_36 = arith.constant 128 : index
    %get3A_37 = vector.load %arg4[%get3A_35, %get3A_36] : memref<2x256xf32, #tpu.memory_space<vmem>>, vector<1x128xf32>
    %add3A_38 = arith.constant 9.99999974E-6 : f32
    %add3A_39 = vector.broadcast %add3A_38 : f32 to vector<1x128xf32>
    %add3A_40 = arith.addf %sub3A_34, %add3A_39 : vector<1x128xf32>
    %rsqrt3A_41 = math.rsqrt %add3A_40 : vector<1x128xf32>
    %mul3A_42 = arith.mulf %get3A_37, %rsqrt3A_41 : vector<1x128xf32>
    %get3A_43 = arith.constant 1 : index
    %get3A_44 = arith.constant 128 : index
    %get3A_45 = vector.load %arg4[%get3A_43, %get3A_44] : memref<2x256xf32, #tpu.memory_space<vmem>>, vector<1x128xf32>
    %mul3A_46 = arith.mulf %mul3A_42, %mul3A_28 : vector<1x128xf32>
    %sub3A_47 = arith.subf %get3A_45, %mul3A_46 : vector<1x128xf32>
    %get3A_48 = arith.constant 0 : index
    %get3A_49 = arith.constant 0 : index
    %get3A_50 = vector.load %arg5[%get3A_48, %get3A_49] : memref<256x128xf32, #tpu.memory_space<vmem>>, vector<256x128xf32>
    %convert_element_type3A_51 = arith.truncf %get3A_50 : vector<256x128xf32> to vector<256x128xbf16>
    %get3A_52 = arith.constant 0 : index
    %get3A_53 = arith.constant 0 : index
    %get3A_54 = arith.constant 0 : index
    %get3A_55 = vector.load %arg2[%get3A_52, %get3A_53, %get3A_54] : memref<1x1024x128xf32, #tpu.memory_space<vmem>>, vector<1x1024x128xf32>
    %get3A_56 = vector.shape_cast %get3A_55 : vector<1x1024x128xf32> to vector<1024x128xf32>
    %mul3A_57 = vector.broadcast %mul3A_42 : vector<1x128xf32> to vector<1024x128xf32>
    %mul3A_58 = arith.mulf %get3A_56, %mul3A_57 : vector<1024x128xf32>
    %add3A_59 = vector.broadcast %sub3A_47 : vector<1x128xf32> to vector<1024x128xf32>
    %add3A_60 = arith.addf %mul3A_58, %add3A_59 : vector<1024x128xf32>
    %max3A = arith.constant 0.000000e+00 : f32
    %max3A_61 = vector.broadcast %max3A : f32 to vector<1024x128xf32>
    %max3A_62 = arith.maximumf %add3A_60, %max3A_61 : vector<1024x128xf32>
    %convert_element_type3A_63 = arith.truncf %max3A_62 : vector<1024x128xf32> to vector<1024x128xbf16>
    %slice3A_64 = vector.extract_strided_slice %convert_element_type3A_51 {offsets = [128, 0], sizes = [128, 128], strides = [1, 1]} : vector<256x128xbf16> to vector<128x128xbf16>
    %dot_general3A = arith.constant dense<0.000000e+00> : vector<1024x128xf32>
    %dot_general3A_65 = tpu.matmul %convert_element_type3A_63, %slice3A_64, %dot_general3A {dimension_numbers = #tpu.dot_dimension_numbers<[1], [0], [0], [1], [0, 0, 1, 1], [], []>, transpose_lhs_hint = false} : vector<1024x128xbf16>, vector<128x128xbf16>, vector<1024x128xf32> -> vector<1024x128xf32>
    %get3A_66 = arith.constant 0 : index
    %get3A_67 = arith.constant 0 : index
    %get3A_68 = arith.constant 0 : index
    %get3A_69 = vector.load %arg1[%get3A_66, %get3A_67, %get3A_68] : memref<8x1024x128xf32, #tpu.memory_space<vmem>>, vector<1x1024x128xf32>
    %get3A_70 = vector.shape_cast %get3A_69 : vector<1x1024x128xf32> to vector<1024x128xf32>
    %mul3A_71 = vector.broadcast %mul3A_19 : vector<1x128xf32> to vector<1024x128xf32>
    %mul3A_72 = arith.mulf %get3A_70, %mul3A_71 : vector<1024x128xf32>
    %add3A_73 = vector.broadcast %sub3A_24 : vector<1x128xf32> to vector<1024x128xf32>
    %add3A_74 = arith.addf %mul3A_72, %add3A_73 : vector<1024x128xf32>
    %max3A_75 = arith.constant 0.000000e+00 : f32
    %max3A_76 = vector.broadcast %max3A_75 : f32 to vector<1024x128xf32>
    %max3A_77 = arith.maximumf %add3A_74, %max3A_76 : vector<1024x128xf32>
    %convert_element_type3A_78 = arith.truncf %max3A_77 : vector<1024x128xf32> to vector<1024x128xbf16>
    %slice3A_79 = vector.extract_strided_slice %convert_element_type3A_51 {offsets = [0, 0], sizes = [128, 128], strides = [1, 1]} : vector<256x128xbf16> to vector<128x128xbf16>
    %dot_general3A_80 = arith.constant dense<0.000000e+00> : vector<1024x128xf32>
    %dot_general3A_81 = tpu.matmul %convert_element_type3A_78, %slice3A_79, %dot_general3A_80 {dimension_numbers = #tpu.dot_dimension_numbers<[1], [0], [0], [1], [0, 0, 1, 1], [], []>, transpose_lhs_hint = false} : vector<1024x128xbf16>, vector<128x128xbf16>, vector<1024x128xf32> -> vector<1024x128xf32>
    %add3A_82 = arith.addf %dot_general3A_81, %dot_general3A_65 : vector<1024x128xf32>
    %get3A_83 = arith.constant 1 : index
    %get3A_84 = arith.constant 0 : index
    %get3A_85 = arith.constant 0 : index
    %get3A_86 = vector.load %arg1[%get3A_83, %get3A_84, %get3A_85] : memref<8x1024x128xf32, #tpu.memory_space<vmem>>, vector<1x1024x128xf32>
    %get3A_87 = vector.shape_cast %get3A_86 : vector<1x1024x128xf32> to vector<1024x128xf32>
    %mul3A_88 = vector.broadcast %mul3A_19 : vector<1x128xf32> to vector<1024x128xf32>
    %mul3A_89 = arith.mulf %get3A_87, %mul3A_88 : vector<1024x128xf32>
    %add3A_90 = vector.broadcast %sub3A_24 : vector<1x128xf32> to vector<1024x128xf32>
    %add3A_91 = arith.addf %mul3A_89, %add3A_90 : vector<1024x128xf32>
    %max3A_92 = arith.constant 0.000000e+00 : f32
    %max3A_93 = vector.broadcast %max3A_92 : f32 to vector<1024x128xf32>
    %max3A_94 = arith.maximumf %add3A_91, %max3A_93 : vector<1024x128xf32>
    %convert_element_type3A_95 = arith.truncf %max3A_94 : vector<1024x128xf32> to vector<1024x128xbf16>
    %slice3A_96 = vector.extract_strided_slice %convert_element_type3A_51 {offsets = [0, 0], sizes = [128, 128], strides = [1, 1]} : vector<256x128xbf16> to vector<128x128xbf16>
    %dot_general3A_97 = arith.constant dense<0.000000e+00> : vector<1024x128xf32>
    %dot_general3A_98 = tpu.matmul %convert_element_type3A_95, %slice3A_96, %dot_general3A_97 {dimension_numbers = #tpu.dot_dimension_numbers<[1], [0], [0], [1], [0, 0, 1, 1], [], []>, transpose_lhs_hint = false} : vector<1024x128xbf16>, vector<128x128xbf16>, vector<1024x128xf32> -> vector<1024x128xf32>
    %add3A_99 = arith.addf %dot_general3A_98, %dot_general3A_65 : vector<1024x128xf32>
    %get3A_100 = arith.constant 2 : index
    %get3A_101 = arith.constant 0 : index
    %get3A_102 = arith.constant 0 : index
    %get3A_103 = vector.load %arg1[%get3A_100, %get3A_101, %get3A_102] : memref<8x1024x128xf32, #tpu.memory_space<vmem>>, vector<1x1024x128xf32>
    %get3A_104 = vector.shape_cast %get3A_103 : vector<1x1024x128xf32> to vector<1024x128xf32>
    %mul3A_105 = vector.broadcast %mul3A_19 : vector<1x128xf32> to vector<1024x128xf32>
    %mul3A_106 = arith.mulf %get3A_104, %mul3A_105 : vector<1024x128xf32>
    %add3A_107 = vector.broadcast %sub3A_24 : vector<1x128xf32> to vector<1024x128xf32>
    %add3A_108 = arith.addf %mul3A_106, %add3A_107 : vector<1024x128xf32>
    %max3A_109 = arith.constant 0.000000e+00 : f32
    %max3A_110 = vector.broadcast %max3A_109 : f32 to vector<1024x128xf32>
    %max3A_111 = arith.maximumf %add3A_108, %max3A_110 : vector<1024x128xf32>
    %convert_element_type3A_112 = arith.truncf %max3A_111 : vector<1024x128xf32> to vector<1024x128xbf16>
    %slice3A_113 = vector.extract_strided_slice %convert_element_type3A_51 {offsets = [0, 0], sizes = [128, 128], strides = [1, 1]} : vector<256x128xbf16> to vector<128x128xbf16>
    %dot_general3A_114 = arith.constant dense<0.000000e+00> : vector<1024x128xf32>
    %dot_general3A_115 = tpu.matmul %convert_element_type3A_112, %slice3A_113, %dot_general3A_114 {dimension_numbers = #tpu.dot_dimension_numbers<[1], [0], [0], [1], [0, 0, 1, 1], [], []>, transpose_lhs_hint = false} : vector<1024x128xbf16>, vector<128x128xbf16>, vector<1024x128xf32> -> vector<1024x128xf32>
    %add3A_116 = arith.addf %dot_general3A_115, %dot_general3A_65 : vector<1024x128xf32>
    %get3A_117 = arith.constant 3 : index
    %get3A_118 = arith.constant 0 : index
    %get3A_119 = arith.constant 0 : index
    %get3A_120 = vector.load %arg1[%get3A_117, %get3A_118, %get3A_119] : memref<8x1024x128xf32, #tpu.memory_space<vmem>>, vector<1x1024x128xf32>
    %get3A_121 = vector.shape_cast %get3A_120 : vector<1x1024x128xf32> to vector<1024x128xf32>
    %mul3A_122 = vector.broadcast %mul3A_19 : vector<1x128xf32> to vector<1024x128xf32>
    %mul3A_123 = arith.mulf %get3A_121, %mul3A_122 : vector<1024x128xf32>
    %add3A_124 = vector.broadcast %sub3A_24 : vector<1x128xf32> to vector<1024x128xf32>
    %add3A_125 = arith.addf %mul3A_123, %add3A_124 : vector<1024x128xf32>
    %max3A_126 = arith.constant 0.000000e+00 : f32
    %max3A_127 = vector.broadcast %max3A_126 : f32 to vector<1024x128xf32>
    %max3A_128 = arith.maximumf %add3A_125, %max3A_127 : vector<1024x128xf32>
    %convert_element_type3A_129 = arith.truncf %max3A_128 : vector<1024x128xf32> to vector<1024x128xbf16>
    %slice3A_130 = vector.extract_strided_slice %convert_element_type3A_51 {offsets = [0, 0], sizes = [128, 128], strides = [1, 1]} : vector<256x128xbf16> to vector<128x128xbf16>
    %dot_general3A_131 = arith.constant dense<0.000000e+00> : vector<1024x128xf32>
    %dot_general3A_132 = tpu.matmul %convert_element_type3A_129, %slice3A_130, %dot_general3A_131 {dimension_numbers = #tpu.dot_dimension_numbers<[1], [0], [0], [1], [0, 0, 1, 1], [], []>, transpose_lhs_hint = false} : vector<1024x128xbf16>, vector<128x128xbf16>, vector<1024x128xf32> -> vector<1024x128xf32>
    %add3A_133 = arith.addf %dot_general3A_132, %dot_general3A_65 : vector<1024x128xf32>
    %get3A_134 = arith.constant 4 : index
    %get3A_135 = arith.constant 0 : index
    %get3A_136 = arith.constant 0 : index
    %get3A_137 = vector.load %arg1[%get3A_134, %get3A_135, %get3A_136] : memref<8x1024x128xf32, #tpu.memory_space<vmem>>, vector<1x1024x128xf32>
    %get3A_138 = vector.shape_cast %get3A_137 : vector<1x1024x128xf32> to vector<1024x128xf32>
    %mul3A_139 = vector.broadcast %mul3A_19 : vector<1x128xf32> to vector<1024x128xf32>
    %mul3A_140 = arith.mulf %get3A_138, %mul3A_139 : vector<1024x128xf32>
    %add3A_141 = vector.broadcast %sub3A_24 : vector<1x128xf32> to vector<1024x128xf32>
    %add3A_142 = arith.addf %mul3A_140, %add3A_141 : vector<1024x128xf32>
    %max3A_143 = arith.constant 0.000000e+00 : f32
    %max3A_144 = vector.broadcast %max3A_143 : f32 to vector<1024x128xf32>
    %max3A_145 = arith.maximumf %add3A_142, %max3A_144 : vector<1024x128xf32>
    %convert_element_type3A_146 = arith.truncf %max3A_145 : vector<1024x128xf32> to vector<1024x128xbf16>
    %slice3A_147 = vector.extract_strided_slice %convert_element_type3A_51 {offsets = [0, 0], sizes = [128, 128], strides = [1, 1]} : vector<256x128xbf16> to vector<128x128xbf16>
    %dot_general3A_148 = arith.constant dense<0.000000e+00> : vector<1024x128xf32>
    %dot_general3A_149 = tpu.matmul %convert_element_type3A_146, %slice3A_147, %dot_general3A_148 {dimension_numbers = #tpu.dot_dimension_numbers<[1], [0], [0], [1], [0, 0, 1, 1], [], []>, transpose_lhs_hint = false} : vector<1024x128xbf16>, vector<128x128xbf16>, vector<1024x128xf32> -> vector<1024x128xf32>
    %add3A_150 = arith.addf %dot_general3A_149, %dot_general3A_65 : vector<1024x128xf32>
    %get3A_151 = arith.constant 5 : index
    %get3A_152 = arith.constant 0 : index
    %get3A_153 = arith.constant 0 : index
    %get3A_154 = vector.load %arg1[%get3A_151, %get3A_152, %get3A_153] : memref<8x1024x128xf32, #tpu.memory_space<vmem>>, vector<1x1024x128xf32>
    %get3A_155 = vector.shape_cast %get3A_154 : vector<1x1024x128xf32> to vector<1024x128xf32>
    %mul3A_156 = vector.broadcast %mul3A_19 : vector<1x128xf32> to vector<1024x128xf32>
    %mul3A_157 = arith.mulf %get3A_155, %mul3A_156 : vector<1024x128xf32>
    %add3A_158 = vector.broadcast %sub3A_24 : vector<1x128xf32> to vector<1024x128xf32>
    %add3A_159 = arith.addf %mul3A_157, %add3A_158 : vector<1024x128xf32>
    %max3A_160 = arith.constant 0.000000e+00 : f32
    %max3A_161 = vector.broadcast %max3A_160 : f32 to vector<1024x128xf32>
    %max3A_162 = arith.maximumf %add3A_159, %max3A_161 : vector<1024x128xf32>
    %convert_element_type3A_163 = arith.truncf %max3A_162 : vector<1024x128xf32> to vector<1024x128xbf16>
    %slice3A_164 = vector.extract_strided_slice %convert_element_type3A_51 {offsets = [0, 0], sizes = [128, 128], strides = [1, 1]} : vector<256x128xbf16> to vector<128x128xbf16>
    %dot_general3A_165 = arith.constant dense<0.000000e+00> : vector<1024x128xf32>
    %dot_general3A_166 = tpu.matmul %convert_element_type3A_163, %slice3A_164, %dot_general3A_165 {dimension_numbers = #tpu.dot_dimension_numbers<[1], [0], [0], [1], [0, 0, 1, 1], [], []>, transpose_lhs_hint = false} : vector<1024x128xbf16>, vector<128x128xbf16>, vector<1024x128xf32> -> vector<1024x128xf32>
    %add3A_167 = arith.addf %dot_general3A_166, %dot_general3A_65 : vector<1024x128xf32>
    %get3A_168 = arith.constant 6 : index
    %get3A_169 = arith.constant 0 : index
    %get3A_170 = arith.constant 0 : index
    %get3A_171 = vector.load %arg1[%get3A_168, %get3A_169, %get3A_170] : memref<8x1024x128xf32, #tpu.memory_space<vmem>>, vector<1x1024x128xf32>
    %get3A_172 = vector.shape_cast %get3A_171 : vector<1x1024x128xf32> to vector<1024x128xf32>
    %mul3A_173 = vector.broadcast %mul3A_19 : vector<1x128xf32> to vector<1024x128xf32>
    %mul3A_174 = arith.mulf %get3A_172, %mul3A_173 : vector<1024x128xf32>
    %add3A_175 = vector.broadcast %sub3A_24 : vector<1x128xf32> to vector<1024x128xf32>
    %add3A_176 = arith.addf %mul3A_174, %add3A_175 : vector<1024x128xf32>
    %max3A_177 = arith.constant 0.000000e+00 : f32
    %max3A_178 = vector.broadcast %max3A_177 : f32 to vector<1024x128xf32>
    %max3A_179 = arith.maximumf %add3A_176, %max3A_178 : vector<1024x128xf32>
    %convert_element_type3A_180 = arith.truncf %max3A_179 : vector<1024x128xf32> to vector<1024x128xbf16>
    %slice3A_181 = vector.extract_strided_slice %convert_element_type3A_51 {offsets = [0, 0], sizes = [128, 128], strides = [1, 1]} : vector<256x128xbf16> to vector<128x128xbf16>
    %dot_general3A_182 = arith.constant dense<0.000000e+00> : vector<1024x128xf32>
    %dot_general3A_183 = tpu.matmul %convert_element_type3A_180, %slice3A_181, %dot_general3A_182 {dimension_numbers = #tpu.dot_dimension_numbers<[1], [0], [0], [1], [0, 0, 1, 1], [], []>, transpose_lhs_hint = false} : vector<1024x128xbf16>, vector<128x128xbf16>, vector<1024x128xf32> -> vector<1024x128xf32>
    %add3A_184 = arith.addf %dot_general3A_183, %dot_general3A_65 : vector<1024x128xf32>
    %get3A_185 = arith.constant 7 : index
    %get3A_186 = arith.constant 0 : index
    %get3A_187 = arith.constant 0 : index
    %get3A_188 = vector.load %arg1[%get3A_185, %get3A_186, %get3A_187] : memref<8x1024x128xf32, #tpu.memory_space<vmem>>, vector<1x1024x128xf32>
    %get3A_189 = vector.shape_cast %get3A_188 : vector<1x1024x128xf32> to vector<1024x128xf32>
    %mul3A_190 = vector.broadcast %mul3A_19 : vector<1x128xf32> to vector<1024x128xf32>
    %mul3A_191 = arith.mulf %get3A_189, %mul3A_190 : vector<1024x128xf32>
    %add3A_192 = vector.broadcast %sub3A_24 : vector<1x128xf32> to vector<1024x128xf32>
    %add3A_193 = arith.addf %mul3A_191, %add3A_192 : vector<1024x128xf32>
    %max3A_194 = arith.constant 0.000000e+00 : f32
    %max3A_195 = vector.broadcast %max3A_194 : f32 to vector<1024x128xf32>
    %max3A_196 = arith.maximumf %add3A_193, %max3A_195 : vector<1024x128xf32>
    %convert_element_type3A_197 = arith.truncf %max3A_196 : vector<1024x128xf32> to vector<1024x128xbf16>
    %slice3A_198 = vector.extract_strided_slice %convert_element_type3A_51 {offsets = [0, 0], sizes = [128, 128], strides = [1, 1]} : vector<256x128xbf16> to vector<128x128xbf16>
    %dot_general3A_199 = arith.constant dense<0.000000e+00> : vector<1024x128xf32>
    %dot_general3A_200 = tpu.matmul %convert_element_type3A_197, %slice3A_198, %dot_general3A_199 {dimension_numbers = #tpu.dot_dimension_numbers<[1], [0], [0], [1], [0, 0, 1, 1], [], []>, transpose_lhs_hint = false} : vector<1024x128xbf16>, vector<128x128xbf16>, vector<1024x128xf32> -> vector<1024x128xf32>
    %add3A_201 = arith.addf %dot_general3A_200, %dot_general3A_65 : vector<1024x128xf32>
    %get3A_202 = arith.constant 0 : index
    %get3A_203 = arith.constant 0 : index
    %get3A_204 = vector.load %arg11[%get3A_202, %get3A_203] : memref<1024x2xf32, #tpu.memory_space<vmem>>, vector<1024x1xf32>
    %get3A_205 = arith.constant 0 : index
    %get3A_206 = arith.constant 1 : index
    %get3A_207 = vector.load %arg11[%get3A_205, %get3A_206] : memref<1024x2xf32, #tpu.memory_space<vmem>>, vector<1024x1xf32>
    %mul3A_208 = vector.broadcast %get3A_204 : vector<1024x1xf32> to vector<1024x128xf32>
    %mul3A_209 = arith.mulf %add3A_82, %mul3A_208 : vector<1024x128xf32>
    %mul3A_210 = vector.broadcast %get3A_204 : vector<1024x1xf32> to vector<1024x128xf32>
    %mul3A_211 = arith.mulf %add3A_99, %mul3A_210 : vector<1024x128xf32>
    %mul3A_212 = vector.broadcast %get3A_204 : vector<1024x1xf32> to vector<1024x128xf32>
    %mul3A_213 = arith.mulf %add3A_116, %mul3A_212 : vector<1024x128xf32>
    %mul3A_214 = vector.broadcast %get3A_204 : vector<1024x1xf32> to vector<1024x128xf32>
    %mul3A_215 = arith.mulf %add3A_133, %mul3A_214 : vector<1024x128xf32>
    %mul3A_216 = vector.broadcast %get3A_204 : vector<1024x1xf32> to vector<1024x128xf32>
    %mul3A_217 = arith.mulf %add3A_150, %mul3A_216 : vector<1024x128xf32>
    %mul3A_218 = vector.broadcast %get3A_204 : vector<1024x1xf32> to vector<1024x128xf32>
    %mul3A_219 = arith.mulf %add3A_167, %mul3A_218 : vector<1024x128xf32>
    %mul3A_220 = vector.broadcast %get3A_204 : vector<1024x1xf32> to vector<1024x128xf32>
    %mul3A_221 = arith.mulf %add3A_184, %mul3A_220 : vector<1024x128xf32>
    %mul3A_222 = vector.broadcast %get3A_204 : vector<1024x1xf32> to vector<1024x128xf32>
    %mul3A_223 = arith.mulf %add3A_201, %mul3A_222 : vector<1024x128xf32>
    %concatenate3A = tpu.concatenate %mul3A_209, %mul3A_211, %mul3A_213, %mul3A_215, %mul3A_217, %mul3A_219, %mul3A_221, %mul3A_223 in 1 : vector<1024x128xf32>, vector<1024x128xf32>, vector<1024x128xf32>, vector<1024x128xf32>, vector<1024x128xf32>, vector<1024x128xf32>, vector<1024x128xf32>, vector<1024x128xf32> -> vector<1024x1024xf32>
    %convert_element_type3A_224 = arith.truncf %concatenate3A : vector<1024x1024xf32> to vector<1024x1024xbf16>
    %dot_general3A_225 = arith.constant dense<0.000000e+00> : vector<1024x1024xf32>
    %dot_general3A_226 = tpu.matmul %get3A_1, %convert_element_type3A_224, %dot_general3A_225 {dimension_numbers = #tpu.dot_dimension_numbers<[1], [0], [0], [1], [0, 0, 1, 1], [], []>, transpose_lhs_hint = false} : vector<1024x1024xbf16>, vector<1024x1024xbf16>, vector<1024x1024xf32> -> vector<1024x1024xf32>
    %slice3A_227 = vector.extract_strided_slice %dot_general3A_226 {offsets = [0, 0], sizes = [1024, 128], strides = [1, 1]} : vector<1024x1024xf32> to vector<1024x128xf32>
    %mul3A_228 = vector.broadcast %get3A_204 : vector<1024x1xf32> to vector<1024x128xf32>
    %mul3A_229 = arith.mulf %slice3A_227, %mul3A_228 : vector<1024x128xf32>
    %mul3A_230 = vector.broadcast %get3A_207 : vector<1024x1xf32> to vector<1024x128xf32>
    %mul3A_231 = arith.mulf %add3A_82, %mul3A_230 : vector<1024x128xf32>
    %add3A_232 = arith.addf %mul3A_229, %mul3A_231 : vector<1024x128xf32>
    %get3A_233 = arith.constant 0 : index
    %get3A_234 = arith.constant 0 : index
    %get3A_235 = vector.load %arg7[%get3A_233, %get3A_234] : memref<1x128xf32, #tpu.memory_space<vmem>>, vector<1x128xf32>
    %add3A_236 = vector.broadcast %get3A_235 : vector<1x128xf32> to vector<1024x128xf32>
    %add3A_237 = arith.addf %add3A_232, %add3A_236 : vector<1024x128xf32>
    %slice3A_238 = vector.extract_strided_slice %dot_general3A_226 {offsets = [0, 128], sizes = [1024, 128], strides = [1, 1]} : vector<1024x1024xf32> to vector<1024x128xf32>
    %mul3A_239 = vector.broadcast %get3A_204 : vector<1024x1xf32> to vector<1024x128xf32>
    %mul3A_240 = arith.mulf %slice3A_238, %mul3A_239 : vector<1024x128xf32>
    %mul3A_241 = vector.broadcast %get3A_207 : vector<1024x1xf32> to vector<1024x128xf32>
    %mul3A_242 = arith.mulf %add3A_99, %mul3A_241 : vector<1024x128xf32>
    %add3A_243 = arith.addf %mul3A_240, %mul3A_242 : vector<1024x128xf32>
    %get3A_244 = arith.constant 0 : index
    %get3A_245 = arith.constant 0 : index
    %get3A_246 = vector.load %arg7[%get3A_244, %get3A_245] : memref<1x128xf32, #tpu.memory_space<vmem>>, vector<1x128xf32>
    %add3A_247 = vector.broadcast %get3A_246 : vector<1x128xf32> to vector<1024x128xf32>
    %add3A_248 = arith.addf %add3A_243, %add3A_247 : vector<1024x128xf32>
    %slice3A_249 = vector.extract_strided_slice %dot_general3A_226 {offsets = [0, 256], sizes = [1024, 128], strides = [1, 1]} : vector<1024x1024xf32> to vector<1024x128xf32>
    %mul3A_250 = vector.broadcast %get3A_204 : vector<1024x1xf32> to vector<1024x128xf32>
    %mul3A_251 = arith.mulf %slice3A_249, %mul3A_250 : vector<1024x128xf32>
    %mul3A_252 = vector.broadcast %get3A_207 : vector<1024x1xf32> to vector<1024x128xf32>
    %mul3A_253 = arith.mulf %add3A_116, %mul3A_252 : vector<1024x128xf32>
    %add3A_254 = arith.addf %mul3A_251, %mul3A_253 : vector<1024x128xf32>
    %get3A_255 = arith.constant 0 : index
    %get3A_256 = arith.constant 0 : index
    %get3A_257 = vector.load %arg7[%get3A_255, %get3A_256] : memref<1x128xf32, #tpu.memory_space<vmem>>, vector<1x128xf32>
    %add3A_258 = vector.broadcast %get3A_257 : vector<1x128xf32> to vector<1024x128xf32>
    %add3A_259 = arith.addf %add3A_254, %add3A_258 : vector<1024x128xf32>
    %slice3A_260 = vector.extract_strided_slice %dot_general3A_226 {offsets = [0, 384], sizes = [1024, 128], strides = [1, 1]} : vector<1024x1024xf32> to vector<1024x128xf32>
    %mul3A_261 = vector.broadcast %get3A_204 : vector<1024x1xf32> to vector<1024x128xf32>
    %mul3A_262 = arith.mulf %slice3A_260, %mul3A_261 : vector<1024x128xf32>
    %mul3A_263 = vector.broadcast %get3A_207 : vector<1024x1xf32> to vector<1024x128xf32>
    %mul3A_264 = arith.mulf %add3A_133, %mul3A_263 : vector<1024x128xf32>
    %add3A_265 = arith.addf %mul3A_262, %mul3A_264 : vector<1024x128xf32>
    %get3A_266 = arith.constant 0 : index
    %get3A_267 = arith.constant 0 : index
    %get3A_268 = vector.load %arg7[%get3A_266, %get3A_267] : memref<1x128xf32, #tpu.memory_space<vmem>>, vector<1x128xf32>
    %add3A_269 = vector.broadcast %get3A_268 : vector<1x128xf32> to vector<1024x128xf32>
    %add3A_270 = arith.addf %add3A_265, %add3A_269 : vector<1024x128xf32>
    %slice3A_271 = vector.extract_strided_slice %dot_general3A_226 {offsets = [0, 512], sizes = [1024, 128], strides = [1, 1]} : vector<1024x1024xf32> to vector<1024x128xf32>
    %mul3A_272 = vector.broadcast %get3A_204 : vector<1024x1xf32> to vector<1024x128xf32>
    %mul3A_273 = arith.mulf %slice3A_271, %mul3A_272 : vector<1024x128xf32>
    %mul3A_274 = vector.broadcast %get3A_207 : vector<1024x1xf32> to vector<1024x128xf32>
    %mul3A_275 = arith.mulf %add3A_150, %mul3A_274 : vector<1024x128xf32>
    %add3A_276 = arith.addf %mul3A_273, %mul3A_275 : vector<1024x128xf32>
    %get3A_277 = arith.constant 0 : index
    %get3A_278 = arith.constant 0 : index
    %get3A_279 = vector.load %arg7[%get3A_277, %get3A_278] : memref<1x128xf32, #tpu.memory_space<vmem>>, vector<1x128xf32>
    %add3A_280 = vector.broadcast %get3A_279 : vector<1x128xf32> to vector<1024x128xf32>
    %add3A_281 = arith.addf %add3A_276, %add3A_280 : vector<1024x128xf32>
    %slice3A_282 = vector.extract_strided_slice %dot_general3A_226 {offsets = [0, 640], sizes = [1024, 128], strides = [1, 1]} : vector<1024x1024xf32> to vector<1024x128xf32>
    %mul3A_283 = vector.broadcast %get3A_204 : vector<1024x1xf32> to vector<1024x128xf32>
    %mul3A_284 = arith.mulf %slice3A_282, %mul3A_283 : vector<1024x128xf32>
    %mul3A_285 = vector.broadcast %get3A_207 : vector<1024x1xf32> to vector<1024x128xf32>
    %mul3A_286 = arith.mulf %add3A_167, %mul3A_285 : vector<1024x128xf32>
    %add3A_287 = arith.addf %mul3A_284, %mul3A_286 : vector<1024x128xf32>
    %get3A_288 = arith.constant 0 : index
    %get3A_289 = arith.constant 0 : index
    %get3A_290 = vector.load %arg7[%get3A_288, %get3A_289] : memref<1x128xf32, #tpu.memory_space<vmem>>, vector<1x128xf32>
    %add3A_291 = vector.broadcast %get3A_290 : vector<1x128xf32> to vector<1024x128xf32>
    %add3A_292 = arith.addf %add3A_287, %add3A_291 : vector<1024x128xf32>
    %slice3A_293 = vector.extract_strided_slice %dot_general3A_226 {offsets = [0, 768], sizes = [1024, 128], strides = [1, 1]} : vector<1024x1024xf32> to vector<1024x128xf32>
    %mul3A_294 = vector.broadcast %get3A_204 : vector<1024x1xf32> to vector<1024x128xf32>
    %mul3A_295 = arith.mulf %slice3A_293, %mul3A_294 : vector<1024x128xf32>
    %mul3A_296 = vector.broadcast %get3A_207 : vector<1024x1xf32> to vector<1024x128xf32>
    %mul3A_297 = arith.mulf %add3A_184, %mul3A_296 : vector<1024x128xf32>
    %add3A_298 = arith.addf %mul3A_295, %mul3A_297 : vector<1024x128xf32>
    %get3A_299 = arith.constant 0 : index
    %get3A_300 = arith.constant 0 : index
    %get3A_301 = vector.load %arg7[%get3A_299, %get3A_300] : memref<1x128xf32, #tpu.memory_space<vmem>>, vector<1x128xf32>
    %add3A_302 = vector.broadcast %get3A_301 : vector<1x128xf32> to vector<1024x128xf32>
    %add3A_303 = arith.addf %add3A_298, %add3A_302 : vector<1024x128xf32>
    %slice3A_304 = vector.extract_strided_slice %dot_general3A_226 {offsets = [0, 896], sizes = [1024, 128], strides = [1, 1]} : vector<1024x1024xf32> to vector<1024x128xf32>
    %mul3A_305 = vector.broadcast %get3A_204 : vector<1024x1xf32> to vector<1024x128xf32>
    %mul3A_306 = arith.mulf %slice3A_304, %mul3A_305 : vector<1024x128xf32>
    %mul3A_307 = vector.broadcast %get3A_207 : vector<1024x1xf32> to vector<1024x128xf32>
    %mul3A_308 = arith.mulf %add3A_201, %mul3A_307 : vector<1024x128xf32>
    %add3A_309 = arith.addf %mul3A_306, %mul3A_308 : vector<1024x128xf32>
    %get3A_310 = arith.constant 0 : index
    %get3A_311 = arith.constant 0 : index
    %get3A_312 = vector.load %arg7[%get3A_310, %get3A_311] : memref<1x128xf32, #tpu.memory_space<vmem>>, vector<1x128xf32>
    %add3A_313 = vector.broadcast %get3A_312 : vector<1x128xf32> to vector<1024x128xf32>
    %add3A_314 = arith.addf %add3A_309, %add3A_313 : vector<1024x128xf32>
    %swap3A = arith.constant 0 : index
    %swap3A_315 = arith.constant 0 : index
    %swap3A_316 = arith.constant 0 : index
    %swap3A_317 = vector.load %arg8[%swap3A, %swap3A_315, %swap3A_316] : memref<8x1024x128xf32, #tpu.memory_space<vmem>>, vector<1x1024x128xf32>
    %swap3A_318 = vector.shape_cast %swap3A_317 : vector<1x1024x128xf32> to vector<1024x128xf32>
    %swap3A_319 = vector.shape_cast %add3A_237 : vector<1024x128xf32> to vector<1x1024x128xf32>
    tpu.vector_store %arg8[%swap3A, %swap3A_315, %swap3A_316], %swap3A_319 {strides = array<i32>} : memref<8x1024x128xf32, #tpu.memory_space<vmem>>, vector<1x1024x128xf32>,
    %swap3A_320 = arith.constant 1 : index
    %swap3A_321 = arith.constant 0 : index
    %swap3A_322 = arith.constant 0 : index
    %swap3A_323 = vector.load %arg8[%swap3A_320, %swap3A_321, %swap3A_322] : memref<8x1024x128xf32, #tpu.memory_space<vmem>>, vector<1x1024x128xf32>
    %swap3A_324 = vector.shape_cast %swap3A_323 : vector<1x1024x128xf32> to vector<1024x128xf32>
    %swap3A_325 = vector.shape_cast %add3A_248 : vector<1024x128xf32> to vector<1x1024x128xf32>
    tpu.vector_store %arg8[%swap3A_320, %swap3A_321, %swap3A_322], %swap3A_325 {strides = array<i32>} : memref<8x1024x128xf32, #tpu.memory_space<vmem>>, vector<1x1024x128xf32>,
    %swap3A_326 = arith.constant 2 : index
    %swap3A_327 = arith.constant 0 : index
    %swap3A_328 = arith.constant 0 : index
    %swap3A_329 = vector.load %arg8[%swap3A_326, %swap3A_327, %swap3A_328] : memref<8x1024x128xf32, #tpu.memory_space<vmem>>, vector<1x1024x128xf32>
    %swap3A_330 = vector.shape_cast %swap3A_329 : vector<1x1024x128xf32> to vector<1024x128xf32>
    %swap3A_331 = vector.shape_cast %add3A_259 : vector<1024x128xf32> to vector<1x1024x128xf32>
    tpu.vector_store %arg8[%swap3A_326, %swap3A_327, %swap3A_328], %swap3A_331 {strides = array<i32>} : memref<8x1024x128xf32, #tpu.memory_space<vmem>>, vector<1x1024x128xf32>,
    %swap3A_332 = arith.constant 3 : index
    %swap3A_333 = arith.constant 0 : index
    %swap3A_334 = arith.constant 0 : index
    %swap3A_335 = vector.load %arg8[%swap3A_332, %swap3A_333, %swap3A_334] : memref<8x1024x128xf32, #tpu.memory_space<vmem>>, vector<1x1024x128xf32>
    %swap3A_336 = vector.shape_cast %swap3A_335 : vector<1x1024x128xf32> to vector<1024x128xf32>
    %swap3A_337 = vector.shape_cast %add3A_270 : vector<1024x128xf32> to vector<1x1024x128xf32>
    tpu.vector_store %arg8[%swap3A_332, %swap3A_333, %swap3A_334], %swap3A_337 {strides = array<i32>} : memref<8x1024x128xf32, #tpu.memory_space<vmem>>, vector<1x1024x128xf32>,
    %swap3A_338 = arith.constant 4 : index
    %swap3A_339 = arith.constant 0 : index
    %swap3A_340 = arith.constant 0 : index
    %swap3A_341 = vector.load %arg8[%swap3A_338, %swap3A_339, %swap3A_340] : memref<8x1024x128xf32, #tpu.memory_space<vmem>>, vector<1x1024x128xf32>
    %swap3A_342 = vector.shape_cast %swap3A_341 : vector<1x1024x128xf32> to vector<1024x128xf32>
    %swap3A_343 = vector.shape_cast %add3A_281 : vector<1024x128xf32> to vector<1x1024x128xf32>
    tpu.vector_store %arg8[%swap3A_338, %swap3A_339, %swap3A_340], %swap3A_343 {strides = array<i32>} : memref<8x1024x128xf32, #tpu.memory_space<vmem>>, vector<1x1024x128xf32>,
    %swap3A_344 = arith.constant 5 : index
    %swap3A_345 = arith.constant 0 : index
    %swap3A_346 = arith.constant 0 : index
    %swap3A_347 = vector.load %arg8[%swap3A_344, %swap3A_345, %swap3A_346] : memref<8x1024x128xf32, #tpu.memory_space<vmem>>, vector<1x1024x128xf32>
    %swap3A_348 = vector.shape_cast %swap3A_347 : vector<1x1024x128xf32> to vector<1024x128xf32>
    %swap3A_349 = vector.shape_cast %add3A_292 : vector<1024x128xf32> to vector<1x1024x128xf32>
    tpu.vector_store %arg8[%swap3A_344, %swap3A_345, %swap3A_346], %swap3A_349 {strides = array<i32>} : memref<8x1024x128xf32, #tpu.memory_space<vmem>>, vector<1x1024x128xf32>,
    %swap3A_350 = arith.constant 6 : index
    %swap3A_351 = arith.constant 0 : index
    %swap3A_352 = arith.constant 0 : index
    %swap3A_353 = vector.load %arg8[%swap3A_350, %swap3A_351, %swap3A_352] : memref<8x1024x128xf32, #tpu.memory_space<vmem>>, vector<1x1024x128xf32>
    %swap3A_354 = vector.shape_cast %swap3A_353 : vector<1x1024x128xf32> to vector<1024x128xf32>
    %swap3A_355 = vector.shape_cast %add3A_303 : vector<1024x128xf32> to vector<1x1024x128xf32>
    tpu.vector_store %arg8[%swap3A_350, %swap3A_351, %swap3A_352], %swap3A_355 {strides = array<i32>} : memref<8x1024x128xf32, #tpu.memory_space<vmem>>, vector<1x1024x128xf32>,
    %swap3A_356 = arith.constant 7 : index
    %swap3A_357 = arith.constant 0 : index
    %swap3A_358 = arith.constant 0 : index
    %swap3A_359 = vector.load %arg8[%swap3A_356, %swap3A_357, %swap3A_358] : memref<8x1024x128xf32, #tpu.memory_space<vmem>>, vector<1x1024x128xf32>
    %swap3A_360 = vector.shape_cast %swap3A_359 : vector<1x1024x128xf32> to vector<1024x128xf32>
    %swap3A_361 = vector.shape_cast %add3A_314 : vector<1024x128xf32> to vector<1x1024x128xf32>
    tpu.vector_store %arg8[%swap3A_356, %swap3A_357, %swap3A_358], %swap3A_361 {strides = array<i32>} : memref<8x1024x128xf32, #tpu.memory_space<vmem>>, vector<1x1024x128xf32>,
    %eq3A_362 = arith.constant 0 : i32
    %eq3A_363 = arith.cmpi eq, %arg0, %eq3A_362 : i32
    %convert_element_type3A_364 = arith.extui %eq3A_363 : i1 to i32
    %cond3A_365 = arith.constant 0 : i32
    %cond3A_366 = arith.cmpi ne, %convert_element_type3A_364, %cond3A_365 : i32
    scf.if %cond3A_366 {
      %broadcast_in_dim3A_441 = arith.constant 0.000000e+00 : f32
      %broadcast_in_dim3A_442 = vector.broadcast %broadcast_in_dim3A_441 : f32 to vector<4x128xf32>
      %swap3A_443 = arith.constant 0 : index
      %swap3A_444 = arith.constant 0 : index
      %swap3A_445 = vector.load %arg10[%swap3A_443, %swap3A_444] : memref<4x128xf32, #tpu.memory_space<vmem>>, vector<4x128xf32>
      tpu.vector_store %arg10[%swap3A_443, %swap3A_444], %broadcast_in_dim3A_442 {strides = array<i32>} : memref<4x128xf32, #tpu.memory_space<vmem>>, vector<4x128xf32>,
    } else {
    }
    %add3A_367 = arith.addf %add3A_237, %add3A_248 : vector<1024x128xf32>
    %add3A_368 = arith.addf %add3A_259, %add3A_270 : vector<1024x128xf32>
    %add3A_369 = arith.addf %add3A_281, %add3A_292 : vector<1024x128xf32>
    %add3A_370 = arith.addf %add3A_303, %add3A_314 : vector<1024x128xf32>
    %add3A_371 = arith.addf %add3A_367, %add3A_368 : vector<1024x128xf32>
    %add3A_372 = arith.addf %add3A_369, %add3A_370 : vector<1024x128xf32>
    %add3A_373 = arith.addf %add3A_371, %add3A_372 : vector<1024x128xf32>
    %mul3A_374 = arith.mulf %add3A_237, %add3A_237 : vector<1024x128xf32>
    %mul3A_375 = arith.mulf %add3A_248, %add3A_248 : vector<1024x128xf32>
    %mul3A_376 = arith.mulf %add3A_259, %add3A_259 : vector<1024x128xf32>
    %mul3A_377 = arith.mulf %add3A_270, %add3A_270 : vector<1024x128xf32>
    %mul3A_378 = arith.mulf %add3A_281, %add3A_281 : vector<1024x128xf32>
    %mul3A_379 = arith.mulf %add3A_292, %add3A_292 : vector<1024x128xf32>
    %mul3A_380 = arith.mulf %add3A_303, %add3A_303 : vector<1024x128xf32>
    %mul3A_381 = arith.mulf %add3A_314, %add3A_314 : vector<1024x128xf32>
    %add3A_382 = arith.addf %mul3A_374, %mul3A_375 : vector<1024x128xf32>
    %add3A_383 = arith.addf %mul3A_376, %mul3A_377 : vector<1024x128xf32>
    %add3A_384 = arith.addf %mul3A_378, %mul3A_379 : vector<1024x128xf32>
    %add3A_385 = arith.addf %mul3A_380, %mul3A_381 : vector<1024x128xf32>
    %add3A_386 = arith.addf %add3A_382, %add3A_383 : vector<1024x128xf32>
    %add3A_387 = arith.addf %add3A_384, %add3A_385 : vector<1024x128xf32>
    %add3A_388 = arith.addf %add3A_386, %add3A_387 : vector<1024x128xf32>
    %get3A_389 = arith.constant 0 : index
    %get3A_390 = arith.constant 0 : index
    %get3A_391 = vector.load %arg10[%get3A_389, %get3A_390] : memref<4x128xf32, #tpu.memory_space<vmem>>, vector<1x128xf32>
    %reduce_sum3A = arith.constant dense<0.000000e+00> : vector<128xf32>
    %reduce_sum3A_392 = vector.multi_reduction <add>, %add3A_373, %reduce_sum3A [0] : vector<1024x128xf32> to vector<128xf32>
    %broadcast_in_dim3A = vector.shape_cast %reduce_sum3A_392 : vector<128xf32> to vector<1x128xf32>
    %add3A_393 = arith.addf %get3A_391, %broadcast_in_dim3A : vector<1x128xf32>
    %swap3A_394 = arith.constant 0 : index
    %swap3A_395 = arith.constant 0 : index
    %swap3A_396 = vector.load %arg10[%swap3A_394, %swap3A_395] : memref<4x128xf32, #tpu.memory_space<vmem>>, vector<1x128xf32>
    tpu.vector_store %arg10[%swap3A_394, %swap3A_395], %add3A_393 {strides = array<i32>} : memref<4x128xf32, #tpu.memory_space<vmem>>, vector<1x128xf32>,
    %get3A_397 = arith.constant 1 : index
    %get3A_398 = arith.constant 0 : index
    %get3A_399 = vector.load %arg10[%get3A_397, %get3A_398] : memref<4x128xf32, #tpu.memory_space<vmem>>, vector<1x128xf32>
    %reduce_sum3A_400 = arith.constant dense<0.000000e+00> : vector<128xf32>
    %reduce_sum3A_401 = vector.multi_reduction <add>, %add3A_388, %reduce_sum3A_400 [0] : vector<1024x128xf32> to vector<128xf32>
    %broadcast_in_dim3A_402 = vector.shape_cast %reduce_sum3A_401 : vector<128xf32> to vector<1x128xf32>
    %add3A_403 = arith.addf %get3A_399, %broadcast_in_dim3A_402 : vector<1x128xf32>
    %swap3A_404 = arith.constant 1 : index
    %swap3A_405 = arith.constant 0 : index
    %swap3A_406 = vector.load %arg10[%swap3A_404, %swap3A_405] : memref<4x128xf32, #tpu.memory_space<vmem>>, vector<1x128xf32>
    tpu.vector_store %arg10[%swap3A_404, %swap3A_405], %add3A_403 {strides = array<i32>} : memref<4x128xf32, #tpu.memory_space<vmem>>, vector<1x128xf32>,
    %max3A_407 = arith.maximumf %add3A_237, %add3A_248 : vector<1024x128xf32>
    %max3A_408 = arith.maximumf %add3A_259, %add3A_270 : vector<1024x128xf32>
    %max3A_409 = arith.maximumf %add3A_281, %add3A_292 : vector<1024x128xf32>
    %max3A_410 = arith.maximumf %add3A_303, %add3A_314 : vector<1024x128xf32>
    %max3A_411 = arith.maximumf %max3A_407, %max3A_408 : vector<1024x128xf32>
    %max3A_412 = arith.maximumf %max3A_409, %max3A_410 : vector<1024x128xf32>
    %max3A_413 = arith.maximumf %max3A_411, %max3A_412 : vector<1024x128xf32>
    %swap3A_414 = arith.constant 0 : index
    %swap3A_415 = arith.constant 0 : index
    %swap3A_416 = arith.constant 0 : index
    %swap3A_417 = vector.load %arg9[%swap3A_414, %swap3A_415, %swap3A_416] : memref<1x1024x128xf32, #tpu.memory_space<vmem>>, vector<1x1024x128xf32>
    %swap3A_418 = vector.shape_cast %swap3A_417 : vector<1x1024x128xf32> to vector<1024x128xf32>
    %swap3A_419 = vector.shape_cast %max3A_413 : vector<1024x128xf32> to vector<1x1024x128xf32>
    tpu.vector_store %arg9[%swap3A_414, %swap3A_415, %swap3A_416], %swap3A_419 {strides = array<i32>} : memref<1x1024x128xf32, #tpu.memory_space<vmem>>, vector<1x1024x128xf32>,
    %get3A_420 = arith.constant 2 : index
    %get3A_421 = arith.constant 0 : index
    %get3A_422 = vector.load %arg10[%get3A_420, %get3A_421] : memref<4x128xf32, #tpu.memory_space<vmem>>, vector<1x128xf32>
    %reduce_sum3A_423 = arith.constant dense<0.000000e+00> : vector<128xf32>
    %reduce_sum3A_424 = vector.multi_reduction <add>, %max3A_413, %reduce_sum3A_423 [0] : vector<1024x128xf32> to vector<128xf32>
    %broadcast_in_dim3A_425 = vector.shape_cast %reduce_sum3A_424 : vector<128xf32> to vector<1x128xf32>
    %add3A_426 = arith.addf %get3A_422, %broadcast_in_dim3A_425 : vector<1x128xf32>
    %swap3A_427 = arith.constant 2 : index
    %swap3A_428 = arith.constant 0 : index
    %swap3A_429 = vector.load %arg10[%swap3A_427, %swap3A_428] : memref<4x128xf32, #tpu.memory_space<vmem>>, vector<1x128xf32>
    tpu.vector_store %arg10[%swap3A_427, %swap3A_428], %add3A_426 {strides = array<i32>} : memref<4x128xf32, #tpu.memory_space<vmem>>, vector<1x128xf32>,
    %get3A_430 = arith.constant 3 : index
    %get3A_431 = arith.constant 0 : index
    %get3A_432 = vector.load %arg10[%get3A_430, %get3A_431] : memref<4x128xf32, #tpu.memory_space<vmem>>, vector<1x128xf32>
    %mul3A_433 = arith.mulf %max3A_413, %max3A_413 : vector<1024x128xf32>
    %reduce_sum3A_434 = arith.constant dense<0.000000e+00> : vector<128xf32>
    %reduce_sum3A_435 = vector.multi_reduction <add>, %mul3A_433, %reduce_sum3A_434 [0] : vector<1024x128xf32> to vector<128xf32>
    %broadcast_in_dim3A_436 = vector.shape_cast %reduce_sum3A_435 : vector<128xf32> to vector<1x128xf32>
    %add3A_437 = arith.addf %get3A_432, %broadcast_in_dim3A_436 : vector<1x128xf32>
    %swap3A_438 = arith.constant 3 : index
    %swap3A_439 = arith.constant 0 : index
    %swap3A_440 = vector.load %arg10[%swap3A_438, %swap3A_439] : memref<4x128xf32, #tpu.memory_space<vmem>>, vector<1x128xf32>
    tpu.vector_store %arg10[%swap3A_438, %swap3A_439], %add3A_437 {strides = array<i32>} : memref<4x128xf32, #tpu.memory_space<vmem>>, vector<1x128xf32>,
    return
  }
  func.func @transform_0(%arg0: i32) -> (i32, i32, i32) {
    %c0_i32 = arith.constant 0 : i32
    %c0_i32_0 = arith.constant 0 : i32
    %c0_i32_1 = arith.constant 0 : i32
    return %arg0, %c0_i32, %c0_i32_0 : i32, i32, i32
  }
  func.func @transform_1(%arg0: i32) -> (i32, i32, i32) {
    %jit3A = arith.constant 1 : i32
    %div3A = arith.divsi %arg0, %jit3A : i32
    %sign3A = arith.constant 0 : i32
    %sign3A_0 = arith.cmpi sgt, %arg0, %sign3A : i32
    %sign3A_1 = arith.extui %sign3A_0 : i1 to i32
    %sign3A_2 = arith.constant 0 : i32
    %sign3A_3 = arith.cmpi slt, %arg0, %sign3A_2 : i32
    %sign3A_4 = arith.extui %sign3A_3 : i1 to i32
    %sign3A_5 = arith.subi %sign3A_1, %sign3A_4 : i32
    %sign3A_6 = arith.constant 0 : i32
    %sign3A_7 = arith.cmpi sgt, %jit3A, %sign3A_6 : i32
    %sign3A_8 = arith.extui %sign3A_7 : i1 to i32
    %sign3A_9 = arith.constant 0 : i32
    %sign3A_10 = arith.cmpi slt, %jit3A, %sign3A_9 : i32
    %sign3A_11 = arith.extui %sign3A_10 : i1 to i32
    %sign3A_12 = arith.subi %sign3A_8, %sign3A_11 : i32
    %ne3A = arith.cmpi ne, %sign3A_5, %sign3A_12 : i32
    %rem3A = arith.remsi %arg0, %jit3A : i32
    %ne3A_13 = arith.constant 0 : i32
    %ne3A_14 = arith.cmpi ne, %rem3A, %ne3A_13 : i32
    %and3A = arith.andi %ne3A, %ne3A_14 : i1
    %sub3A = arith.constant 1 : i32
    %sub3A_15 = arith.subi %div3A, %sub3A : i32
    %select_n3A = arith.select %and3A, %sub3A_15, %div3A : i32
    %c0_i32 = arith.constant 0 : i32
    %c0_i32_16 = arith.constant 0 : i32
    %c0_i32_17 = arith.constant 0 : i32
    return %select_n3A, %c0_i32, %c0_i32_16 : i32, i32, i32
  }
  func.func @transform_2(%arg0: i32) -> (i32, i32) {
    %c0_i32 = arith.constant 0 : i32
    %c0_i32_0 = arith.constant 0 : i32
    %c0_i32_1 = arith.constant 0 : i32
    return %c0_i32, %c0_i32_0 : i32, i32
  }
  func.func @transform_3(%arg0: i32) -> (i32, i32) {
    %c0_i32 = arith.constant 0 : i32
    %c0_i32_0 = arith.constant 0 : i32
    %c0_i32_1 = arith.constant 0 : i32
    return %c0_i32, %c0_i32_0 : i32, i32
  }
  func.func @transform_4(%arg0: i32) -> (i32, i32) {
    %c0_i32 = arith.constant 0 : i32
    %c0_i32_0 = arith.constant 0 : i32
    %c0_i32_1 = arith.constant 0 : i32
    return %c0_i32, %c0_i32_0 : i32, i32
  }
  func.func @transform_5(%arg0: i32) -> (i32, i32) {
    %c0_i32 = arith.constant 0 : i32
    %c0_i32_0 = arith.constant 0 : i32
    %c0_i32_1 = arith.constant 0 : i32
    return %c0_i32, %c0_i32_0 : i32, i32
  }
  func.func @transform_6(%arg0: i32) -> (i32, i32) {
    %c0_i32 = arith.constant 0 : i32
    %c0_i32_0 = arith.constant 0 : i32
    %c0_i32_1 = arith.constant 0 : i32
    return %c0_i32, %c0_i32_0 : i32, i32
  }
  func.func @transform_7(%arg0: i32) -> (i32, i32, i32) {
    %c0_i32 = arith.constant 0 : i32
    %c0_i32_0 = arith.constant 0 : i32
    %c0_i32_1 = arith.constant 0 : i32
    return %arg0, %c0_i32, %c0_i32_0 : i32, i32, i32
  }
  func.func @transform_8(%arg0: i32) -> (i32, i32, i32) {
    %jit3A = arith.constant 1 : i32
    %div3A = arith.divsi %arg0, %jit3A : i32
    %sign3A = arith.constant 0 : i32
    %sign3A_0 = arith.cmpi sgt, %arg0, %sign3A : i32
    %sign3A_1 = arith.extui %sign3A_0 : i1 to i32
    %sign3A_2 = arith.constant 0 : i32
    %sign3A_3 = arith.cmpi slt, %arg0, %sign3A_2 : i32
    %sign3A_4 = arith.extui %sign3A_3 : i1 to i32
    %sign3A_5 = arith.subi %sign3A_1, %sign3A_4 : i32
    %sign3A_6 = arith.constant 0 : i32
    %sign3A_7 = arith.cmpi sgt, %jit3A, %sign3A_6 : i32
    %sign3A_8 = arith.extui %sign3A_7 : i1 to i32
    %sign3A_9 = arith.constant 0 : i32
    %sign3A_10 = arith.cmpi slt, %jit3A, %sign3A_9 : i32
    %sign3A_11 = arith.extui %sign3A_10 : i1 to i32
    %sign3A_12 = arith.subi %sign3A_8, %sign3A_11 : i32
    %ne3A = arith.cmpi ne, %sign3A_5, %sign3A_12 : i32
    %rem3A = arith.remsi %arg0, %jit3A : i32
    %ne3A_13 = arith.constant 0 : i32
    %ne3A_14 = arith.cmpi ne, %rem3A, %ne3A_13 : i32
    %and3A = arith.andi %ne3A, %ne3A_14 : i1
    %sub3A = arith.constant 1 : i32
    %sub3A_15 = arith.subi %div3A, %sub3A : i32
    %select_n3A = arith.select %and3A, %sub3A_15, %div3A : i32
    %c0_i32 = arith.constant 0 : i32
    %c0_i32_16 = arith.constant 0 : i32
    %c0_i32_17 = arith.constant 0 : i32
    return %select_n3A, %c0_i32, %c0_i32_16 : i32, i32, i32
  }
  func.func @transform_9(%arg0: i32) -> (i32, i32) {
    %c0_i32 = arith.constant 0 : i32
    %c0_i32_0 = arith.constant 0 : i32
    %c0_i32_1 = arith.constant 0 : i32
    return %c0_i32, %c0_i32_0 : i32, i32
  }
}

module attributes {stable_mosaic.version = 14 : i64} {
  func.func @_final_body(%arg0: i32, %arg1: memref<8x128x1024xf32, #tpu.memory_space<vmem>>, %arg2: memref<1x128x1024xf32, #tpu.memory_space<vmem>>, %arg3: memref<128x4xf32, #tpu.memory_space<vmem>>, %arg4: memref<256x2xf32, #tpu.memory_space<vmem>>, %arg5: memref<8x256x1024xf32, #tpu.memory_space<vmem>>) attributes {dimension_semantics = [#tpu.dimension_semantics<arbitrary>], iteration_bounds = array<i64: 4>, scalar_prefetch = 0 : i64, scratch_operands = 0 : i64, tpu.core_type = #tpu.core_type<tc>, window_params = [{transform_indices = @transform_0, window_bounds = array<i64: 8, 128, 1024>}, {transform_indices = @transform_1, window_bounds = array<i64: 1, 128, 1024>}, {pipeline_mode = #tpu.pipeline_mode<synchronous>, transform_indices = @transform_2, window_bounds = array<i64: 128, 4>}, {pipeline_mode = #tpu.pipeline_mode<synchronous>, transform_indices = @transform_3, window_bounds = array<i64: 256, 2>}, {transform_indices = @transform_4, window_bounds = array<i64: 8, 256, 1024>}]} {
    %get3A = arith.constant 0 : index
    %get3A_0 = arith.constant 0 : index
    %get3A_1 = vector.load %arg3[%get3A, %get3A_0] : memref<128x4xf32, #tpu.memory_space<vmem>>, vector<128x4xf32>
    %slice3A = vector.extract_strided_slice %get3A_1 {offsets = [0, 0], sizes = [128, 1], strides = [1, 1]} : vector<128x4xf32> to vector<128x1xf32>
    %mul3A = arith.constant 3.05175781E-5 : f32
    %mul3A_2 = vector.broadcast %mul3A : f32 to vector<128x1xf32>
    %mul3A_3 = arith.mulf %slice3A, %mul3A_2 : vector<128x1xf32>
    %slice3A_4 = vector.extract_strided_slice %get3A_1 {offsets = [0, 1], sizes = [128, 1], strides = [1, 1]} : vector<128x4xf32> to vector<128x1xf32>
    %mul3A_5 = arith.constant 3.05175781E-5 : f32
    %mul3A_6 = vector.broadcast %mul3A_5 : f32 to vector<128x1xf32>
    %mul3A_7 = arith.mulf %slice3A_4, %mul3A_6 : vector<128x1xf32>
    %mul3A_8 = arith.mulf %mul3A_3, %mul3A_3 : vector<128x1xf32>
    %sub3A = arith.subf %mul3A_7, %mul3A_8 : vector<128x1xf32>
    %get3A_9 = arith.constant 0 : index
    %get3A_10 = arith.constant 0 : index
    %get3A_11 = vector.load %arg4[%get3A_9, %get3A_10] : memref<256x2xf32, #tpu.memory_space<vmem>>, vector<128x1xf32>
    %add3A = arith.constant 9.99999974E-6 : f32
    %add3A_12 = vector.broadcast %add3A : f32 to vector<128x1xf32>
    %add3A_13 = arith.addf %sub3A, %add3A_12 : vector<128x1xf32>
    %rsqrt3A = math.rsqrt %add3A_13 : vector<128x1xf32>
    %mul3A_14 = arith.mulf %get3A_11, %rsqrt3A : vector<128x1xf32>
    %get3A_15 = arith.constant 0 : index
    %get3A_16 = arith.constant 1 : index
    %get3A_17 = vector.load %arg4[%get3A_15, %get3A_16] : memref<256x2xf32, #tpu.memory_space<vmem>>, vector<128x1xf32>
    %mul3A_18 = arith.mulf %mul3A_14, %mul3A_3 : vector<128x1xf32>
    %sub3A_19 = arith.subf %get3A_17, %mul3A_18 : vector<128x1xf32>
    %slice3A_20 = vector.extract_strided_slice %get3A_1 {offsets = [0, 2], sizes = [128, 1], strides = [1, 1]} : vector<128x4xf32> to vector<128x1xf32>
    %mul3A_21 = arith.constant 2.44140625E-4 : f32
    %mul3A_22 = vector.broadcast %mul3A_21 : f32 to vector<128x1xf32>
    %mul3A_23 = arith.mulf %slice3A_20, %mul3A_22 : vector<128x1xf32>
    %slice3A_24 = vector.extract_strided_slice %get3A_1 {offsets = [0, 3], sizes = [128, 1], strides = [1, 1]} : vector<128x4xf32> to vector<128x1xf32>
    %mul3A_25 = arith.constant 2.44140625E-4 : f32
    %mul3A_26 = vector.broadcast %mul3A_25 : f32 to vector<128x1xf32>
    %mul3A_27 = arith.mulf %slice3A_24, %mul3A_26 : vector<128x1xf32>
    %mul3A_28 = arith.mulf %mul3A_23, %mul3A_23 : vector<128x1xf32>
    %sub3A_29 = arith.subf %mul3A_27, %mul3A_28 : vector<128x1xf32>
    %get3A_30 = arith.constant 128 : index
    %get3A_31 = arith.constant 0 : index
    %get3A_32 = vector.load %arg4[%get3A_30, %get3A_31] : memref<256x2xf32, #tpu.memory_space<vmem>>, vector<128x1xf32>
    %add3A_33 = arith.constant 9.99999974E-6 : f32
    %add3A_34 = vector.broadcast %add3A_33 : f32 to vector<128x1xf32>
    %add3A_35 = arith.addf %sub3A_29, %add3A_34 : vector<128x1xf32>
    %rsqrt3A_36 = math.rsqrt %add3A_35 : vector<128x1xf32>
    %mul3A_37 = arith.mulf %get3A_32, %rsqrt3A_36 : vector<128x1xf32>
    %get3A_38 = arith.constant 128 : index
    %get3A_39 = arith.constant 1 : index
    %get3A_40 = vector.load %arg4[%get3A_38, %get3A_39] : memref<256x2xf32, #tpu.memory_space<vmem>>, vector<128x1xf32>
    %mul3A_41 = arith.mulf %mul3A_37, %mul3A_23 : vector<128x1xf32>
    %sub3A_42 = arith.subf %get3A_40, %mul3A_41 : vector<128x1xf32>
    %get3A_43 = arith.constant 0 : index
    %get3A_44 = arith.constant 0 : index
    %get3A_45 = arith.constant 0 : index
    %get3A_46 = vector.load %arg2[%get3A_43, %get3A_44, %get3A_45] : memref<1x128x1024xf32, #tpu.memory_space<vmem>>, vector<1x128x1024xf32>
    %get3A_47 = vector.shape_cast %get3A_46 : vector<1x128x1024xf32> to vector<128x1024xf32>
    %mul3A_48 = vector.broadcast %mul3A_37 : vector<128x1xf32> to vector<128x1024xf32>
    %mul3A_49 = arith.mulf %get3A_47, %mul3A_48 : vector<128x1024xf32>
    %add3A_50 = vector.broadcast %sub3A_42 : vector<128x1xf32> to vector<128x1024xf32>
    %add3A_51 = arith.addf %mul3A_49, %add3A_50 : vector<128x1024xf32>
    %max3A = arith.constant 0.000000e+00 : f32
    %max3A_52 = vector.broadcast %max3A : f32 to vector<128x1024xf32>
    %max3A_53 = arith.maximumf %add3A_51, %max3A_52 : vector<128x1024xf32>
    %get3A_54 = arith.constant 0 : index
    %get3A_55 = arith.constant 0 : index
    %get3A_56 = arith.constant 0 : index
    %get3A_57 = vector.load %arg1[%get3A_54, %get3A_55, %get3A_56] : memref<8x128x1024xf32, #tpu.memory_space<vmem>>, vector<1x128x1024xf32>
    %get3A_58 = vector.shape_cast %get3A_57 : vector<1x128x1024xf32> to vector<128x1024xf32>
    %mul3A_59 = vector.broadcast %mul3A_14 : vector<128x1xf32> to vector<128x1024xf32>
    %mul3A_60 = arith.mulf %get3A_58, %mul3A_59 : vector<128x1024xf32>
    %add3A_61 = vector.broadcast %sub3A_19 : vector<128x1xf32> to vector<128x1024xf32>
    %add3A_62 = arith.addf %mul3A_60, %add3A_61 : vector<128x1024xf32>
    %max3A_63 = arith.constant 0.000000e+00 : f32
    %max3A_64 = vector.broadcast %max3A_63 : f32 to vector<128x1024xf32>
    %max3A_65 = arith.maximumf %add3A_62, %max3A_64 : vector<128x1024xf32>
    %swap3A = arith.constant 0 : index
    %swap3A_66 = arith.constant 0 : index
    %swap3A_67 = arith.constant 0 : index
    %swap3A_68 = vector.load %arg5[%swap3A, %swap3A_66, %swap3A_67] : memref<8x256x1024xf32, #tpu.memory_space<vmem>>, vector<1x128x1024xf32>
    %swap3A_69 = vector.shape_cast %swap3A_68 : vector<1x128x1024xf32> to vector<128x1024xf32>
    %swap3A_70 = vector.shape_cast %max3A_65 : vector<128x1024xf32> to vector<1x128x1024xf32>
    tpu.vector_store %arg5[%swap3A, %swap3A_66, %swap3A_67], %swap3A_70 {strides = array<i32>} : memref<8x256x1024xf32, #tpu.memory_space<vmem>>, vector<1x128x1024xf32>,
    %swap3A_71 = arith.constant 0 : index
    %swap3A_72 = arith.constant 128 : index
    %swap3A_73 = arith.constant 0 : index
    %swap3A_74 = vector.load %arg5[%swap3A_71, %swap3A_72, %swap3A_73] : memref<8x256x1024xf32, #tpu.memory_space<vmem>>, vector<1x128x1024xf32>
    %swap3A_75 = vector.shape_cast %swap3A_74 : vector<1x128x1024xf32> to vector<128x1024xf32>
    %swap3A_76 = vector.shape_cast %max3A_53 : vector<128x1024xf32> to vector<1x128x1024xf32>
    tpu.vector_store %arg5[%swap3A_71, %swap3A_72, %swap3A_73], %swap3A_76 {strides = array<i32>} : memref<8x256x1024xf32, #tpu.memory_space<vmem>>, vector<1x128x1024xf32>,
    %get3A_77 = arith.constant 1 : index
    %get3A_78 = arith.constant 0 : index
    %get3A_79 = arith.constant 0 : index
    %get3A_80 = vector.load %arg1[%get3A_77, %get3A_78, %get3A_79] : memref<8x128x1024xf32, #tpu.memory_space<vmem>>, vector<1x128x1024xf32>
    %get3A_81 = vector.shape_cast %get3A_80 : vector<1x128x1024xf32> to vector<128x1024xf32>
    %mul3A_82 = vector.broadcast %mul3A_14 : vector<128x1xf32> to vector<128x1024xf32>
    %mul3A_83 = arith.mulf %get3A_81, %mul3A_82 : vector<128x1024xf32>
    %add3A_84 = vector.broadcast %sub3A_19 : vector<128x1xf32> to vector<128x1024xf32>
    %add3A_85 = arith.addf %mul3A_83, %add3A_84 : vector<128x1024xf32>
    %max3A_86 = arith.constant 0.000000e+00 : f32
    %max3A_87 = vector.broadcast %max3A_86 : f32 to vector<128x1024xf32>
    %max3A_88 = arith.maximumf %add3A_85, %max3A_87 : vector<128x1024xf32>
    %swap3A_89 = arith.constant 1 : index
    %swap3A_90 = arith.constant 0 : index
    %swap3A_91 = arith.constant 0 : index
    %swap3A_92 = vector.load %arg5[%swap3A_89, %swap3A_90, %swap3A_91] : memref<8x256x1024xf32, #tpu.memory_space<vmem>>, vector<1x128x1024xf32>
    %swap3A_93 = vector.shape_cast %swap3A_92 : vector<1x128x1024xf32> to vector<128x1024xf32>
    %swap3A_94 = vector.shape_cast %max3A_88 : vector<128x1024xf32> to vector<1x128x1024xf32>
    tpu.vector_store %arg5[%swap3A_89, %swap3A_90, %swap3A_91], %swap3A_94 {strides = array<i32>} : memref<8x256x1024xf32, #tpu.memory_space<vmem>>, vector<1x128x1024xf32>,
    %swap3A_95 = arith.constant 1 : index
    %swap3A_96 = arith.constant 128 : index
    %swap3A_97 = arith.constant 0 : index
    %swap3A_98 = vector.load %arg5[%swap3A_95, %swap3A_96, %swap3A_97] : memref<8x256x1024xf32, #tpu.memory_space<vmem>>, vector<1x128x1024xf32>
    %swap3A_99 = vector.shape_cast %swap3A_98 : vector<1x128x1024xf32> to vector<128x1024xf32>
    %swap3A_100 = vector.shape_cast %max3A_53 : vector<128x1024xf32> to vector<1x128x1024xf32>
    tpu.vector_store %arg5[%swap3A_95, %swap3A_96, %swap3A_97], %swap3A_100 {strides = array<i32>} : memref<8x256x1024xf32, #tpu.memory_space<vmem>>, vector<1x128x1024xf32>,
    %get3A_101 = arith.constant 2 : index
    %get3A_102 = arith.constant 0 : index
    %get3A_103 = arith.constant 0 : index
    %get3A_104 = vector.load %arg1[%get3A_101, %get3A_102, %get3A_103] : memref<8x128x1024xf32, #tpu.memory_space<vmem>>, vector<1x128x1024xf32>
    %get3A_105 = vector.shape_cast %get3A_104 : vector<1x128x1024xf32> to vector<128x1024xf32>
    %mul3A_106 = vector.broadcast %mul3A_14 : vector<128x1xf32> to vector<128x1024xf32>
    %mul3A_107 = arith.mulf %get3A_105, %mul3A_106 : vector<128x1024xf32>
    %add3A_108 = vector.broadcast %sub3A_19 : vector<128x1xf32> to vector<128x1024xf32>
    %add3A_109 = arith.addf %mul3A_107, %add3A_108 : vector<128x1024xf32>
    %max3A_110 = arith.constant 0.000000e+00 : f32
    %max3A_111 = vector.broadcast %max3A_110 : f32 to vector<128x1024xf32>
    %max3A_112 = arith.maximumf %add3A_109, %max3A_111 : vector<128x1024xf32>
    %swap3A_113 = arith.constant 2 : index
    %swap3A_114 = arith.constant 0 : index
    %swap3A_115 = arith.constant 0 : index
    %swap3A_116 = vector.load %arg5[%swap3A_113, %swap3A_114, %swap3A_115] : memref<8x256x1024xf32, #tpu.memory_space<vmem>>, vector<1x128x1024xf32>
    %swap3A_117 = vector.shape_cast %swap3A_116 : vector<1x128x1024xf32> to vector<128x1024xf32>
    %swap3A_118 = vector.shape_cast %max3A_112 : vector<128x1024xf32> to vector<1x128x1024xf32>
    tpu.vector_store %arg5[%swap3A_113, %swap3A_114, %swap3A_115], %swap3A_118 {strides = array<i32>} : memref<8x256x1024xf32, #tpu.memory_space<vmem>>, vector<1x128x1024xf32>,
    %swap3A_119 = arith.constant 2 : index
    %swap3A_120 = arith.constant 128 : index
    %swap3A_121 = arith.constant 0 : index
    %swap3A_122 = vector.load %arg5[%swap3A_119, %swap3A_120, %swap3A_121] : memref<8x256x1024xf32, #tpu.memory_space<vmem>>, vector<1x128x1024xf32>
    %swap3A_123 = vector.shape_cast %swap3A_122 : vector<1x128x1024xf32> to vector<128x1024xf32>
    %swap3A_124 = vector.shape_cast %max3A_53 : vector<128x1024xf32> to vector<1x128x1024xf32>
    tpu.vector_store %arg5[%swap3A_119, %swap3A_120, %swap3A_121], %swap3A_124 {strides = array<i32>} : memref<8x256x1024xf32, #tpu.memory_space<vmem>>, vector<1x128x1024xf32>,
    %get3A_125 = arith.constant 3 : index
    %get3A_126 = arith.constant 0 : index
    %get3A_127 = arith.constant 0 : index
    %get3A_128 = vector.load %arg1[%get3A_125, %get3A_126, %get3A_127] : memref<8x128x1024xf32, #tpu.memory_space<vmem>>, vector<1x128x1024xf32>
    %get3A_129 = vector.shape_cast %get3A_128 : vector<1x128x1024xf32> to vector<128x1024xf32>
    %mul3A_130 = vector.broadcast %mul3A_14 : vector<128x1xf32> to vector<128x1024xf32>
    %mul3A_131 = arith.mulf %get3A_129, %mul3A_130 : vector<128x1024xf32>
    %add3A_132 = vector.broadcast %sub3A_19 : vector<128x1xf32> to vector<128x1024xf32>
    %add3A_133 = arith.addf %mul3A_131, %add3A_132 : vector<128x1024xf32>
    %max3A_134 = arith.constant 0.000000e+00 : f32
    %max3A_135 = vector.broadcast %max3A_134 : f32 to vector<128x1024xf32>
    %max3A_136 = arith.maximumf %add3A_133, %max3A_135 : vector<128x1024xf32>
    %swap3A_137 = arith.constant 3 : index
    %swap3A_138 = arith.constant 0 : index
    %swap3A_139 = arith.constant 0 : index
    %swap3A_140 = vector.load %arg5[%swap3A_137, %swap3A_138, %swap3A_139] : memref<8x256x1024xf32, #tpu.memory_space<vmem>>, vector<1x128x1024xf32>
    %swap3A_141 = vector.shape_cast %swap3A_140 : vector<1x128x1024xf32> to vector<128x1024xf32>
    %swap3A_142 = vector.shape_cast %max3A_136 : vector<128x1024xf32> to vector<1x128x1024xf32>
    tpu.vector_store %arg5[%swap3A_137, %swap3A_138, %swap3A_139], %swap3A_142 {strides = array<i32>} : memref<8x256x1024xf32, #tpu.memory_space<vmem>>, vector<1x128x1024xf32>,
    %swap3A_143 = arith.constant 3 : index
    %swap3A_144 = arith.constant 128 : index
    %swap3A_145 = arith.constant 0 : index
    %swap3A_146 = vector.load %arg5[%swap3A_143, %swap3A_144, %swap3A_145] : memref<8x256x1024xf32, #tpu.memory_space<vmem>>, vector<1x128x1024xf32>
    %swap3A_147 = vector.shape_cast %swap3A_146 : vector<1x128x1024xf32> to vector<128x1024xf32>
    %swap3A_148 = vector.shape_cast %max3A_53 : vector<128x1024xf32> to vector<1x128x1024xf32>
    tpu.vector_store %arg5[%swap3A_143, %swap3A_144, %swap3A_145], %swap3A_148 {strides = array<i32>} : memref<8x256x1024xf32, #tpu.memory_space<vmem>>, vector<1x128x1024xf32>,
    %get3A_149 = arith.constant 4 : index
    %get3A_150 = arith.constant 0 : index
    %get3A_151 = arith.constant 0 : index
    %get3A_152 = vector.load %arg1[%get3A_149, %get3A_150, %get3A_151] : memref<8x128x1024xf32, #tpu.memory_space<vmem>>, vector<1x128x1024xf32>
    %get3A_153 = vector.shape_cast %get3A_152 : vector<1x128x1024xf32> to vector<128x1024xf32>
    %mul3A_154 = vector.broadcast %mul3A_14 : vector<128x1xf32> to vector<128x1024xf32>
    %mul3A_155 = arith.mulf %get3A_153, %mul3A_154 : vector<128x1024xf32>
    %add3A_156 = vector.broadcast %sub3A_19 : vector<128x1xf32> to vector<128x1024xf32>
    %add3A_157 = arith.addf %mul3A_155, %add3A_156 : vector<128x1024xf32>
    %max3A_158 = arith.constant 0.000000e+00 : f32
    %max3A_159 = vector.broadcast %max3A_158 : f32 to vector<128x1024xf32>
    %max3A_160 = arith.maximumf %add3A_157, %max3A_159 : vector<128x1024xf32>
    %swap3A_161 = arith.constant 4 : index
    %swap3A_162 = arith.constant 0 : index
    %swap3A_163 = arith.constant 0 : index
    %swap3A_164 = vector.load %arg5[%swap3A_161, %swap3A_162, %swap3A_163] : memref<8x256x1024xf32, #tpu.memory_space<vmem>>, vector<1x128x1024xf32>
    %swap3A_165 = vector.shape_cast %swap3A_164 : vector<1x128x1024xf32> to vector<128x1024xf32>
    %swap3A_166 = vector.shape_cast %max3A_160 : vector<128x1024xf32> to vector<1x128x1024xf32>
    tpu.vector_store %arg5[%swap3A_161, %swap3A_162, %swap3A_163], %swap3A_166 {strides = array<i32>} : memref<8x256x1024xf32, #tpu.memory_space<vmem>>, vector<1x128x1024xf32>,
    %swap3A_167 = arith.constant 4 : index
    %swap3A_168 = arith.constant 128 : index
    %swap3A_169 = arith.constant 0 : index
    %swap3A_170 = vector.load %arg5[%swap3A_167, %swap3A_168, %swap3A_169] : memref<8x256x1024xf32, #tpu.memory_space<vmem>>, vector<1x128x1024xf32>
    %swap3A_171 = vector.shape_cast %swap3A_170 : vector<1x128x1024xf32> to vector<128x1024xf32>
    %swap3A_172 = vector.shape_cast %max3A_53 : vector<128x1024xf32> to vector<1x128x1024xf32>
    tpu.vector_store %arg5[%swap3A_167, %swap3A_168, %swap3A_169], %swap3A_172 {strides = array<i32>} : memref<8x256x1024xf32, #tpu.memory_space<vmem>>, vector<1x128x1024xf32>,
    %get3A_173 = arith.constant 5 : index
    %get3A_174 = arith.constant 0 : index
    %get3A_175 = arith.constant 0 : index
    %get3A_176 = vector.load %arg1[%get3A_173, %get3A_174, %get3A_175] : memref<8x128x1024xf32, #tpu.memory_space<vmem>>, vector<1x128x1024xf32>
    %get3A_177 = vector.shape_cast %get3A_176 : vector<1x128x1024xf32> to vector<128x1024xf32>
    %mul3A_178 = vector.broadcast %mul3A_14 : vector<128x1xf32> to vector<128x1024xf32>
    %mul3A_179 = arith.mulf %get3A_177, %mul3A_178 : vector<128x1024xf32>
    %add3A_180 = vector.broadcast %sub3A_19 : vector<128x1xf32> to vector<128x1024xf32>
    %add3A_181 = arith.addf %mul3A_179, %add3A_180 : vector<128x1024xf32>
    %max3A_182 = arith.constant 0.000000e+00 : f32
    %max3A_183 = vector.broadcast %max3A_182 : f32 to vector<128x1024xf32>
    %max3A_184 = arith.maximumf %add3A_181, %max3A_183 : vector<128x1024xf32>
    %swap3A_185 = arith.constant 5 : index
    %swap3A_186 = arith.constant 0 : index
    %swap3A_187 = arith.constant 0 : index
    %swap3A_188 = vector.load %arg5[%swap3A_185, %swap3A_186, %swap3A_187] : memref<8x256x1024xf32, #tpu.memory_space<vmem>>, vector<1x128x1024xf32>
    %swap3A_189 = vector.shape_cast %swap3A_188 : vector<1x128x1024xf32> to vector<128x1024xf32>
    %swap3A_190 = vector.shape_cast %max3A_184 : vector<128x1024xf32> to vector<1x128x1024xf32>
    tpu.vector_store %arg5[%swap3A_185, %swap3A_186, %swap3A_187], %swap3A_190 {strides = array<i32>} : memref<8x256x1024xf32, #tpu.memory_space<vmem>>, vector<1x128x1024xf32>,
    %swap3A_191 = arith.constant 5 : index
    %swap3A_192 = arith.constant 128 : index
    %swap3A_193 = arith.constant 0 : index
    %swap3A_194 = vector.load %arg5[%swap3A_191, %swap3A_192, %swap3A_193] : memref<8x256x1024xf32, #tpu.memory_space<vmem>>, vector<1x128x1024xf32>
    %swap3A_195 = vector.shape_cast %swap3A_194 : vector<1x128x1024xf32> to vector<128x1024xf32>
    %swap3A_196 = vector.shape_cast %max3A_53 : vector<128x1024xf32> to vector<1x128x1024xf32>
    tpu.vector_store %arg5[%swap3A_191, %swap3A_192, %swap3A_193], %swap3A_196 {strides = array<i32>} : memref<8x256x1024xf32, #tpu.memory_space<vmem>>, vector<1x128x1024xf32>,
    %get3A_197 = arith.constant 6 : index
    %get3A_198 = arith.constant 0 : index
    %get3A_199 = arith.constant 0 : index
    %get3A_200 = vector.load %arg1[%get3A_197, %get3A_198, %get3A_199] : memref<8x128x1024xf32, #tpu.memory_space<vmem>>, vector<1x128x1024xf32>
    %get3A_201 = vector.shape_cast %get3A_200 : vector<1x128x1024xf32> to vector<128x1024xf32>
    %mul3A_202 = vector.broadcast %mul3A_14 : vector<128x1xf32> to vector<128x1024xf32>
    %mul3A_203 = arith.mulf %get3A_201, %mul3A_202 : vector<128x1024xf32>
    %add3A_204 = vector.broadcast %sub3A_19 : vector<128x1xf32> to vector<128x1024xf32>
    %add3A_205 = arith.addf %mul3A_203, %add3A_204 : vector<128x1024xf32>
    %max3A_206 = arith.constant 0.000000e+00 : f32
    %max3A_207 = vector.broadcast %max3A_206 : f32 to vector<128x1024xf32>
    %max3A_208 = arith.maximumf %add3A_205, %max3A_207 : vector<128x1024xf32>
    %swap3A_209 = arith.constant 6 : index
    %swap3A_210 = arith.constant 0 : index
    %swap3A_211 = arith.constant 0 : index
    %swap3A_212 = vector.load %arg5[%swap3A_209, %swap3A_210, %swap3A_211] : memref<8x256x1024xf32, #tpu.memory_space<vmem>>, vector<1x128x1024xf32>
    %swap3A_213 = vector.shape_cast %swap3A_212 : vector<1x128x1024xf32> to vector<128x1024xf32>
    %swap3A_214 = vector.shape_cast %max3A_208 : vector<128x1024xf32> to vector<1x128x1024xf32>
    tpu.vector_store %arg5[%swap3A_209, %swap3A_210, %swap3A_211], %swap3A_214 {strides = array<i32>} : memref<8x256x1024xf32, #tpu.memory_space<vmem>>, vector<1x128x1024xf32>,
    %swap3A_215 = arith.constant 6 : index
    %swap3A_216 = arith.constant 128 : index
    %swap3A_217 = arith.constant 0 : index
    %swap3A_218 = vector.load %arg5[%swap3A_215, %swap3A_216, %swap3A_217] : memref<8x256x1024xf32, #tpu.memory_space<vmem>>, vector<1x128x1024xf32>
    %swap3A_219 = vector.shape_cast %swap3A_218 : vector<1x128x1024xf32> to vector<128x1024xf32>
    %swap3A_220 = vector.shape_cast %max3A_53 : vector<128x1024xf32> to vector<1x128x1024xf32>
    tpu.vector_store %arg5[%swap3A_215, %swap3A_216, %swap3A_217], %swap3A_220 {strides = array<i32>} : memref<8x256x1024xf32, #tpu.memory_space<vmem>>, vector<1x128x1024xf32>,
    %get3A_221 = arith.constant 7 : index
    %get3A_222 = arith.constant 0 : index
    %get3A_223 = arith.constant 0 : index
    %get3A_224 = vector.load %arg1[%get3A_221, %get3A_222, %get3A_223] : memref<8x128x1024xf32, #tpu.memory_space<vmem>>, vector<1x128x1024xf32>
    %get3A_225 = vector.shape_cast %get3A_224 : vector<1x128x1024xf32> to vector<128x1024xf32>
    %mul3A_226 = vector.broadcast %mul3A_14 : vector<128x1xf32> to vector<128x1024xf32>
    %mul3A_227 = arith.mulf %get3A_225, %mul3A_226 : vector<128x1024xf32>
    %add3A_228 = vector.broadcast %sub3A_19 : vector<128x1xf32> to vector<128x1024xf32>
    %add3A_229 = arith.addf %mul3A_227, %add3A_228 : vector<128x1024xf32>
    %max3A_230 = arith.constant 0.000000e+00 : f32
    %max3A_231 = vector.broadcast %max3A_230 : f32 to vector<128x1024xf32>
    %max3A_232 = arith.maximumf %add3A_229, %max3A_231 : vector<128x1024xf32>
    %swap3A_233 = arith.constant 7 : index
    %swap3A_234 = arith.constant 0 : index
    %swap3A_235 = arith.constant 0 : index
    %swap3A_236 = vector.load %arg5[%swap3A_233, %swap3A_234, %swap3A_235] : memref<8x256x1024xf32, #tpu.memory_space<vmem>>, vector<1x128x1024xf32>
    %swap3A_237 = vector.shape_cast %swap3A_236 : vector<1x128x1024xf32> to vector<128x1024xf32>
    %swap3A_238 = vector.shape_cast %max3A_232 : vector<128x1024xf32> to vector<1x128x1024xf32>
    tpu.vector_store %arg5[%swap3A_233, %swap3A_234, %swap3A_235], %swap3A_238 {strides = array<i32>} : memref<8x256x1024xf32, #tpu.memory_space<vmem>>, vector<1x128x1024xf32>,
    %swap3A_239 = arith.constant 7 : index
    %swap3A_240 = arith.constant 128 : index
    %swap3A_241 = arith.constant 0 : index
    %swap3A_242 = vector.load %arg5[%swap3A_239, %swap3A_240, %swap3A_241] : memref<8x256x1024xf32, #tpu.memory_space<vmem>>, vector<1x128x1024xf32>
    %swap3A_243 = vector.shape_cast %swap3A_242 : vector<1x128x1024xf32> to vector<128x1024xf32>
    %swap3A_244 = vector.shape_cast %max3A_53 : vector<128x1024xf32> to vector<1x128x1024xf32>
    tpu.vector_store %arg5[%swap3A_239, %swap3A_240, %swap3A_241], %swap3A_244 {strides = array<i32>} : memref<8x256x1024xf32, #tpu.memory_space<vmem>>, vector<1x128x1024xf32>,
    return
  }
  func.func @transform_0(%arg0: i32) -> (i32, i32, i32) {
    %c0_i32 = arith.constant 0 : i32
    %c0_i32_0 = arith.constant 0 : i32
    %c0_i32_1 = arith.constant 0 : i32
    return %arg0, %c0_i32, %c0_i32_0 : i32, i32, i32
  }
  func.func @transform_1(%arg0: i32) -> (i32, i32, i32) {
    %jit3A = arith.constant 1 : i32
    %div3A = arith.divsi %arg0, %jit3A : i32
    %sign3A = arith.constant 0 : i32
    %sign3A_0 = arith.cmpi sgt, %arg0, %sign3A : i32
    %sign3A_1 = arith.extui %sign3A_0 : i1 to i32
    %sign3A_2 = arith.constant 0 : i32
    %sign3A_3 = arith.cmpi slt, %arg0, %sign3A_2 : i32
    %sign3A_4 = arith.extui %sign3A_3 : i1 to i32
    %sign3A_5 = arith.subi %sign3A_1, %sign3A_4 : i32
    %sign3A_6 = arith.constant 0 : i32
    %sign3A_7 = arith.cmpi sgt, %jit3A, %sign3A_6 : i32
    %sign3A_8 = arith.extui %sign3A_7 : i1 to i32
    %sign3A_9 = arith.constant 0 : i32
    %sign3A_10 = arith.cmpi slt, %jit3A, %sign3A_9 : i32
    %sign3A_11 = arith.extui %sign3A_10 : i1 to i32
    %sign3A_12 = arith.subi %sign3A_8, %sign3A_11 : i32
    %ne3A = arith.cmpi ne, %sign3A_5, %sign3A_12 : i32
    %rem3A = arith.remsi %arg0, %jit3A : i32
    %ne3A_13 = arith.constant 0 : i32
    %ne3A_14 = arith.cmpi ne, %rem3A, %ne3A_13 : i32
    %and3A = arith.andi %ne3A, %ne3A_14 : i1
    %sub3A = arith.constant 1 : i32
    %sub3A_15 = arith.subi %div3A, %sub3A : i32
    %select_n3A = arith.select %and3A, %sub3A_15, %div3A : i32
    %c0_i32 = arith.constant 0 : i32
    %c0_i32_16 = arith.constant 0 : i32
    %c0_i32_17 = arith.constant 0 : i32
    return %select_n3A, %c0_i32, %c0_i32_16 : i32, i32, i32
  }
  func.func @transform_2(%arg0: i32) -> (i32, i32) {
    %c0_i32 = arith.constant 0 : i32
    %c0_i32_0 = arith.constant 0 : i32
    %c0_i32_1 = arith.constant 0 : i32
    return %c0_i32, %c0_i32_0 : i32, i32
  }
  func.func @transform_3(%arg0: i32) -> (i32, i32) {
    %c0_i32 = arith.constant 0 : i32
    %c0_i32_0 = arith.constant 0 : i32
    %c0_i32_1 = arith.constant 0 : i32
    return %c0_i32, %c0_i32_0 : i32, i32
  }
  func.func @transform_4(%arg0: i32) -> (i32, i32, i32) {
    %c0_i32 = arith.constant 0 : i32
    %c0_i32_0 = arith.constant 0 : i32
    %c0_i32_1 = arith.constant 0 : i32
    return %arg0, %c0_i32, %c0_i32_0 : i32, i32, i32
  }
}

</mosaic_0001>

<sc_bundles>
// kernel: kernel.8.cloned.1.call-start
scs
__scs_entry_jumppad:
0x0: {  	(pc) =	sbr.rel $0x88, $3  }
0x1: {  	(tag) =	ssettag $0x0;
	lr =	simm.s32 $0x1  }
0x2: {  	[smem:$0x3F93] =	sst lr;
	_ =	strace $0xD0000000  }
0x3: {  	_ = 	snop  }
0x4: {  	_ = 	snop  }
0x5: {  	_ = 	snop  }
0x6: {  	_ = 	snop  }
0x7: {  	_ = 	snop  }
__scs_overlays_trampoline_lowered:
0x8: {  	[smem:$0x3FA2] =	sst s0  }
0x9: {  	[smem:$0x3FA3] =	sst s1  }
0xa: {  	[smem:$0x3FA4] =	sst s2  }
0xb: {  	[smem:$0x3FA5] =	sst s3  }
0xc: {  	[smem:$0x3FA6] =	sst s4  }
0xd: {  	[smem:$0x3FA7] =	sst s5  }
0xe: {  	[smem:$0x3FA8] =	sst s6  }
0xf: {  	[smem:$0x3FA9] =	sst s7  }
0x10: {  	[smem:$0x3FAA] =	sst s8  }
0x11: {  	[smem:$0x3FAB] =	sst s9;
	s0 =	simm.s32 @!p0 $0x0  }
0x12: {  	s1 =	sld [smem:$0x3F91];
	s0 =	simm.s32 @p0 $0x1  }
0x13: {  	[smem:$0x3FAC] =	sst s0;
	s0 =	simm.s32 @!p1 $0x0  }
0x14: {  	s2 =	sld [smem:$0x3F90];
	s0 =	simm.s32 @p1 $0x1  }
0x15: {  	[smem:$0x3FAD] =	sst s0;
	s0 =	simm.s32 @!p2 $0x0  }
0x16: {  	s3 =	sld [smem:$0x3FDB];
	s0 =	simm.s32 @p2 $0x1  }
0x17: {  	s4 =	simm.s32 $0x1BF5;
	[smem:$0x3FAF] =	sst s0  }
0x18: {  	s0 =	sld [smem:$0x3F92];
	_ =	swait.ge [sflag:s4], $0x0  }
0x19: {  	s7 =	sld [smem:$0x3F93]  }
0x1a: {  	s8 =	sadd.s32 $0xFFFFE003, lr  }
0x1b: {  	s9 =	sadd.s32 $0xFFFFFEF7, lr;
	s5 =	simm.s32 $0xFFFFFFFF;
	p2 =	slt.u32 s8, $0xFFFFF086  }
0x1c: {  	p1 =	slt.u32 s9, $0xF7A;
	s5 =	simm.s32 @!p2 $0x0  }
0x1d: {  	s5 =	simm.s32 @p1 $0x1;
	p0 =	seq.s32 s7, s2  }
0x1e: {  	s7 =	smul.u32 @!p0 $0xF7A, s2;
	p2 =	seq.s32 @!p0 s5, $0x0  }
0x1f: {  	s9 =	smul.u32 $0xF7A, s1;
	s8 =	simm.s32 @!p0 $0x1BF5;
	p2 =	por !p2, p0  }
0x20: {  	[sflag:s8] =	ssyncset.s32 @!p0 $0xFFFFF086;
	s6 =	sadd.s32 @!p0 s3, s7;
	s7 =	simm.s32 @!p0 $0x108  }
0x21: {  	s3 =	sadd.s32 s3, s9;
	s6 =	sadd.s32 @!p0 $0x88, s6;
	s7 =	simm.s32 @p2 $0x1082  }
0x22: {  	[simem:s7], [sflag:s8] =	dma.local @!p0 [hbm:s6], $0xF7A  }
0x23: {  	s9 =	sor.u32 $0xD0000000, s2;
	s6 =	simm.s32 $0x108;
	_ =	swait.ge @!p0 [sflag:s8], $0x0  }
0x24: {  	s3 =	sadd.s32 $0x88, s3;
	s6 =	simm.s32 @!p1 $0x1082;
	[sflag:s4] =	ssyncset.s32 $0xFFFFF086  }
0x25: {  	[simem:s6], [sflag:s4] =	dma.local [hbm:s3], $0xF7A  }
0x26: {  	[smem:$0x3F93] =	sst s1;
	(tag) =	ssettag s2;
	_ =	strace s9  }
0x27: {  	s1 =	sld [smem:$0x3FA3]  }
0x28: {  	s2 =	sld [smem:$0x3FA4]  }
0x29: {  	s4 =	sld [smem:$0x3FA6]  }
0x2a: {  	p0 =	seq.s32 s5, $0x0;
	s5 =	sld [smem:$0x3FA7]  }
0x2b: {  	s6 =	sld [smem:$0x3FA8]  }
0x2c: {  	s7 =	sld [smem:$0x3FA9]  }
0x2d: {  	s3 =	simm.s32 $0x108;
	s8 =	sld [smem:$0x3FAA]  }
0x2e: {  	s3 =	simm.s32 @!p0 $0x1082;
	s9 =	sld [smem:$0x3FAB]  }
0x2f: {  	lr =	sadd.s32 s0, s3;
	s0 =	sld [smem:$0x3FA2]  }
0x30: {  	s3 =	sld [smem:$0x3FA5]  }
0x31: {  	[smem:$0x3FAE] =	sst s10  }
0x32: {  	s10 =	sld [smem:$0x3FAC];
	_ =	sdelay $0x3  }
0x33: {  	p0 =	seq.s32 s10, $0x1;
	s10 =	sld [smem:$0x3FAE];
	_ =	sdelay $0x3  }
0x34: {  	[smem:$0x3FAE] =	sst s10  }
0x35: {  	s10 =	sld [smem:$0x3FAD];
	_ =	sdelay $0x3  }
0x36: {  	p1 =	seq.s32 s10, $0x1;
	s10 =	sld [smem:$0x3FAE];
	_ =	sdelay $0x3  }
0x37: {  	[smem:$0x3FAE] =	sst s10  }
0x38: {  	s10 =	sld [smem:$0x3FAF]  }
0x39: {  	_ = 	snop;
	(pc) =	sbr.ind lr, $3  }
0x3a: {  	_ = 	snop  }
0x3b: {  	_ = 	snop  }
0x3c: {  	p2 =	seq.s32 s10, $0x1;
	s10 =	sld [smem:$0x3FAE]  }
0x3d: {  	_ =	shalt  }
0x3e: {  	_ =	shalt  }
0x3f: {  	_ =	shalt  }
0x40: {  	_ =	shalt  }
0x41: {  	_ =	shalt  }
0x42: {  	_ =	shalt  }
0x43: {  	_ =	shalt  }
0x44: {  	_ =	shalt  }
0x45: {  	_ =	shalt  }
0x46: {  	_ =	shalt  }
0x47: {  	_ =	shalt  }
0x48: {  	_ =	shalt  }
0x49: {  	_ =	shalt  }
0x4a: {  	_ =	shalt  }
0x4b: {  	_ =	shalt  }
0x4c: {  	_ =	shalt  }
0x4d: {  	_ =	shalt  }
0x4e: {  	_ =	shalt  }
0x4f: {  	_ =	shalt  }
0x50: {  	_ =	shalt  }
0x51: {  	_ =	shalt  }
0x52: {  	_ =	shalt  }
0x53: {  	_ =	shalt  }
0x54: {  	_ =	shalt  }
0x55: {  	_ =	shalt  }
0x56: {  	_ =	shalt  }
0x57: {  	_ =	shalt  }
0x58: {  	_ =	shalt  }
0x59: {  	_ =	shalt  }
0x5a: {  	_ =	shalt  }
0x5b: {  	_ =	shalt  }
0x5c: {  	_ =	shalt  }
0x5d: {  	_ =	shalt  }
0x5e: {  	_ =	shalt  }
0x5f: {  	_ =	shalt  }
0x60: {  	_ =	shalt  }
0x61: {  	_ =	shalt  }
0x62: {  	_ =	shalt  }
0x63: {  	_ =	shalt  }
0x64: {  	_ =	shalt  }
0x65: {  	_ =	shalt  }
0x66: {  	_ =	shalt  }
0x67: {  	_ =	shalt  }
0x68: {  	_ =	shalt  }
0x69: {  	_ =	shalt  }
0x6a: {  	_ =	shalt  }
0x6b: {  	_ =	shalt  }
0x6c: {  	_ =	shalt  }
0x6d: {  	_ =	shalt  }
0x6e: {  	_ =	shalt  }
0x6f: {  	_ =	shalt  }
0x70: {  	_ =	shalt  }
0x71: {  	_ =	shalt  }
0x72: {  	_ =	shalt  }
0x73: {  	_ =	shalt  }
0x74: {  	_ =	shalt  }
0x75: {  	_ =	shalt  }
0x76: {  	_ =	shalt  }
0x77: {  	_ =	shalt  }
0x78: {  	_ =	shalt  }
0x79: {  	_ =	shalt  }
0x7a: {  	_ =	shalt  }
0x7b: {  	_ =	shalt  }
0x7c: {  	_ =	shalt  }
0x7d: {  	_ =	shalt  }
0x7e: {  	_ =	shalt  }
0x7f: {  	_ =	shalt  }
0x80: {  	_ =	shalt  }
0x81: {  	_ =	shalt  }
0x82: {  	_ =	shalt  }
0x83: {  	_ =	shalt  }
0x84: {  	_ =	shalt  }
0x85: {  	_ =	shalt  }
0x86: {  	_ =	shalt  }
0x87: {  	_ =	shalt  }
.Lfunc_end0:
.L_simem_size_0:
called_computation_lowered:
.L_overlay_start_0:
0x88: {  	s2 =	sld [smem:$0x3FD9]  }
0x89: {  	s3 =	sld [smem:$0x3FFE];
	_ =	sdelay $0x1  }
0x8a: {  	s1 =	srdreg.scid  }
0x8b: {  	s0 =	sand.u32 $0x1, s1  }
0x8c: {  	s17 =	sshll.u32 s0, $0xA;
	s2 =	sadd.s32 s3, s2  }
0x8d: {  	s2 =	sadd.s32 s2, s17  }
0x8e: {  	[smem:$0x3FBA] =	sst s2  }
0x8f: {  	_ = 	snop  }
0x90: {  	s2 =	sld [smem:$0x3FD0];
	(tm) =	ssettm $0x1  }
0x91: {  	s18 =	sld [smem:$0x3FFB];
	_ =	sdelay $0x3  }
0x92: {  	_ =	strace s18  }
0x93: {  	s3 =	sld [smem:$0x3FFC];
	_ =	sdelay $0x3  }
0x94: {  	_ =	strace s3  }
0x95: {  	s3 =	sld [smem:$0x3FFD];
	_ =	sdelay $0x3  }
0x96: {  	_ =	strace s3  }
0x97: {  	_ =	strace $0x8FFFFFFF  }
0x98: {  	s19 =	sld [smem:$0x3FDB];
	_ =	sdelay $0x1  }
0x99: {  	s4 =	simm.s32 $_scs_section_size  }
0x9a: {  	s5 =	simm.s32 $_size__tile_overlayer_lowered;
	s6 =	simm.s32 $_tile_overlayer_lowered  }
0x9b: {  	s22 =	simm.s32 $0x1BFF;
	s21 =	sshll.u32 s6, $0x1;
	s3 =	sadd.s32 s4, s19  }
0x9c: {  	s7 =	simm.s32 $0x0;
	s20 =	sshll.u32 s5, $0x1;
	s5 =	sadd.s32 s21, s3  }
0x9d: {  	[timem:s7], [sflag:s22] =	dma.local [hbm:s5], s20  }
0x9e: {  	_ =	swait.ge [sflag:s22], s20  }
0x9f: {  	s4 =	ssub.s32 $0x0, s20;
	[sflag:s22] =	ssyncset.done $0x0  }
0xa0: {  	[sflag:s22] =	ssyncadd.s32 s4;
	_ =	sdelay $0x1  }
0xa1: {  	s23 =	simm.s32 $0x1B8B  }
0xa2: {  	_ =	swait.ge [sflag:s23], $0x1  }
0xa3: {  	[sflag:s23] =	ssyncset.done $0x0  }
0xa4: {  	s25 =	simm.s32 $0x1B8E;
	s24 =	sld [smem:$0x3FFE];
	[sflag:s23] =	ssyncadd.s32 $0xFFFFFFFF  }
0xa5: {  	s26 =	simm.s32 $execute0_lowered;
	[smem:$0x3FD2] =	sst s25  }
0xa6: {  	s5 =	sshll.u32 s26, $0x1;
	_ =	strace $0x80000046;
	[dreg:$0x1] =	wrdreg $0xFFFFFFFF  }
0xa7: {  	s28 =	simm.s32 $_size_execute0_lowered;
	s3 =	sadd.s32 s3, s5;
	[dreg:$0x0] =	wrdreg $0x0  }
0xa8: {  	s5 =	sshll.u32 s28, $0x1;
	[dreg:$0x2] =	wrdreg s3  }
0xa9: {  	[dreg:$0x3] =	wrdreg s5  }
0xaa: {  	[dreg:$0x4] =	wrdreg $0xC0  }
0xab: {  	_ =	task [dreg:s7], $0x5FFFF  }
0xac: {  	[dreg:$0x1] =	wrdreg $0xFFFFFFFF  }
0xad: {  	[dreg:$0x0] =	wrdreg $0x60  }
0xae: {  	[dreg:$0x2] =	wrdreg s24  }
0xaf: {  	[dreg:$0x3] =	wrdreg s2  }
0xb0: {  	[dreg:$0x4] =	wrdreg $0x9  }
0xb1: {  	_ =	task.clear_ibuf [dreg:s7], $0x5FFFF;
	_ =	strace $0x90000046  }
0xb2: {  	s29 =	simm.s32 $0x9;
	_ =	strace $0x80000048  }
0xb3: {  	_ =	swait.ge [sflag:s29], $0x1  }
0xb4: {  	[sflag:s29] =	ssyncadd.s32 $0xFFFFFFFF  }
0xb5: {  	_ =	strace $0x90000048  }
0xb6: {  	_ =	sfence  }
0xb7: {  	s30 =	sld [smem:$0x0];
	_ =	sdelay $0x2  }
0xb8: {  	s31 =	sshll.u32 s1, $0xD;
	s1 =	sshrl.u32 s1, $0x2  }
0xb9: {  	s3 =	sand.u32 $0x4000, s31;
	s1 =	sadd.s32 s1, s30  }
0xba: {  	s0 =	sor.u32 s3, s0;
	s1 =	sshll.u32 s1, $0x11  }
0xbb: {  	s0 =	sor.u32 s1, s0  }
0xbc: {  	s0 =	sadd.s32 $0x8F2B, s0  }
0xbd: {  	[sflag:s0] =	ssyncadd.remote.s32 $0x1  }
0xbe: {  	_ =	sfence.sel $0xFFFF  }
0xbf: {  	[dreg:$0x0] =	wrdreg $0xFFFFFFFF;
	(pc) =	sbr.abs _section_cstart, $3  }
0xc0: {  	[dreg:$0x1] =	wrdreg $0xFFFFFFFF  }
0xc1: {  	_ =	task.clear_ibuf [dreg:s7], $0x2FFFF;
	_ =	strace $0x9FFFFFFF  }
0xc2: {  	(tm) =	ssettm $0x7FFFFFFF  }
0xc3: {  	_ =	shalt  }
tec
execute0_lowered:
.L_overlay_start_1:
0x0: {  	(tag) =	ssettag $0x1  }
0x1: {  	v0 =	vimm.s32 $0xEDCBA987;
	v1 =	vimm.s32 $0x65432100;
	v3 =	vimm.s32 $0xDCBA9876  }
0x2: {  	v4 =	vimm.s32 $0x54321000;
	v5 =	vimm.s32 $0xE40000;
	v0 =	vunpack.c.l.s4.s8 v0  }
0x3: {  	v6 =	vimm.s32 $0xBA987654;
	v8 =	vimm.s32 $0x87654321;
	v1 =	vunpack.c.l.s4.s8 v1  }
0x4: {  	vm0 =	vcmask $0x3F30;
	vm1 =	vcmask $0x3F08;
	v2 =	vunpack.c.0.s8.s32 v0  }
0x5: {  	v3 =	vunpack.c.l.s4.s8 v3;
	v5 =	vunpack.c.l.s2.s4 v5;
	v1 =	vunpack.c.0.s8.s32 v1  }
0x6: {  	vm2 =	vcmask $0x3F10;
	v4 =	vunpack.c.l.s4.s8 v4;
	v2 =	vand.u32 $0xF, v2  }
0x7: {  	v5 =	vunpack.c.l.s4.s8 v5;
	v1 =	vcombine.low v1, v2;
	v2 =	vunpack.c.0.s8.s32 v3  }
0x8: {  	s1 =	srdreg.scid;
	vm3 =	vcmask $0x3F20;
	v8 =	vunpack.c.l.s4.s8 v8;
	v4 =	vunpack.c.0.s8.s32 v4  }
0x9: {  	s0 =	stileid.u32;
	s4 =	rddreg [dreg:$0x0];
	v5 =	vunpack.c.0.s8.s32 v5;
	v3 =	vunpack.c.l.s4.s8 v6;
	v2 =	vand.u32 $0xF, v2  }
0xa: {  	s6 =	rddreg [dreg:$0x1];
	s9 =	simm.s32 $0x8000;
	s10 =	simm.s32 $0x0;
	v6 =	vimm.s32 $0x32100000;
	v2 =	vcombine.low v4, v2;
	v4 =	vimm.s32 $0x7060504  }
0xb: {  	s3 =	sand.u32 $0x1, s1;
	s31 =	sshll.u32 s0, $0x6;
	s1 =	rddreg [dreg:$0x2];
	v6 =	vunpack.c.l.s4.s8 v6;
	v7 =	vunpack.c.0.s8.s32 v4;
	v4 =	vimm.s32 $0xFFEDCBA9  }
0xc: {  	vm4 =	vcmask $0x3F3C;
	s2 =	sshll.u32 s3, $0x5;
	s7 =	ssub.s32 $0x2, s3;
	s3 =	sadd.s32 $0x3000, s4;
	v3 =	vunpack.c.0.s8.s32 v3;
	v9 =	vunpack.c.l.s4.s8 v4  }
0xd: {  	s5 =	sor.u32 s2, s31;
	s2 =	simm.s32 $0x0;
	s8 =	sshrl.u32 s7, $0x1;
	v8 =	vunpack.c.0.s8.s32 v8;
	v5 =	vand.u32 $0x3, v5;
	v6 =	vunpack.c.0.s8.s32 v6  }
0xe: {  	s4 =	sadd.s32 $0x2800, s4;
	[smem:$0x7FF] =	sst s2;
	s7 =	ssub.s32 s7, s8;
	v3 =	vand.u32 $0xF, v3;
	v5 =	vsel vm0, v7, v5;
	v7 =	vunpack.c.0.s8.s32 v9  }
0xf: {  	v0 =	vmov s5;
	s5 =	sshll.u32 s5, $0x7;
	s8 =	simm.s32 $0x4000;
	_ =	strace $0x80000047;
	v3 =	vcombine.low v6, v3;
	v4 =	vimm.f32 $0.0e+00  }
0x10: {  	s5 =	sadd.s32 s6, s5;
	s6 =	smax.u32 s7, $0x1;
	s7 =	simm.s32 $0x1;
	v6 =	vimm.f32 $1.000000000e+00;
	vm0 =	vcmask $0x3F04;
	v7 =	vcombine.low v8, v7  }
.LBB2_1:
0x11: {  	[tilespmem:s2], [sflag:$0x1] =	stream.linear.gather [hbm4b:s3+s2], $0x4000, $0x38;
	[tilespmem:$0x10000] =	vst v63  }
0x12: {  	_ =	swait.ge [sflag:s7], $0x4000  }
0x13: {  	[sflag:s7] =	ssyncset.done $0x0  }
0x14: {  	[sflag:s7] =	ssyncadd.s32 $0xFFFFC000  }
0x15: {  	[tilespmem:s8], [sflag:$0x1] =	stream.linear.gather [hbm4b:s4+s2], $0x4000, $0x38;
	[tilespmem:$0x10000] =	vst v63  }
0x16: {  	_ =	swait.ge [sflag:s7], $0x4000  }
0x17: {  	[sflag:s7] =	ssyncset.done $0x0  }
0x18: {  	s11 =	simm.s32 $0x0;
	[sflag:s7] =	ssyncadd.s32 $0xFFFFC000  }
.LBB2_2:
0x19: {  	s12 =	sshll.u32 s11, $0xA;
	s13 =	sshll.u32 s11, $0x7  }
0x1a: {  	s12 =	sand.u32 $0x6000, s12;
	s13 =	sand.u32 $0x380, s13  }
0x1b: {  	s13 =	sor.u32 s13, s12;
	s12 =	simm.s32 $0x0  }
0x1c: {  	s13 =	sor.u32 $0x8000, s13;
	s14 =	sand.u32 $0x1C00, s12  }
0x1d: {  	s15 =	sand.u32 $0x70, s12;
	s16 =	sadd.s32 s14, s13  }
0x1e: {  	s14 =	simm.s32 $0x10;
	s15 =	sadd.s32 s15, s16  }
.LBB2_3:
0x1f: {  	p0 =	sne.s32 s14, $0x3F0  }
0x20: {  	[tilespmem:s15+$0x0] =	vst v4;
	s12 =	sadd.s32 $0x80, s12;
	s15 =	smov.u32 s14;
	s14 =	sadd.s32 $0x10, s14  }
.Ltmp0:
0x21: {  	(pc) =	sbr.rel @p0 .LBB2_3-.Ltmp0, $4  }
0x22: {  	_ = 	snop  }
0x23: {  	s16 =	sand.u32 $0x1C00, s12  }
0x24: {  	s15 =	sand.u32 $0x70, s15;
	s16 =	sadd.s32 s16, s13  }
0x25: {  	s15 =	sadd.s32 s15, s16  }
0x26: {  	s11 =	sadd.s32 $0x1, s11  }
0x27: {  	p0 =	sne.s32 s11, $0x20  }
.Ltmp1:
0x28: {  	_ = 	snop;
	(pc) =	sbr.rel @p0 .LBB2_2-.Ltmp1, $2  }
0x29: {  	_ =	sdelay $0x2  }
0x2a: {  	[tilespmem:s15+$0x0] =	vst v4  }
0x2b: {  	s12 =	simm.s32 $0x0;
	s11 =	simm.s32 $0x40  }
.LBB2_6:
0x2c: {  	p0 =	sne.s32 s11, $0xFFC0;
	v8 =	vld [tilespmem:s12+$0x4000];
	_ =	sdelay $0x1  }
0x2d: {  	v9 =	vld [tilespmem:s12+$0x0];
	_ =	sdelay $0x2  }
0x2e: {  	v8 =	vsub.s32 v8, v0  }
0x2f: {  	v10 =	vshll.u32 v8, $0xA  }
0x30: {  	v9 =	vadd.s32 v9, v10  }
0x31: {  	vm5 =	vlt.u32 v8, $0x20;
	v8 =	vxor.u32 $0x80000000, v9  }
0x32: {  	v8 =	vnsel vm5, $0xC0000000, v8  }
0x33: {  	(xrf1) =	vsort.ascd.msk.u32 $0xffff, v8, v6;
	_ =	sdelay $0xd  }
0x34: {  	v8, v9, _ =	vpop (xrf1)  }
0x35: {  	v10 =	vxor.u32 $0x80000000, v8  }
0x36: {  	v11 =	vperm.xlane v10, v1;
	_ =	sdelay $0x1  }
0x37: {  	v12 =	vperm.xlane v9, v1;
	vm5 =	veq.s32 v11, v10  }
0x38: {  	vm5 =	vmand vm5, vm0  }
0x39: {  	v11 =	vnsel vm5, $0x0, v12  }
0x3a: {  	v9 =	vadd.f32 v11, v9;
	v11 =	vperm.xlane v10, v2  }
0x3b: {  	v8 =	vand.u32 $0x3FF, v8  }
0x3c: {  	v12 =	vperm.xlane v9, v2;
	vm5 =	veq.s32 v11, v10;
	v11 =	vperm.xlane v10, v7  }
0x3d: {  	v13 =	vperm.xlane v10, v3;
	v14 =	vperm.xlane v10, v5;
	vm5 =	vmand vm5, vm1  }
0x3e: {  	vm6 =	vlt.s32 v10, $0x8000;
	v12 =	vnsel vm5, $0x0, v12;
	vm5 =	vne.s32 v10, v11  }
0x3f: {  	vm7 =	veq.s32 v13, v10;
	v9 =	vadd.f32 v9, v12;
	vm5 =	vmor vm5, vm4  }
0x40: {  	vm7 =	vmand vm7, vm2;
	v11 =	vshra.s32 v10, $0xA;
	vm5 =	vmand vm6, vm5  }
0x41: {  	v12 =	vperm.xlane v9, v3;
	v11 =	vnsel vm5, $0x0, v11;
	v8 =	vnsel vm5, $0x0, v8  }
0x42: {  	v13 =	vand.u32 $0x7F, v8;
	v8 =	vshll.u32 v8, $0x3;
	v15 =	vshll.u32 v11, $0x7  }
0x43: {  	v11 =	vshll.u32 v11, $0xA;
	v12 =	vnsel vm7, $0x0, v12;
	v8 =	vand.u32 $0x1C00, v8  }
0x44: {  	v11 =	vand.u32 $0xFFFFE000, v11;
	v9 =	vadd.f32 v9, v12;
	v8 =	vor.u32 v13, v8  }
0x45: {  	v12 =	vand.u32 $0x380, v15;
	v8 =	vor.u32 v11, v8  }
0x46: {  	vm6 =	veq.s32 v14, v10;
	v11 =	vperm.xlane v9, v5;
	v8 =	vor.u32 v12, v8  }
.Ltmp2:
0x47: {  	vm6 =	vmand vm6, vm3;
	(pc) =	sbr.rel @p0 .LBB2_6-.Ltmp2, $3  }
0x48: {  	v10 =	vnsel vm6, $0x0, v11  }
0x49: {  	v9 =	vadd.f32 v9, v10;
	_ =	sdelay $0x1  }
0x4a: {  	s12 =	sshra.s32 s11, $0x2;
	s11 =	sadd.s32 $0x40, s11;
	[tilespmem:v8+s9+$0x0] =	vst.idx.add.f32.msk vm5, v9  }
0x4b: {  	v8 =	vld [tilespmem:s12+$0x4000];
	_ =	sdelay $0x1  }
0x4c: {  	v9 =	vld [tilespmem:s12+$0x0];
	_ =	sdelay $0x2  }
0x4d: {  	v8 =	vsub.s32 v8, v0  }
0x4e: {  	v10 =	vshll.u32 v8, $0xA  }
0x4f: {  	v9 =	vadd.s32 v9, v10  }
0x50: {  	vm5 =	vlt.u32 v8, $0x20;
	v8 =	vxor.u32 $0x80000000, v9  }
0x51: {  	v8 =	vnsel vm5, $0xC0000000, v8  }
0x52: {  	(xrf1) =	vsort.ascd.msk.u32 $0xffff, v8, v6;
	_ =	sdelay $0xd  }
0x53: {  	v8, v53, _ =	vpop (xrf1)  }
0x54: {  	v54 =	vxor.u32 $0x80000000, v8  }
0x55: {  	v11 =	vperm.xlane v54, v1;
	_ =	sdelay $0x1  }
0x56: {  	v12 =	vperm.xlane v53, v1;
	vm5 =	veq.s32 v11, v54  }
0x57: {  	vm5 =	vmand vm5, vm0  }
0x58: {  	v55 =	vnsel vm5, $0x0, v12  }
0x59: {  	v56 =	vperm.xlane v54, v2;
	v9 =	vadd.f32 v55, v53  }
0x5a: {  	v8 =	vand.u32 $0x3FF, v8  }
0x5b: {  	v58 =	vperm.xlane v54, v7;
	vm5 =	veq.s32 v56, v54;
	v57 =	vperm.xlane v9, v2  }
0x5c: {  	v13 =	vperm.xlane v54, v3;
	v14 =	vperm.xlane v54, v5;
	vm5 =	vmand vm5, vm1  }
0x5d: {  	vm6 =	vlt.s32 v54, $0x8000;
	v12 =	vnsel vm5, $0x0, v57;
	vm5 =	vne.s32 v54, v58  }
0x5e: {  	vm7 =	veq.s32 v13, v54;
	v9 =	vadd.f32 v9, v12;
	vm5 =	vmor vm5, vm4  }
0x5f: {  	v59 =	vshra.s32 v54, $0xA;
	vm7 =	vmand vm7, vm2;
	vm5 =	vmand vm6, vm5  }
0x60: {  	v12 =	vperm.xlane v9, v3;
	v11 =	vnsel vm5, $0x0, v59;
	v8 =	vnsel vm5, $0x0, v8  }
0x61: {  	v60 =	vand.u32 $0x7F, v8;
	v8 =	vshll.u32 v8, $0x3;
	v15 =	vshll.u32 v11, $0x7  }
0x62: {  	v11 =	vshll.u32 v11, $0xA;
	v12 =	vnsel vm7, $0x0, v12;
	v8 =	vand.u32 $0x1C00, v8  }
0x63: {  	v11 =	vand.u32 $0xFFFFE000, v11;
	v9 =	vadd.f32 v9, v12;
	v8 =	vor.u32 v60, v8  }
0x64: {  	v61 =	vand.u32 $0x380, v15;
	v8 =	vor.u32 v11, v8  }
0x65: {  	vm6 =	veq.s32 v14, v54;
	v62 =	vperm.xlane v9, v5;
	v8 =	vor.u32 v61, v8  }
0x66: {  	vm6 =	vmand vm6, vm3  }
0x67: {  	v63 =	vnsel vm6, $0x0, v62  }
0x68: {  	s10 =	sadd.s32 $0x1, s10;
	v9 =	vadd.f32 v9, v63  }
0x69: {  	p0 =	sne.s32 s10, s6  }
.Ltmp3:
0x6a: {  	[tilespmem:v8+s9+$0x0] =	vst.idx.add.f32.msk vm5, v9;
	(pc) =	sbr.rel @p0 .LBB2_1-.Ltmp3, $4  }
0x6b: {  	[hbm4b:s5+s2] =	stream.linear.scatter [tilespmem:s9], [sflag:$0x1], $0x8000, $0x38;
	[tilespmem:$0x10000] =	vst v63  }
0x6c: {  	_ =	swait.ge [sflag:s7], $0x8000  }
0x6d: {  	[sflag:s7] =	ssyncset.done $0x0  }
0x6e: {  	[sflag:s7] =	ssyncadd.s32 $0xFFFF8000  }
0x6f: {  	_ =	sfence.sel $0x180000  }
0x70: {  	[bflag:$0x0] =	sbarrier.arrive $0xFFFF  }
0x71: {  	p0 =	sne.s32 s0, $0x0;
	_ =	strace $0x90000047  }
0x72: {  	s0 =	sadd.s32 @!p0 $0x100000, s1;
	[bflag:$0x2] =	sbarrier.arrive $0xFFFF  }
0x73: {  	[sflag:s0] =	ssyncadd.tile.s32 @!p0 $0x1;
	_ =	shalt  }
.Lfunc_end2:
_tile_overlayer_lowered:
.L_overlay_start_2:
0x74: {  	(tag) =	ssettag $0x2  }
0x75: {  	s0 =	rddreg [dreg:$0x0];
	s2 =	stileid.u32  }
0x76: {  	s1 =	rddreg [dreg:$0x1];
	p0 =	sne.s32 s2, $0x0  }
0x77: {  	s3 =	rddreg [dreg:$0x2];
	[bflag:$0x3] =	sbarrier.arrive $0xFFFF;
	s2 =	simm.s32 @!p0 $0x1C01  }
0x78: {  	[timem:s3], [sflag:s2] =	dma.local @!p0 [hbm:s0], s1  }
0x79: {  	s0 =	simm.s32 @!p0 $0x1  }
0x7a: {  	_ =	swait.ge @!p0 [sflag:s0], s1  }
0x7b: {  	s1 =	ssub.s32 @!p0 $0x0, s1;
	[sflag:s0] =	ssyncset.done @!p0 $0x0  }
0x7c: {  	[sflag:s0] =	ssyncadd.s32 @!p0 s1  }
0x7d: {  	[bflag:$0x3] =	sbarrier.arrive $0xFFFF  }
0x7e: {  	_ =	shalt  }

</sc_bundles>
